<compile_context>
chip_gen: v7x
topology: tpu7x:2x2x1
jax: 0.10.2.dev20260603
libtpu: 0.0.44.dev20260713+nightly
codegen_flags: <defaults>
</compile_context>

<pallas_src>
import functools

import jax
import jax.numpy as jnp
from jax import lax
from jax.experimental import pallas as pl
from jax.experimental.pallas import tpu as pltpu
from jax.experimental.pallas import tpu_sc as plsc

N = 10000
E = 320000
D = 128

NC = 2
NS = 16
NW = NC * NS
NPAD = 10240
HALF = NPAD // 2
SEG = NPAD // NS

_CH0 = E // NW
_KQ = 32
_PADU = 2 * _KQ
_CAPW = 10240
_EP2 = NW * _CAPW


def _part_body(row_hbm, col_hbm, hist_out, rowall_out, colall_out, lens_out,
               rowv, colv, rhist, chist, bar, bac, bbr, bbc, tbuf, lenv,
               staging):
    c = lax.axis_index("c")
    s = lax.axis_index("s")
    w = s * NC + c

    zero16 = jnp.zeros((16,), jnp.float32)

    def zero(i, _):
        rhist[pl.ds(i * 16, 16)] = zero16
        chist[pl.ds(i * 16, 16)] = zero16
        return 0

    lax.fori_loop(0, NPAD // 16, zero, 0)

    pltpu.sync_copy(row_hbm.at[pl.ds(w * _CH0, _CH0)], rowv)
    pltpu.sync_copy(col_hbm.at[pl.ds(w * _CH0, _CH0)], colv)
    ones = jnp.ones((16,), jnp.float32)

    def part(i, tails):
        ta, tb = tails
        r16 = rowv[pl.ds(i * 16, 16)]
        c16 = colv[pl.ds(i * 16, 16)]
        plsc.addupdate_scatter(rhist, [r16], ones)
        plsc.addupdate_scatter(chist, [c16], ones)
        m = r16 < HALF
        na = plsc.all_reduce_population_count(m)[0]
        plsc.store_compressed(bar.at[pl.ds(ta, 16)], r16, mask=m)
        plsc.store_compressed(bac.at[pl.ds(ta, 16)], c16, mask=m)
        mb = jnp.logical_not(m)
        plsc.store_compressed(bbr.at[pl.ds(tb, 16)], r16 - HALF, mask=mb)
        plsc.store_compressed(bbc.at[pl.ds(tb, 16)], c16, mask=mb)
        return ta + na, tb + (16 - na)

    ta, tb = lax.fori_loop(0, _CH0 // 16, part, (jnp.int32(0), jnp.int32(0)))

    zrow16 = jnp.zeros((16,), jnp.int32)
    zcol16 = jnp.full((16,), N, jnp.int32)
    for j in range(_PADU // 16):
        bar[pl.ds(ta + j * 16, 16)] = zrow16
        bac[pl.ds(ta + j * 16, 16)] = zcol16
        bbr[pl.ds(tb + j * 16, 16)] = zrow16
        bbc[pl.ds(tb + j * 16, 16)] = zcol16
    nba = (ta + _PADU - 1) // _PADU * 2
    nbb = (tb + _PADU - 1) // _PADU * 2

    pltpu.sync_copy(bar, rowall_out.at[pl.ds(w * _CAPW, _CAPW)])
    pltpu.sync_copy(bac, colall_out.at[pl.ds(w * _CAPW, _CAPW)])
    pltpu.sync_copy(bbr, rowall_out.at[pl.ds(_EP2 + w * _CAPW, _CAPW)])
    pltpu.sync_copy(bbc, colall_out.at[pl.ds(_EP2 + w * _CAPW, _CAPW)])

    iot = lax.iota(jnp.int32, 16)
    lenv[pl.ds(0, 16)] = jnp.where(iot == 0, nba, 0)
    pltpu.sync_copy(lenv, lens_out.at[pl.ds(w * 16, 16)])
    lenv[pl.ds(0, 16)] = jnp.where(iot == 0, nbb, 0)
    pltpu.sync_copy(lenv, lens_out.at[pl.ds(NW * 16 + w * 16, 16)])

    def reduce_hist(hist, out_off):
        pltpu.sync_copy(hist, staging.at[s])
        plsc.subcore_barrier()

        def zero2(i, _):
            tbuf[pl.ds(i * 16, 16)] = zero16
            return 0

        lax.fori_loop(0, SEG // 16, zero2, 0)

        def red(t, _):
            pltpu.sync_copy(staging.at[t, pl.ds(s * SEG, SEG)],
                            rhist.at[pl.ds(0, SEG)])

            def vadd(j, _):
                tbuf[pl.ds(j * 16, 16)] = (tbuf[pl.ds(j * 16, 16)]
                                           + rhist[pl.ds(j * 16, 16)])
                return 0

            lax.fori_loop(0, SEG // 16, vadd, 0)
            return 0

        lax.fori_loop(0, NS, red, 0)
        pltpu.sync_copy(tbuf, hist_out.at[pl.ds(out_off + s * SEG, SEG)])
        plsc.subcore_barrier()

    reduce_hist(rhist, c * 2 * NPAD)
    reduce_hist(chist, c * 2 * NPAD + NPAD)


_part_kernel = functools.partial(
    pl.kernel,
    mesh=plsc.VectorSubcoreMesh(core_axis_name="c", subcore_axis_name="s"),
    compiler_params=pltpu.CompilerParams(needs_layout_passes=False),
    out_type=(
        jax.ShapeDtypeStruct((NC * 2 * NPAD,), jnp.float32),
        jax.ShapeDtypeStruct((2 * _EP2,), jnp.int32),
        jax.ShapeDtypeStruct((2 * _EP2,), jnp.int32),
        jax.ShapeDtypeStruct((2 * NW * 16,), jnp.int32),
    ),
    scratch_types=[
        pltpu.VMEM((_CH0,), jnp.int32),
        pltpu.VMEM((_CH0,), jnp.int32),
        pltpu.VMEM((NPAD,), jnp.float32),
        pltpu.VMEM((NPAD,), jnp.float32),
        pltpu.VMEM((_CAPW,), jnp.int32),
        pltpu.VMEM((_CAPW,), jnp.int32),
        pltpu.VMEM((_CAPW,), jnp.int32),
        pltpu.VMEM((_CAPW,), jnp.int32),
        pltpu.VMEM((SEG,), jnp.float32),
        pltpu.VMEM((16,), jnp.int32),
        pltpu.VMEM_SHARED((NS, NPAD), jnp.float32),
    ],
)(_part_body)

_RPT = HALF // NS


def _spmm_body(tabs_hbm, rowall_hbm, colall_hbm, lens_hbm, out_hbm,
               rowv0, rowv1, colv0, colv1, rowvn0, colvn0, rowvn1, colvn1,
               lenv, zbuf, buf0, buf1, acc,
               isem0, isem1, isemn0, isemn1, gsem0, gsem1):
    c = lax.axis_index("c")
    s = lax.axis_index("s")

    def zrow(i, _):
        def zlane(j, _):
            zbuf[i, 0, pl.ds(j * 16, 16)] = jnp.zeros((16,), jnp.float32)
            zbuf[i, 1, pl.ds(j * 16, 16)] = jnp.zeros((16,), jnp.float32)
            return 0

        lax.fori_loop(0, D // 16, zlane, 0)
        return 0

    lax.fori_loop(0, _KQ, zrow, 0)

    def zcp(t, _):
        pltpu.sync_copy(zbuf, acc.at[pl.ds(s * _RPT + t * _KQ, _KQ)])
        return 0

    lax.fori_loop(0, _RPT // _KQ, zcp, 0)
    plsc.subcore_barrier()

    for q in (0, 1):
        w = 2 * s + q
        base = c * _EP2 + w * _CAPW
        pltpu.sync_copy(lens_hbm.at[pl.ds(c * NW * 16 + w * 16, 16)], lenv)
        nb = lenv[pl.ds(0, 16)][0]

        def idx_copy(b, rowv, colv, isem):
            pltpu.async_copy(rowall_hbm.at[pl.ds(base + b * _KQ, _KQ)], rowv,
                             isem)
            pltpu.async_copy(colall_hbm.at[pl.ds(base + b * _KQ, _KQ)], colv,
                             isem)

        def idx_wait(b, rowv, colv, isem):
            pltpu.make_async_copy(rowall_hbm.at[pl.ds(base + b * _KQ, _KQ)],
                                  rowv, isem).wait()
            pltpu.make_async_copy(colall_hbm.at[pl.ds(base + b * _KQ, _KQ)],
                                  colv, isem).wait()

        def gat_copy(colv, buf, gsem):
            pltpu.async_copy(tabs_hbm.at[colv], buf, gsem)

        def gat_wait(colv, buf, gsem):
            pltpu.make_async_copy(tabs_hbm.at[colv], buf, gsem).wait()

        def scat(rowv, buf):
            pltpu.sync_copy(buf, acc.at[rowv], add=True)

        def vcp(dstr, dstc, srcr, srcc):
            for j in range(_KQ // 16):
                dstr[pl.ds(j * 16, 16)] = srcr[pl.ds(j * 16, 16)]
                dstc[pl.ds(j * 16, 16)] = srcc[pl.ds(j * 16, 16)]

        idx_copy(0, rowv0, colv0, isem0)
        idx_copy(1, rowv1, colv1, isem1)
        idx_copy(2, rowvn0, colvn0, isemn0)
        idx_copy(3, rowvn1, colvn1, isemn1)
        idx_wait(0, rowv0, colv0, isem0)
        gat_copy(colv0, buf0, gsem0)
        idx_wait(1, rowv1, colv1, isem1)

        def pair(g, _):
            b0 = 2 * g
            b1 = b0 + 1
            gat_copy(colv1, buf1, gsem1)
            gat_wait(colv0, buf0, gsem0)
            scat(rowv0, buf0)
            idx_wait(b0 + 2, rowvn0, colvn0, isemn0)
            vcp(rowv0, colv0, rowvn0, colvn0)
            idx_copy(b0 + 4, rowvn0, colvn0, isemn0)
            gat_copy(colv0, buf0, gsem0)
            gat_wait(colv1, buf1, gsem1)
            scat(rowv1, buf1)
            idx_wait(b1 + 2, rowvn1, colvn1, isemn1)
            vcp(rowv1, colv1, rowvn1, colvn1)
            idx_copy(b1 + 4, rowvn1, colvn1, isemn1)
            return 0

        lax.fori_loop(0, nb // 2 - 1, pair, 0)
        gat_copy(colv1, buf1, gsem1)
        gat_wait(colv0, buf0, gsem0)
        scat(rowv0, buf0)
        gat_wait(colv1, buf1, gsem1)
        scat(rowv1, buf1)
        idx_wait(nb, rowvn0, colvn0, isemn0)
        idx_wait(nb + 1, rowvn1, colvn1, isemn1)

    plsc.subcore_barrier()
    pltpu.sync_copy(acc.at[pl.ds(s * _RPT, _RPT)],
                    out_hbm.at[pl.ds(c * HALF + s * _RPT, _RPT)])


_spmm_kernel = functools.partial(
    pl.kernel,
    mesh=plsc.VectorSubcoreMesh(core_axis_name="c", subcore_axis_name="s"),
    compiler_params=pltpu.CompilerParams(needs_layout_passes=False),
    out_type=jax.ShapeDtypeStruct((NPAD, 2, D), jnp.float32),
    scratch_types=[
        pltpu.VMEM((_KQ,), jnp.int32),
        pltpu.VMEM((_KQ,), jnp.int32),
        pltpu.VMEM((_KQ,), jnp.int32),
        pltpu.VMEM((_KQ,), jnp.int32),
        pltpu.VMEM((_KQ,), jnp.int32),
        pltpu.VMEM((_KQ,), jnp.int32),
        pltpu.VMEM((_KQ,), jnp.int32),
        pltpu.VMEM((_KQ,), jnp.int32),
        pltpu.VMEM((16,), jnp.int32),
        pltpu.VMEM((_KQ, 2, D), jnp.float32),
        pltpu.VMEM((_KQ, 2, D), jnp.float32),
        pltpu.VMEM((_KQ, 2, D), jnp.float32),
        pltpu.VMEM_SHARED((HALF, 2, D), jnp.float32),
        pltpu.SemaphoreType.DMA,
        pltpu.SemaphoreType.DMA,
        pltpu.SemaphoreType.DMA,
        pltpu.SemaphoreType.DMA,
        pltpu.SemaphoreType.DMA,
        pltpu.SemaphoreType.DMA,
    ],
)(_spmm_body)

_B2 = 2048


def _prescale_body(x_ref, dr0_ref, dr1_ref, dc0_ref, dc1_ref,
                   tabs_ref, invr_ref):
    x = x_ref[...]
    dr = dr0_ref[...] + dr1_ref[...]
    dc = dc0_ref[...] + dc1_ref[...]
    invr_ref[...] = lax.rsqrt(jnp.maximum(dr, 1.0))
    invc = lax.rsqrt(jnp.maximum(dc, 1.0))
    xs = x * invc
    tabs_ref[...] = jnp.concatenate([xs, xs * x], axis=1)


def _prescale(xp, dr0, dr1, dc0, dc1):
    return pl.pallas_call(
        _prescale_body,
        grid=(NPAD // _B2,),
        in_specs=[
            pl.BlockSpec((_B2, D), lambda i: (i, 0)),
            pl.BlockSpec((_B2, 1), lambda i: (i, 0)),
            pl.BlockSpec((_B2, 1), lambda i: (i, 0)),
            pl.BlockSpec((_B2, 1), lambda i: (i, 0)),
            pl.BlockSpec((_B2, 1), lambda i: (i, 0)),
        ],
        out_specs=[
            pl.BlockSpec((_B2, 2 * D), lambda i: (i, 0)),
            pl.BlockSpec((_B2, 1), lambda i: (i, 0)),
        ],
        out_shape=[
            jax.ShapeDtypeStruct((NPAD, 2 * D), jnp.float32),
            jax.ShapeDtypeStruct((NPAD, 1), jnp.float32),
        ],
    )(xp, dr0, dr1, dc0, dc1)


_B = 2000


def _finish_body(x_ref, a1_ref, a2_ref, invr_ref, w1_ref, w2_ref, b1_ref,
                 b2_ref, o_ref):
    invr = invr_ref[...]
    a = x_ref[...] + invr * a1_ref[...]
    b = invr * a2_ref[...]
    s = (jnp.dot(a, w1_ref[...], preferred_element_type=jnp.float32)
         + jnp.dot(b, w2_ref[...], preferred_element_type=jnp.float32)
         + 2.0 * b1_ref[...] + b2_ref[...])
    o_ref[...] = jnp.where(s >= 0, s, 0.2 * s)


def _finish(x, agg, invr, W1, W2, b1, b2):
    return pl.pallas_call(
        _finish_body,
        grid=(N // _B,),
        in_specs=[
            pl.BlockSpec((_B, D), lambda i: (i, 0)),
            pl.BlockSpec((_B, D), lambda i: (i, 0)),
            pl.BlockSpec((_B, D), lambda i: (i, 1)),
            pl.BlockSpec((_B, 1), lambda i: (i, 0)),
            pl.BlockSpec((D, D), lambda i: (0, 0)),
            pl.BlockSpec((D, D), lambda i: (0, 0)),
            pl.BlockSpec((1, D), lambda i: (0, 0)),
            pl.BlockSpec((1, D), lambda i: (0, 0)),
        ],
        out_specs=pl.BlockSpec((_B, D), lambda i: (i, 0)),
        out_shape=jax.ShapeDtypeStruct((N, D), jnp.float32),
    )(x, agg, agg, invr, W1, W2, b1, b2)


def kernel(edge_index, node_features, W1, b1, W2, b2):
    row = edge_index[0]
    col = edge_index[1]

    hist, rowall, colall, lens = _part_kernel(row, col)
    dr0 = hist[0:NPAD].reshape(NPAD, 1)
    dc0 = hist[NPAD:2 * NPAD].reshape(NPAD, 1)
    dr1 = hist[2 * NPAD:3 * NPAD].reshape(NPAD, 1)
    dc1 = hist[3 * NPAD:4 * NPAD].reshape(NPAD, 1)

    xp = jnp.pad(node_features, ((0, NPAD - N), (0, 0)))
    tabs, invr = _prescale(xp, dr0, dr1, dc0, dc1)

    agg = _spmm_kernel(tabs.reshape(NPAD, 2, D), rowall, colall, lens)

    return _finish(node_features, agg.reshape(NPAD, 2 * D), invr[:N], W1, W2,
                   b1.reshape(1, D), b2.reshape(1, D))

# --- scband reference (transcript-rebuilt; emitter-appended) ---
"""Pipeline reference for scband-ngcflayer-32229434589221 (READ-ONLY COPY).

The authoritative reference and input builder live on the scoring server;
editing this copy changes nothing except your own understanding.
"""

import jax, jax.numpy as jnp
import numpy as np

N = 10000
E = 320000
D = 128

def setup_inputs(seed: int = 0) -> dict:
    key = jax.random.key(seed)
    k1, k2, k3, k4 = jax.random.split(key, 4)
    edge_index = jax.random.randint(k1, (2, E), 0, N)
    node_features = jax.random.normal(k2, (N, D), dtype=jnp.float32)
    # xavier_uniform with leaky_relu(0.2) gain, matching torch init
    gain = float(np.sqrt(2.0 / (1.0 + 0.2 ** 2)))
    limit = gain * float(np.sqrt(6.0 / (D + D)))
    W1 = jax.random.uniform(k3, (D, D), minval=-limit, maxval=limit, dtype=jnp.float32)
    W2 = jax.random.uniform(k4, (D, D), minval=-limit, maxval=limit, dtype=jnp.float32)
    b1 = jnp.zeros((D,), dtype=jnp.float32)
    b2 = jnp.zeros((D,), dtype=jnp.float32)
    return {"edge_index": edge_index, "node_features": node_features,
            "W1": W1, "b1": b1, "W2": W2, "b2": b2}

def reference(edge_index, node_features, W1, b1, W2, b2):
    row = edge_index[0]
    col = edge_index[1]
    vals = jnp.ones((edge_index.shape[1],), dtype=jnp.float32)
    # row/col degree sums of the sparse adjacency
    row_sum = jax.ops.segment_sum(vals, row, num_segments=N)
    col_sum = jax.ops.segment_sum(vals, col, num_segments=N)
    row_sum = jnp.where(row_sum > 0, row_sum, jnp.ones_like(row_sum))
    col_sum = jnp.where(col_sum > 0, col_sum, jnp.ones_like(col_sum))
    # norm_adj = D_row^{-1/2} A D_col^{-1/2} applied to edge values
    norm_vals = vals * jax.lax.rsqrt(row_sum)[row] * jax.lax.rsqrt(col_sum)[col]

    def spmm(x):
        # (norm_adj @ x): gather source rows, scale, scatter-add to dst rows
        return jax.ops.segment_sum(norm_vals[:, None] * x[col], row, num_segments=N)

    h_self = node_features @ W1 + b1
    h_neigh = spmm(node_features) @ W1 + b1
    h_inter = spmm(node_features * node_features) @ W2 + b2
    s = h_self + h_neigh + h_inter
    out = jnp.where(s >= 0, s, 0.2 * s)  # leaky_relu(0.2)
    # dropout is identity in eval mode
    return out

if __name__ == "__main__":
    import jax
    _d = setup_inputs()
    print(jax.jit(kernel)(*tuple(_d.values())))

</pallas_src>

<mosaic_0001>
#map = affine_map<(d0, d1) -> (0, 0, 0)>
#map1 = affine_map<(d0, d1) -> (0)>
module attributes {stable_mosaic.version = 14 : i64} {
  func.func @_spmm_body(%arg0: i32, %arg1: i32, %arg2: memref<10240x2x128xf32, #tpu.memory_space<hbm>>, %arg3: memref<655360xi32, #tpu.memory_space<hbm>>, %arg4: memref<655360xi32, #tpu.memory_space<hbm>>, %arg5: memref<1024xi32, #tpu.memory_space<hbm>>, %arg6: memref<10240x2x128xf32, #tpu.memory_space<hbm>>, %arg7: memref<32xi32, #tpu.memory_space<vmem>>, %arg8: memref<32xi32, #tpu.memory_space<vmem>>, %arg9: memref<32xi32, #tpu.memory_space<vmem>>, %arg10: memref<32xi32, #tpu.memory_space<vmem>>, %arg11: memref<32xi32, #tpu.memory_space<vmem>>, %arg12: memref<32xi32, #tpu.memory_space<vmem>>, %arg13: memref<32xi32, #tpu.memory_space<vmem>>, %arg14: memref<32xi32, #tpu.memory_space<vmem>>, %arg15: memref<16xi32, #tpu.memory_space<vmem>>, %arg16: memref<32x2x128xf32, #tpu.memory_space<vmem>>, %arg17: memref<32x2x128xf32, #tpu.memory_space<vmem>>, %arg18: memref<32x2x128xf32, #tpu.memory_space<vmem>>, %arg19: memref<5120x2x128xf32, #tpu.memory_space<vmem_shared>>, %arg20: memref<!tpu.dma_semaphore, #tpu.memory_space<semaphore_mem>>, %arg21: memref<!tpu.dma_semaphore, #tpu.memory_space<semaphore_mem>>, %arg22: memref<!tpu.dma_semaphore, #tpu.memory_space<semaphore_mem>>, %arg23: memref<!tpu.dma_semaphore, #tpu.memory_space<semaphore_mem>>, %arg24: memref<!tpu.dma_semaphore, #tpu.memory_space<semaphore_mem>>, %arg25: memref<!tpu.dma_semaphore, #tpu.memory_space<semaphore_mem>>) attributes {dimension_semantics = [#tpu.dimension_semantics<core_parallel>, #tpu.dimension_semantics<subcore_parallel>], iteration_bounds = array<i64: 2, 16>, scalar_prefetch = 0 : i64, scratch_operands = 19 : i64, tpu.core_type = #tpu.core_type<sc_vector_subcore>, window_params = [{transform_indices = #map}, {transform_indices = #map1}, {transform_indices = #map1}, {transform_indices = #map1}, {transform_indices = #map}]} {
    %scan3A = arith.constant 0 : i32
    %scan3A_0 = arith.constant 0 : i32
    %scan3A_1 = arith.constant 32 : i32
    %scan3A_2 = arith.addi %scan3A_0, %scan3A_1 : i32
    %scan3A_3 = arith.constant 1 : i32
    %scan3A_4 = scf.for %scan3A_293 = %scan3A_0 to %scan3A_2 step %scan3A_3 iter_args(%scan3A_294 = %scan3A) -> (i32)  : i32 {
      %scan3A_295 = arith.constant 0 : i32
      %scan3A_296 = arith.constant 0 : i32
      %scan3A_297 = arith.constant 8 : i32
      %scan3A_298 = arith.addi %scan3A_296, %scan3A_297 : i32
      %scan3A_299 = arith.constant 1 : i32
      %scan3A_300 = scf.for %scan3A_303 = %scan3A_296 to %scan3A_298 step %scan3A_299 iter_args(%scan3A_304 = %scan3A_295) -> (i32)  : i32 {
        %broadcast_in_dim3A = arith.constant 0.000000e+00 : f32
        %broadcast_in_dim3A_305 = vector.broadcast %broadcast_in_dim3A : f32 to vector<16xf32>
        %mul3A_306 = arith.constant 16 : i32
        %mul3A_307 = arith.muli %scan3A_303, %mul3A_306 : i32
        %swap3A = arith.constant 0 : i32
        %swap3A_308 = arith.index_cast %scan3A_293 : i32 to index
        %swap3A_309 = arith.index_cast %swap3A : i32 to index
        %swap3A_310 = arith.index_cast %mul3A_307 : i32 to index
        %swap3A_311 = tpu.vector_load %arg16[%swap3A_308, %swap3A_309, %swap3A_310] {strides = array<i32>} : memref<32x2x128xf32, #tpu.memory_space<vmem>>, vector<16xf32>,
        tpu.vector_store %arg16[%swap3A_308, %swap3A_309, %swap3A_310], %broadcast_in_dim3A_305 {strides = array<i32>} : memref<32x2x128xf32, #tpu.memory_space<vmem>>, vector<16xf32>,
        %broadcast_in_dim3A_312 = arith.constant 0.000000e+00 : f32
        %broadcast_in_dim3A_313 = vector.broadcast %broadcast_in_dim3A_312 : f32 to vector<16xf32>
        %mul3A_314 = arith.constant 16 : i32
        %mul3A_315 = arith.muli %scan3A_303, %mul3A_314 : i32
        %swap3A_316 = arith.constant 1 : i32
        %swap3A_317 = arith.index_cast %scan3A_293 : i32 to index
        %swap3A_318 = arith.index_cast %swap3A_316 : i32 to index
        %swap3A_319 = arith.index_cast %mul3A_315 : i32 to index
        %swap3A_320 = tpu.vector_load %arg16[%swap3A_317, %swap3A_318, %swap3A_319] {strides = array<i32>} : memref<32x2x128xf32, #tpu.memory_space<vmem>>, vector<16xf32>,
        tpu.vector_store %arg16[%swap3A_317, %swap3A_318, %swap3A_319], %broadcast_in_dim3A_313 {strides = array<i32>} : memref<32x2x128xf32, #tpu.memory_space<vmem>>, vector<16xf32>,
        %scan3A_321 = arith.constant 0 : i32
        scf.yield %scan3A_321 : i32
      }
      %scan3A_301 = arith.constant 8 : i32
      %scan3A_302 = arith.constant 0 : i32
      scf.yield %scan3A_302 : i32
    }
    %scan3A_5 = arith.constant 32 : i32
    %scan3A_6 = arith.constant 0 : i32
    %scan3A_7 = arith.constant 0 : i32
    %scan3A_8 = arith.constant 10 : i32
    %scan3A_9 = arith.addi %scan3A_7, %scan3A_8 : i32
    %scan3A_10 = arith.constant 1 : i32
    %scan3A_11 = scf.for %scan3A_293 = %scan3A_7 to %scan3A_9 step %scan3A_10 iter_args(%scan3A_294 = %scan3A_6) -> (i32)  : i32 {
      %mul3A_295 = arith.constant 320 : i32
      %mul3A_296 = arith.muli %arg1, %mul3A_295 : i32
      %mul3A_297 = arith.constant 32 : i32
      %mul3A_298 = arith.muli %scan3A_293, %mul3A_297 : i32
      %add3A_299 = arith.addi %mul3A_296, %mul3A_298 : i32
      "tpu.region"() ({
        %run_scoped3A = tpu.sem_alloc : memref<!tpu.dma_semaphore, #tpu.memory_space<semaphore_mem>>
        %dma_start3A_301 = arith.constant 0 : i32
        %dma_start3A_302 = arith.constant 0 : i32
        %dma_start3A_303 = tpu.memref_slice %arg19[%add3A_299, %dma_start3A_301, %dma_start3A_302] : memref<5120x2x128xf32, #tpu.memory_space<vmem_shared>> -> memref<32x2x128xf32, #tpu.memory_space<vmem_shared>>
        %dma_start3A_304 = arith.constant 0 : i32
        %dma_start3A_305 = arith.constant 0 : i32
        %dma_start3A_306 = tpu.memref_slice %arg19[%add3A_299, %dma_start3A_304, %dma_start3A_305] : memref<5120x2x128xf32, #tpu.memory_space<vmem_shared>> -> memref<32x2x128xf32, #tpu.memory_space<vmem_shared>>
        tpu.enqueue_dma source(%arg16 : memref<32x2x128xf32, #tpu.memory_space<vmem>>) target(%dma_start3A_306 : memref<32x2x128xf32, #tpu.memory_space<vmem_shared>>) target_semaphore(%run_scoped3A : memref<!tpu.dma_semaphore, #tpu.memory_space<semaphore_mem>>)
        %dma_wait3A_307 = arith.constant 0 : i32
        %dma_wait3A_308 = arith.constant 0 : i32
        %dma_wait3A_309 = tpu.memref_slice %arg19[%add3A_299, %dma_wait3A_307, %dma_wait3A_308] : memref<5120x2x128xf32, #tpu.memory_space<vmem_shared>> -> memref<32x2x128xf32, #tpu.memory_space<vmem_shared>>
        %dma_wait3A_310 = arith.constant 0 : i32
        %dma_wait3A_311 = arith.constant 0 : i32
        %dma_wait3A_312 = tpu.memref_slice %arg19[%add3A_299, %dma_wait3A_310, %dma_wait3A_311] : memref<5120x2x128xf32, #tpu.memory_space<vmem_shared>> -> memref<32x2x128xf32, #tpu.memory_space<vmem_shared>>
        tpu.wait_dma2 semaphore(%run_scoped3A : memref<!tpu.dma_semaphore, #tpu.memory_space<semaphore_mem>>) src(%arg16 : memref<32x2x128xf32, #tpu.memory_space<vmem>>) dst(%dma_wait3A_312 : memref<32x2x128xf32, #tpu.memory_space<vmem_shared>>)
        tpu.yield
      }) : () -> ()
      %scan3A_300 = arith.constant 0 : i32
      scf.yield %scan3A_300 : i32
    }
    %scan3A_12 = arith.constant 10 : i32
    %barrier3A = arith.constant 0 : index
    tpu.barrier barrier_id(%barrier3A)
    %mul3A = arith.constant 2 : i32
    %mul3A_13 = arith.muli %mul3A, %arg1 : i32
    %add3A = arith.constant 0 : i32
    %add3A_14 = arith.addi %mul3A_13, %add3A : i32
    %mul3A_15 = arith.constant 327680 : i32
    %mul3A_16 = arith.muli %arg0, %mul3A_15 : i32
    %mul3A_17 = arith.constant 10240 : i32
    %mul3A_18 = arith.muli %add3A_14, %mul3A_17 : i32
    %add3A_19 = arith.addi %mul3A_16, %mul3A_18 : i32
    %mul3A_20 = arith.constant 32 : i32
    %mul3A_21 = arith.muli %arg0, %mul3A_20 : i32
    %mul3A_22 = arith.constant 16 : i32
    %mul3A_23 = arith.muli %mul3A_21, %mul3A_22 : i32
    %mul3A_24 = arith.constant 16 : i32
    %mul3A_25 = arith.muli %add3A_14, %mul3A_24 : i32
    %add3A_26 = arith.addi %mul3A_23, %mul3A_25 : i32
    "tpu.region"() ({
      %run_scoped3A = tpu.sem_alloc : memref<!tpu.dma_semaphore, #tpu.memory_space<semaphore_mem>>
      %dma_start3A_293 = tpu.memref_slice %arg5[%add3A_26] : memref<1024xi32, #tpu.memory_space<hbm>> -> memref<16xi32, #tpu.memory_space<hbm>>
      %dma_start3A_294 = tpu.memref_slice %arg5[%add3A_26] : memref<1024xi32, #tpu.memory_space<hbm>> -> memref<16xi32, #tpu.memory_space<hbm>>
      tpu.enqueue_dma source(%dma_start3A_294 : memref<16xi32, #tpu.memory_space<hbm>>) target(%arg15 : memref<16xi32, #tpu.memory_space<vmem>>) target_semaphore(%run_scoped3A : memref<!tpu.dma_semaphore, #tpu.memory_space<semaphore_mem>>)
      %dma_wait3A_295 = tpu.memref_slice %arg5[%add3A_26] : memref<1024xi32, #tpu.memory_space<hbm>> -> memref<16xi32, #tpu.memory_space<hbm>>
      %dma_wait3A_296 = tpu.memref_slice %arg5[%add3A_26] : memref<1024xi32, #tpu.memory_space<hbm>> -> memref<16xi32, #tpu.memory_space<hbm>>
      tpu.wait_dma2 semaphore(%run_scoped3A : memref<!tpu.dma_semaphore, #tpu.memory_space<semaphore_mem>>) src(%dma_wait3A_296 : memref<16xi32, #tpu.memory_space<hbm>>) dst(%arg15 : memref<16xi32, #tpu.memory_space<vmem>>)
      tpu.yield
    }) : () -> ()
    %get3A = arith.constant 0 : index
    %get3A_27 = tpu.vector_load %arg15[%get3A] {strides = array<i32>} : memref<16xi32, #tpu.memory_space<vmem>>, vector<16xi32>,
    %slice3A = vector.extract_strided_slice %get3A_27 {offsets = [0], sizes = [1], strides = [1]} : vector<16xi32> to vector<1xi32>
    %squeeze3A = vector.extract %slice3A[0] : i32 from vector<1xi32>
    %add3A_28 = arith.constant 0 : i32
    %add3A_29 = arith.addi %add3A_19, %add3A_28 : i32
    %dma_start3A = tpu.memref_slice %arg3[%add3A_29] : memref<655360xi32, #tpu.memory_space<hbm>> -> memref<32xi32, #tpu.memory_space<hbm>>
    %dma_start3A_30 = tpu.memref_slice %arg3[%add3A_29] : memref<655360xi32, #tpu.memory_space<hbm>> -> memref<32xi32, #tpu.memory_space<hbm>>
    tpu.enqueue_dma source(%dma_start3A_30 : memref<32xi32, #tpu.memory_space<hbm>>) target(%arg7 : memref<32xi32, #tpu.memory_space<vmem>>) target_semaphore(%arg20 : memref<!tpu.dma_semaphore, #tpu.memory_space<semaphore_mem>>)
    %add3A_31 = arith.constant 0 : i32
    %add3A_32 = arith.addi %add3A_19, %add3A_31 : i32
    %dma_start3A_33 = tpu.memref_slice %arg4[%add3A_32] : memref<655360xi32, #tpu.memory_space<hbm>> -> memref<32xi32, #tpu.memory_space<hbm>>
    %dma_start3A_34 = tpu.memref_slice %arg4[%add3A_32] : memref<655360xi32, #tpu.memory_space<hbm>> -> memref<32xi32, #tpu.memory_space<hbm>>
    tpu.enqueue_dma source(%dma_start3A_34 : memref<32xi32, #tpu.memory_space<hbm>>) target(%arg9 : memref<32xi32, #tpu.memory_space<vmem>>) target_semaphore(%arg20 : memref<!tpu.dma_semaphore, #tpu.memory_space<semaphore_mem>>)
    %add3A_35 = arith.constant 32 : i32
    %add3A_36 = arith.addi %add3A_19, %add3A_35 : i32
    %dma_start3A_37 = tpu.memref_slice %arg3[%add3A_36] : memref<655360xi32, #tpu.memory_space<hbm>> -> memref<32xi32, #tpu.memory_space<hbm>>
    %dma_start3A_38 = tpu.memref_slice %arg3[%add3A_36] : memref<655360xi32, #tpu.memory_space<hbm>> -> memref<32xi32, #tpu.memory_space<hbm>>
    tpu.enqueue_dma source(%dma_start3A_38 : memref<32xi32, #tpu.memory_space<hbm>>) target(%arg8 : memref<32xi32, #tpu.memory_space<vmem>>) target_semaphore(%arg21 : memref<!tpu.dma_semaphore, #tpu.memory_space<semaphore_mem>>)
    %add3A_39 = arith.constant 32 : i32
    %add3A_40 = arith.addi %add3A_19, %add3A_39 : i32
    %dma_start3A_41 = tpu.memref_slice %arg4[%add3A_40] : memref<655360xi32, #tpu.memory_space<hbm>> -> memref<32xi32, #tpu.memory_space<hbm>>
    %dma_start3A_42 = tpu.memref_slice %arg4[%add3A_40] : memref<655360xi32, #tpu.memory_space<hbm>> -> memref<32xi32, #tpu.memory_space<hbm>>
    tpu.enqueue_dma source(%dma_start3A_42 : memref<32xi32, #tpu.memory_space<hbm>>) target(%arg10 : memref<32xi32, #tpu.memory_space<vmem>>) target_semaphore(%arg21 : memref<!tpu.dma_semaphore, #tpu.memory_space<semaphore_mem>>)
    %add3A_43 = arith.constant 64 : i32
    %add3A_44 = arith.addi %add3A_19, %add3A_43 : i32
    %dma_start3A_45 = tpu.memref_slice %arg3[%add3A_44] : memref<655360xi32, #tpu.memory_space<hbm>> -> memref<32xi32, #tpu.memory_space<hbm>>
    %dma_start3A_46 = tpu.memref_slice %arg3[%add3A_44] : memref<655360xi32, #tpu.memory_space<hbm>> -> memref<32xi32, #tpu.memory_space<hbm>>
    tpu.enqueue_dma source(%dma_start3A_46 : memref<32xi32, #tpu.memory_space<hbm>>) target(%arg11 : memref<32xi32, #tpu.memory_space<vmem>>) target_semaphore(%arg22 : memref<!tpu.dma_semaphore, #tpu.memory_space<semaphore_mem>>)
    %add3A_47 = arith.constant 64 : i32
    %add3A_48 = arith.addi %add3A_19, %add3A_47 : i32
    %dma_start3A_49 = tpu.memref_slice %arg4[%add3A_48] : memref<655360xi32, #tpu.memory_space<hbm>> -> memref<32xi32, #tpu.memory_space<hbm>>
    %dma_start3A_50 = tpu.memref_slice %arg4[%add3A_48] : memref<655360xi32, #tpu.memory_space<hbm>> -> memref<32xi32, #tpu.memory_space<hbm>>
    tpu.enqueue_dma source(%dma_start3A_50 : memref<32xi32, #tpu.memory_space<hbm>>) target(%arg12 : memref<32xi32, #tpu.memory_space<vmem>>) target_semaphore(%arg22 : memref<!tpu.dma_semaphore, #tpu.memory_space<semaphore_mem>>)
    %add3A_51 = arith.constant 96 : i32
    %add3A_52 = arith.addi %add3A_19, %add3A_51 : i32
    %dma_start3A_53 = tpu.memref_slice %arg3[%add3A_52] : memref<655360xi32, #tpu.memory_space<hbm>> -> memref<32xi32, #tpu.memory_space<hbm>>
    %dma_start3A_54 = tpu.memref_slice %arg3[%add3A_52] : memref<655360xi32, #tpu.memory_space<hbm>> -> memref<32xi32, #tpu.memory_space<hbm>>
    tpu.enqueue_dma source(%dma_start3A_54 : memref<32xi32, #tpu.memory_space<hbm>>) target(%arg13 : memref<32xi32, #tpu.memory_space<vmem>>) target_semaphore(%arg23 : memref<!tpu.dma_semaphore, #tpu.memory_space<semaphore_mem>>)
    %add3A_55 = arith.constant 96 : i32
    %add3A_56 = arith.addi %add3A_19, %add3A_55 : i32
    %dma_start3A_57 = tpu.memref_slice %arg4[%add3A_56] : memref<655360xi32, #tpu.memory_space<hbm>> -> memref<32xi32, #tpu.memory_space<hbm>>
    %dma_start3A_58 = tpu.memref_slice %arg4[%add3A_56] : memref<655360xi32, #tpu.memory_space<hbm>> -> memref<32xi32, #tpu.memory_space<hbm>>
    tpu.enqueue_dma source(%dma_start3A_58 : memref<32xi32, #tpu.memory_space<hbm>>) target(%arg14 : memref<32xi32, #tpu.memory_space<vmem>>) target_semaphore(%arg23 : memref<!tpu.dma_semaphore, #tpu.memory_space<semaphore_mem>>)
    %add3A_59 = arith.constant 0 : i32
    %add3A_60 = arith.addi %add3A_19, %add3A_59 : i32
    %dma_wait3A = tpu.memref_slice %arg3[%add3A_60] : memref<655360xi32, #tpu.memory_space<hbm>> -> memref<32xi32, #tpu.memory_space<hbm>>
    %dma_wait3A_61 = tpu.memref_slice %arg3[%add3A_60] : memref<655360xi32, #tpu.memory_space<hbm>> -> memref<32xi32, #tpu.memory_space<hbm>>
    tpu.wait_dma2 semaphore(%arg20 : memref<!tpu.dma_semaphore, #tpu.memory_space<semaphore_mem>>) src(%dma_wait3A_61 : memref<32xi32, #tpu.memory_space<hbm>>) dst(%arg7 : memref<32xi32, #tpu.memory_space<vmem>>)
    %add3A_62 = arith.constant 0 : i32
    %add3A_63 = arith.addi %add3A_19, %add3A_62 : i32
    %dma_wait3A_64 = tpu.memref_slice %arg4[%add3A_63] : memref<655360xi32, #tpu.memory_space<hbm>> -> memref<32xi32, #tpu.memory_space<hbm>>
    %dma_wait3A_65 = tpu.memref_slice %arg4[%add3A_63] : memref<655360xi32, #tpu.memory_space<hbm>> -> memref<32xi32, #tpu.memory_space<hbm>>
    tpu.wait_dma2 semaphore(%arg20 : memref<!tpu.dma_semaphore, #tpu.memory_space<semaphore_mem>>) src(%dma_wait3A_65 : memref<32xi32, #tpu.memory_space<hbm>>) dst(%arg9 : memref<32xi32, #tpu.memory_space<vmem>>)
    %dma_start3A_66 = arith.constant 0 : i32
    %dma_start3A_67 = arith.constant 0 : i32
    %dma_start3A_68 = arith.constant 0 : i32
    %dma_start3A_69 = tpu.memref_slice %arg2[%dma_start3A_66, %dma_start3A_67, %dma_start3A_68] : memref<10240x2x128xf32, #tpu.memory_space<hbm>> -> memref<10240x2x128xf32, #tpu.memory_space<hbm>>
    tpu.enqueue_indirect_dma source(%dma_start3A_69 : memref<10240x2x128xf32, #tpu.memory_space<hbm>>) target(%arg17 : memref<32x2x128xf32, #tpu.memory_space<vmem>>) offsets(%arg9 : memref<32xi32, #tpu.memory_space<vmem>>) semaphore(%arg24 : memref<!tpu.dma_semaphore, #tpu.memory_space<semaphore_mem>>)
    %add3A_70 = arith.constant 32 : i32
    %add3A_71 = arith.addi %add3A_19, %add3A_70 : i32
    %dma_wait3A_72 = tpu.memref_slice %arg3[%add3A_71] : memref<655360xi32, #tpu.memory_space<hbm>> -> memref<32xi32, #tpu.memory_space<hbm>>
    %dma_wait3A_73 = tpu.memref_slice %arg3[%add3A_71] : memref<655360xi32, #tpu.memory_space<hbm>> -> memref<32xi32, #tpu.memory_space<hbm>>
    tpu.wait_dma2 semaphore(%arg21 : memref<!tpu.dma_semaphore, #tpu.memory_space<semaphore_mem>>) src(%dma_wait3A_73 : memref<32xi32, #tpu.memory_space<hbm>>) dst(%arg8 : memref<32xi32, #tpu.memory_space<vmem>>)
    %add3A_74 = arith.constant 32 : i32
    %add3A_75 = arith.addi %add3A_19, %add3A_74 : i32
    %dma_wait3A_76 = tpu.memref_slice %arg4[%add3A_75] : memref<655360xi32, #tpu.memory_space<hbm>> -> memref<32xi32, #tpu.memory_space<hbm>>
    %dma_wait3A_77 = tpu.memref_slice %arg4[%add3A_75] : memref<655360xi32, #tpu.memory_space<hbm>> -> memref<32xi32, #tpu.memory_space<hbm>>
    tpu.wait_dma2 semaphore(%arg21 : memref<!tpu.dma_semaphore, #tpu.memory_space<semaphore_mem>>) src(%dma_wait3A_77 : memref<32xi32, #tpu.memory_space<hbm>>) dst(%arg10 : memref<32xi32, #tpu.memory_space<vmem>>)
    %jit3A = arith.constant 2 : i32
    %div3A = arith.divsi %squeeze3A, %jit3A : i32
    %sign3A = arith.constant 0 : i32
    %sign3A_78 = arith.cmpi sgt, %squeeze3A, %sign3A : i32
    %sign3A_79 = arith.extui %sign3A_78 : i1 to i32
    %sign3A_80 = arith.constant 0 : i32
    %sign3A_81 = arith.cmpi slt, %squeeze3A, %sign3A_80 : i32
    %sign3A_82 = arith.extui %sign3A_81 : i1 to i32
    %sign3A_83 = arith.subi %sign3A_79, %sign3A_82 : i32
    %sign3A_84 = arith.constant 0 : i32
    %sign3A_85 = arith.cmpi sgt, %jit3A, %sign3A_84 : i32
    %sign3A_86 = arith.extui %sign3A_85 : i1 to i32
    %sign3A_87 = arith.constant 0 : i32
    %sign3A_88 = arith.cmpi slt, %jit3A, %sign3A_87 : i32
    %sign3A_89 = arith.extui %sign3A_88 : i1 to i32
    %sign3A_90 = arith.subi %sign3A_86, %sign3A_89 : i32
    %ne3A = arith.cmpi ne, %sign3A_83, %sign3A_90 : i32
    %rem3A = arith.remsi %squeeze3A, %jit3A : i32
    %ne3A_91 = arith.constant 0 : i32
    %ne3A_92 = arith.cmpi ne, %rem3A, %ne3A_91 : i32
    %and3A = arith.andi %ne3A, %ne3A_92 : i1
    %sub3A = arith.constant 1 : i32
    %sub3A_93 = arith.subi %div3A, %sub3A : i32
    %select_n3A = arith.select %and3A, %sub3A_93, %div3A : i32
    %sub3A_94 = arith.constant 1 : i32
    %sub3A_95 = arith.subi %select_n3A, %sub3A_94 : i32
    %while3A = arith.constant 0 : i32
    %while3A_96 = arith.constant 0 : i32
    %while3A_97 = arith.subi %sub3A_95, %while3A : i32
    %while3A_98 = arith.addi %while3A, %while3A_97 : i32
    %while3A_99 = arith.constant 1 : i32
    %while3A_100 = arith.divsi %while3A_97, %while3A_99 : i32
    %while3A_101 = arith.muli %while3A_100, %while3A_99 : i32
    %while3A_102 = arith.addi %while3A, %while3A_101 : i32
    %while3A_103 = arith.constant 1 : i32
    %while3A_104 = scf.for %while3A_293 = %while3A to %while3A_102 step %while3A_103 iter_args(%while3A_294 = %while3A_96) -> (i32)  : i32 {
      %mul3A_295 = arith.constant 2 : i32
      %mul3A_296 = arith.muli %mul3A_295, %while3A_293 : i32
      %add3A_297 = arith.constant 1 : i32
      %add3A_298 = arith.addi %mul3A_296, %add3A_297 : i32
      %dma_start3A_299 = arith.constant 0 : i32
      %dma_start3A_300 = arith.constant 0 : i32
      %dma_start3A_301 = arith.constant 0 : i32
      %dma_start3A_302 = tpu.memref_slice %arg2[%dma_start3A_299, %dma_start3A_300, %dma_start3A_301] : memref<10240x2x128xf32, #tpu.memory_space<hbm>> -> memref<10240x2x128xf32, #tpu.memory_space<hbm>>
      tpu.enqueue_indirect_dma source(%dma_start3A_302 : memref<10240x2x128xf32, #tpu.memory_space<hbm>>) target(%arg18 : memref<32x2x128xf32, #tpu.memory_space<vmem>>) offsets(%arg10 : memref<32xi32, #tpu.memory_space<vmem>>) semaphore(%arg25 : memref<!tpu.dma_semaphore, #tpu.memory_space<semaphore_mem>>)
      %dma_wait3A_303 = arith.constant 0 : i32
      %dma_wait3A_304 = arith.constant 0 : i32
      %dma_wait3A_305 = arith.constant 0 : i32
      %dma_wait3A_306 = tpu.memref_slice %arg2[%dma_wait3A_303, %dma_wait3A_304, %dma_wait3A_305] : memref<10240x2x128xf32, #tpu.memory_space<hbm>> -> memref<10240x2x128xf32, #tpu.memory_space<hbm>>
      tpu.wait_indirect_dma semaphore(%arg24 : memref<!tpu.dma_semaphore, #tpu.memory_space<semaphore_mem>>) src(%dma_wait3A_306 : memref<10240x2x128xf32, #tpu.memory_space<hbm>>) dst(%arg17 : memref<32x2x128xf32, #tpu.memory_space<vmem>>)
      "tpu.region"() ({
        %run_scoped3A = tpu.sem_alloc : memref<!tpu.dma_semaphore, #tpu.memory_space<semaphore_mem>>
        %dma_start3A_395 = arith.constant 0 : i32
        %dma_start3A_396 = arith.constant 0 : i32
        %dma_start3A_397 = arith.constant 0 : i32
        %dma_start3A_398 = tpu.memref_slice %arg19[%dma_start3A_395, %dma_start3A_396, %dma_start3A_397] : memref<5120x2x128xf32, #tpu.memory_space<vmem_shared>> -> memref<5120x2x128xf32, #tpu.memory_space<vmem_shared>>
        tpu.enqueue_indirect_dma source(%arg17 : memref<32x2x128xf32, #tpu.memory_space<vmem>>) target(%dma_start3A_398 : memref<5120x2x128xf32, #tpu.memory_space<vmem_shared>>) offsets(%arg7 : memref<32xi32, #tpu.memory_space<vmem>>) semaphore(%run_scoped3A : memref<!tpu.dma_semaphore, #tpu.memory_space<semaphore_mem>>) {add = true}
        %dma_wait3A_399 = arith.constant 0 : i32
        %dma_wait3A_400 = arith.constant 0 : i32
        %dma_wait3A_401 = arith.constant 0 : i32
        %dma_wait3A_402 = tpu.memref_slice %arg19[%dma_wait3A_399, %dma_wait3A_400, %dma_wait3A_401] : memref<5120x2x128xf32, #tpu.memory_space<vmem_shared>> -> memref<5120x2x128xf32, #tpu.memory_space<vmem_shared>>
        tpu.wait_indirect_dma semaphore(%run_scoped3A : memref<!tpu.dma_semaphore, #tpu.memory_space<semaphore_mem>>) src(%arg17 : memref<32x2x128xf32, #tpu.memory_space<vmem>>) dst(%dma_wait3A_402 : memref<5120x2x128xf32, #tpu.memory_space<vmem_shared>>)
        tpu.yield
      }) : () -> ()
      %add3A_307 = arith.constant 2 : i32
      %add3A_308 = arith.addi %mul3A_296, %add3A_307 : i32
      %mul3A_309 = arith.constant 32 : i32
      %mul3A_310 = arith.muli %add3A_308, %mul3A_309 : i32
      %add3A_311 = arith.addi %add3A_19, %mul3A_310 : i32
      %dma_wait3A_312 = tpu.memref_slice %arg3[%add3A_311] : memref<655360xi32, #tpu.memory_space<hbm>> -> memref<32xi32, #tpu.memory_space<hbm>>
      %dma_wait3A_313 = tpu.memref_slice %arg3[%add3A_311] : memref<655360xi32, #tpu.memory_space<hbm>> -> memref<32xi32, #tpu.memory_space<hbm>>
      tpu.wait_dma2 semaphore(%arg22 : memref<!tpu.dma_semaphore, #tpu.memory_space<semaphore_mem>>) src(%dma_wait3A_313 : memref<32xi32, #tpu.memory_space<hbm>>) dst(%arg11 : memref<32xi32, #tpu.memory_space<vmem>>)
      %mul3A_314 = arith.constant 32 : i32
      %mul3A_315 = arith.muli %add3A_308, %mul3A_314 : i32
      %add3A_316 = arith.addi %add3A_19, %mul3A_315 : i32
      %dma_wait3A_317 = tpu.memref_slice %arg4[%add3A_316] : memref<655360xi32, #tpu.memory_space<hbm>> -> memref<32xi32, #tpu.memory_space<hbm>>
      %dma_wait3A_318 = tpu.memref_slice %arg4[%add3A_316] : memref<655360xi32, #tpu.memory_space<hbm>> -> memref<32xi32, #tpu.memory_space<hbm>>
      tpu.wait_dma2 semaphore(%arg22 : memref<!tpu.dma_semaphore, #tpu.memory_space<semaphore_mem>>) src(%dma_wait3A_318 : memref<32xi32, #tpu.memory_space<hbm>>) dst(%arg12 : memref<32xi32, #tpu.memory_space<vmem>>)
      %get3A_319 = arith.constant 0 : index
      %get3A_320 = tpu.vector_load %arg11[%get3A_319] {strides = array<i32>} : memref<32xi32, #tpu.memory_space<vmem>>, vector<16xi32>,
      %swap3A = arith.constant 0 : index
      %swap3A_321 = tpu.vector_load %arg7[%swap3A] {strides = array<i32>} : memref<32xi32, #tpu.memory_space<vmem>>, vector<16xi32>,
      tpu.vector_store %arg7[%swap3A], %get3A_320 {strides = array<i32>} : memref<32xi32, #tpu.memory_space<vmem>>, vector<16xi32>,
      %get3A_322 = arith.constant 0 : index
      %get3A_323 = tpu.vector_load %arg12[%get3A_322] {strides = array<i32>} : memref<32xi32, #tpu.memory_space<vmem>>, vector<16xi32>,
      %swap3A_324 = arith.constant 0 : index
      %swap3A_325 = tpu.vector_load %arg9[%swap3A_324] {strides = array<i32>} : memref<32xi32, #tpu.memory_space<vmem>>, vector<16xi32>,
      tpu.vector_store %arg9[%swap3A_324], %get3A_323 {strides = array<i32>} : memref<32xi32, #tpu.memory_space<vmem>>, vector<16xi32>,
      %get3A_326 = arith.constant 16 : index
      %get3A_327 = tpu.vector_load %arg11[%get3A_326] {strides = array<i32>} : memref<32xi32, #tpu.memory_space<vmem>>, vector<16xi32>,
      %swap3A_328 = arith.constant 16 : index
      %swap3A_329 = tpu.vector_load %arg7[%swap3A_328] {strides = array<i32>} : memref<32xi32, #tpu.memory_space<vmem>>, vector<16xi32>,
      tpu.vector_store %arg7[%swap3A_328], %get3A_327 {strides = array<i32>} : memref<32xi32, #tpu.memory_space<vmem>>, vector<16xi32>,
      %get3A_330 = arith.constant 16 : index
      %get3A_331 = tpu.vector_load %arg12[%get3A_330] {strides = array<i32>} : memref<32xi32, #tpu.memory_space<vmem>>, vector<16xi32>,
      %swap3A_332 = arith.constant 16 : index
      %swap3A_333 = tpu.vector_load %arg9[%swap3A_332] {strides = array<i32>} : memref<32xi32, #tpu.memory_space<vmem>>, vector<16xi32>,
      tpu.vector_store %arg9[%swap3A_332], %get3A_331 {strides = array<i32>} : memref<32xi32, #tpu.memory_space<vmem>>, vector<16xi32>,
      %add3A_334 = arith.constant 4 : i32
      %add3A_335 = arith.addi %mul3A_296, %add3A_334 : i32
      %mul3A_336 = arith.constant 32 : i32
      %mul3A_337 = arith.muli %add3A_335, %mul3A_336 : i32
      %add3A_338 = arith.addi %add3A_19, %mul3A_337 : i32
      %dma_start3A_339 = tpu.memref_slice %arg3[%add3A_338] : memref<655360xi32, #tpu.memory_space<hbm>> -> memref<32xi32, #tpu.memory_space<hbm>>
      %dma_start3A_340 = tpu.memref_slice %arg3[%add3A_338] : memref<655360xi32, #tpu.memory_space<hbm>> -> memref<32xi32, #tpu.memory_space<hbm>>
      tpu.enqueue_dma source(%dma_start3A_340 : memref<32xi32, #tpu.memory_space<hbm>>) target(%arg11 : memref<32xi32, #tpu.memory_space<vmem>>) target_semaphore(%arg22 : memref<!tpu.dma_semaphore, #tpu.memory_space<semaphore_mem>>)
      %mul3A_341 = arith.constant 32 : i32
      %mul3A_342 = arith.muli %add3A_335, %mul3A_341 : i32
      %add3A_343 = arith.addi %add3A_19, %mul3A_342 : i32
      %dma_start3A_344 = tpu.memref_slice %arg4[%add3A_343] : memref<655360xi32, #tpu.memory_space<hbm>> -> memref<32xi32, #tpu.memory_space<hbm>>
      %dma_start3A_345 = tpu.memref_slice %arg4[%add3A_343] : memref<655360xi32, #tpu.memory_space<hbm>> -> memref<32xi32, #tpu.memory_space<hbm>>
      tpu.enqueue_dma source(%dma_start3A_345 : memref<32xi32, #tpu.memory_space<hbm>>) target(%arg12 : memref<32xi32, #tpu.memory_space<vmem>>) target_semaphore(%arg22 : memref<!tpu.dma_semaphore, #tpu.memory_space<semaphore_mem>>)
      %dma_start3A_346 = arith.constant 0 : i32
      %dma_start3A_347 = arith.constant 0 : i32
      %dma_start3A_348 = arith.constant 0 : i32
      %dma_start3A_349 = tpu.memref_slice %arg2[%dma_start3A_346, %dma_start3A_347, %dma_start3A_348] : memref<10240x2x128xf32, #tpu.memory_space<hbm>> -> memref<10240x2x128xf32, #tpu.memory_space<hbm>>
      tpu.enqueue_indirect_dma source(%dma_start3A_349 : memref<10240x2x128xf32, #tpu.memory_space<hbm>>) target(%arg17 : memref<32x2x128xf32, #tpu.memory_space<vmem>>) offsets(%arg9 : memref<32xi32, #tpu.memory_space<vmem>>) semaphore(%arg24 : memref<!tpu.dma_semaphore, #tpu.memory_space<semaphore_mem>>)
      %dma_wait3A_350 = arith.constant 0 : i32
      %dma_wait3A_351 = arith.constant 0 : i32
      %dma_wait3A_352 = arith.constant 0 : i32
      %dma_wait3A_353 = tpu.memref_slice %arg2[%dma_wait3A_350, %dma_wait3A_351, %dma_wait3A_352] : memref<10240x2x128xf32, #tpu.memory_space<hbm>> -> memref<10240x2x128xf32, #tpu.memory_space<hbm>>
      tpu.wait_indirect_dma semaphore(%arg25 : memref<!tpu.dma_semaphore, #tpu.memory_space<semaphore_mem>>) src(%dma_wait3A_353 : memref<10240x2x128xf32, #tpu.memory_space<hbm>>) dst(%arg18 : memref<32x2x128xf32, #tpu.memory_space<vmem>>)
      "tpu.region"() ({
        %run_scoped3A = tpu.sem_alloc : memref<!tpu.dma_semaphore, #tpu.memory_space<semaphore_mem>>
        %dma_start3A_395 = arith.constant 0 : i32
        %dma_start3A_396 = arith.constant 0 : i32
        %dma_start3A_397 = arith.constant 0 : i32
        %dma_start3A_398 = tpu.memref_slice %arg19[%dma_start3A_395, %dma_start3A_396, %dma_start3A_397] : memref<5120x2x128xf32, #tpu.memory_space<vmem_shared>> -> memref<5120x2x128xf32, #tpu.memory_space<vmem_shared>>
        tpu.enqueue_indirect_dma source(%arg18 : memref<32x2x128xf32, #tpu.memory_space<vmem>>) target(%dma_start3A_398 : memref<5120x2x128xf32, #tpu.memory_space<vmem_shared>>) offsets(%arg8 : memref<32xi32, #tpu.memory_space<vmem>>) semaphore(%run_scoped3A : memref<!tpu.dma_semaphore, #tpu.memory_space<semaphore_mem>>) {add = true}
        %dma_wait3A_399 = arith.constant 0 : i32
        %dma_wait3A_400 = arith.constant 0 : i32
        %dma_wait3A_401 = arith.constant 0 : i32
        %dma_wait3A_402 = tpu.memref_slice %arg19[%dma_wait3A_399, %dma_wait3A_400, %dma_wait3A_401] : memref<5120x2x128xf32, #tpu.memory_space<vmem_shared>> -> memref<5120x2x128xf32, #tpu.memory_space<vmem_shared>>
        tpu.wait_indirect_dma semaphore(%run_scoped3A : memref<!tpu.dma_semaphore, #tpu.memory_space<semaphore_mem>>) src(%arg18 : memref<32x2x128xf32, #tpu.memory_space<vmem>>) dst(%dma_wait3A_402 : memref<5120x2x128xf32, #tpu.memory_space<vmem_shared>>)
        tpu.yield
      }) : () -> ()
      %add3A_354 = arith.constant 2 : i32
      %add3A_355 = arith.addi %add3A_298, %add3A_354 : i32
      %mul3A_356 = arith.constant 32 : i32
      %mul3A_357 = arith.muli %add3A_355, %mul3A_356 : i32
      %add3A_358 = arith.addi %add3A_19, %mul3A_357 : i32
      %dma_wait3A_359 = tpu.memref_slice %arg3[%add3A_358] : memref<655360xi32, #tpu.memory_space<hbm>> -> memref<32xi32, #tpu.memory_space<hbm>>
      %dma_wait3A_360 = tpu.memref_slice %arg3[%add3A_358] : memref<655360xi32, #tpu.memory_space<hbm>> -> memref<32xi32, #tpu.memory_space<hbm>>
      tpu.wait_dma2 semaphore(%arg23 : memref<!tpu.dma_semaphore, #tpu.memory_space<semaphore_mem>>) src(%dma_wait3A_360 : memref<32xi32, #tpu.memory_space<hbm>>) dst(%arg13 : memref<32xi32, #tpu.memory_space<vmem>>)
      %mul3A_361 = arith.constant 32 : i32
      %mul3A_362 = arith.muli %add3A_355, %mul3A_361 : i32
      %add3A_363 = arith.addi %add3A_19, %mul3A_362 : i32
      %dma_wait3A_364 = tpu.memref_slice %arg4[%add3A_363] : memref<655360xi32, #tpu.memory_space<hbm>> -> memref<32xi32, #tpu.memory_space<hbm>>
      %dma_wait3A_365 = tpu.memref_slice %arg4[%add3A_363] : memref<655360xi32, #tpu.memory_space<hbm>> -> memref<32xi32, #tpu.memory_space<hbm>>
      tpu.wait_dma2 semaphore(%arg23 : memref<!tpu.dma_semaphore, #tpu.memory_space<semaphore_mem>>) src(%dma_wait3A_365 : memref<32xi32, #tpu.memory_space<hbm>>) dst(%arg14 : memref<32xi32, #tpu.memory_space<vmem>>)
      %get3A_366 = arith.constant 0 : index
      %get3A_367 = tpu.vector_load %arg13[%get3A_366] {strides = array<i32>} : memref<32xi32, #tpu.memory_space<vmem>>, vector<16xi32>,
      %swap3A_368 = arith.constant 0 : index
      %swap3A_369 = tpu.vector_load %arg8[%swap3A_368] {strides = array<i32>} : memref<32xi32, #tpu.memory_space<vmem>>, vector<16xi32>,
      tpu.vector_store %arg8[%swap3A_368], %get3A_367 {strides = array<i32>} : memref<32xi32, #tpu.memory_space<vmem>>, vector<16xi32>,
      %get3A_370 = arith.constant 0 : index
      %get3A_371 = tpu.vector_load %arg14[%get3A_370] {strides = array<i32>} : memref<32xi32, #tpu.memory_space<vmem>>, vector<16xi32>,
      %swap3A_372 = arith.constant 0 : index
      %swap3A_373 = tpu.vector_load %arg10[%swap3A_372] {strides = array<i32>} : memref<32xi32, #tpu.memory_space<vmem>>, vector<16xi32>,
      tpu.vector_store %arg10[%swap3A_372], %get3A_371 {strides = array<i32>} : memref<32xi32, #tpu.memory_space<vmem>>, vector<16xi32>,
      %get3A_374 = arith.constant 16 : index
      %get3A_375 = tpu.vector_load %arg13[%get3A_374] {strides = array<i32>} : memref<32xi32, #tpu.memory_space<vmem>>, vector<16xi32>,
      %swap3A_376 = arith.constant 16 : index
      %swap3A_377 = tpu.vector_load %arg8[%swap3A_376] {strides = array<i32>} : memref<32xi32, #tpu.memory_space<vmem>>, vector<16xi32>,
      tpu.vector_store %arg8[%swap3A_376], %get3A_375 {strides = array<i32>} : memref<32xi32, #tpu.memory_space<vmem>>, vector<16xi32>,
      %get3A_378 = arith.constant 16 : index
      %get3A_379 = tpu.vector_load %arg14[%get3A_378] {strides = array<i32>} : memref<32xi32, #tpu.memory_space<vmem>>, vector<16xi32>,
      %swap3A_380 = arith.constant 16 : index
      %swap3A_381 = tpu.vector_load %arg10[%swap3A_380] {strides = array<i32>} : memref<32xi32, #tpu.memory_space<vmem>>, vector<16xi32>,
      tpu.vector_store %arg10[%swap3A_380], %get3A_379 {strides = array<i32>} : memref<32xi32, #tpu.memory_space<vmem>>, vector<16xi32>,
      %add3A_382 = arith.constant 4 : i32
      %add3A_383 = arith.addi %add3A_298, %add3A_382 : i32
      %mul3A_384 = arith.constant 32 : i32
      %mul3A_385 = arith.muli %add3A_383, %mul3A_384 : i32
      %add3A_386 = arith.addi %add3A_19, %mul3A_385 : i32
      %dma_start3A_387 = tpu.memref_slice %arg3[%add3A_386] : memref<655360xi32, #tpu.memory_space<hbm>> -> memref<32xi32, #tpu.memory_space<hbm>>
      %dma_start3A_388 = tpu.memref_slice %arg3[%add3A_386] : memref<655360xi32, #tpu.memory_space<hbm>> -> memref<32xi32, #tpu.memory_space<hbm>>
      tpu.enqueue_dma source(%dma_start3A_388 : memref<32xi32, #tpu.memory_space<hbm>>) target(%arg13 : memref<32xi32, #tpu.memory_space<vmem>>) target_semaphore(%arg23 : memref<!tpu.dma_semaphore, #tpu.memory_space<semaphore_mem>>)
      %mul3A_389 = arith.constant 32 : i32
      %mul3A_390 = arith.muli %add3A_383, %mul3A_389 : i32
      %add3A_391 = arith.addi %add3A_19, %mul3A_390 : i32
      %dma_start3A_392 = tpu.memref_slice %arg4[%add3A_391] : memref<655360xi32, #tpu.memory_space<hbm>> -> memref<32xi32, #tpu.memory_space<hbm>>
      %dma_start3A_393 = tpu.memref_slice %arg4[%add3A_391] : memref<655360xi32, #tpu.memory_space<hbm>> -> memref<32xi32, #tpu.memory_space<hbm>>
      tpu.enqueue_dma source(%dma_start3A_393 : memref<32xi32, #tpu.memory_space<hbm>>) target(%arg14 : memref<32xi32, #tpu.memory_space<vmem>>) target_semaphore(%arg23 : memref<!tpu.dma_semaphore, #tpu.memory_space<semaphore_mem>>)
      %while3A_394 = arith.constant 0 : i32
      scf.yield %while3A_394 : i32
    }
    %while3A_105 = arith.constant 1 : i32
    %while3A_106 = scf.for %while3A_293 = %while3A_102 to %while3A_98 step %while3A_105 iter_args(%while3A_294 = %while3A_104) -> (i32)  : i32 {
      %mul3A_295 = arith.constant 2 : i32
      %mul3A_296 = arith.muli %mul3A_295, %while3A_293 : i32
      %add3A_297 = arith.constant 1 : i32
      %add3A_298 = arith.addi %mul3A_296, %add3A_297 : i32
      %dma_start3A_299 = arith.constant 0 : i32
      %dma_start3A_300 = arith.constant 0 : i32
      %dma_start3A_301 = arith.constant 0 : i32
      %dma_start3A_302 = tpu.memref_slice %arg2[%dma_start3A_299, %dma_start3A_300, %dma_start3A_301] : memref<10240x2x128xf32, #tpu.memory_space<hbm>> -> memref<10240x2x128xf32, #tpu.memory_space<hbm>>
      tpu.enqueue_indirect_dma source(%dma_start3A_302 : memref<10240x2x128xf32, #tpu.memory_space<hbm>>) target(%arg18 : memref<32x2x128xf32, #tpu.memory_space<vmem>>) offsets(%arg10 : memref<32xi32, #tpu.memory_space<vmem>>) semaphore(%arg25 : memref<!tpu.dma_semaphore, #tpu.memory_space<semaphore_mem>>)
      %dma_wait3A_303 = arith.constant 0 : i32
      %dma_wait3A_304 = arith.constant 0 : i32
      %dma_wait3A_305 = arith.constant 0 : i32
      %dma_wait3A_306 = tpu.memref_slice %arg2[%dma_wait3A_303, %dma_wait3A_304, %dma_wait3A_305] : memref<10240x2x128xf32, #tpu.memory_space<hbm>> -> memref<10240x2x128xf32, #tpu.memory_space<hbm>>
      tpu.wait_indirect_dma semaphore(%arg24 : memref<!tpu.dma_semaphore, #tpu.memory_space<semaphore_mem>>) src(%dma_wait3A_306 : memref<10240x2x128xf32, #tpu.memory_space<hbm>>) dst(%arg17 : memref<32x2x128xf32, #tpu.memory_space<vmem>>)
      "tpu.region"() ({
        %run_scoped3A = tpu.sem_alloc : memref<!tpu.dma_semaphore, #tpu.memory_space<semaphore_mem>>
        %dma_start3A_395 = arith.constant 0 : i32
        %dma_start3A_396 = arith.constant 0 : i32
        %dma_start3A_397 = arith.constant 0 : i32
        %dma_start3A_398 = tpu.memref_slice %arg19[%dma_start3A_395, %dma_start3A_396, %dma_start3A_397] : memref<5120x2x128xf32, #tpu.memory_space<vmem_shared>> -> memref<5120x2x128xf32, #tpu.memory_space<vmem_shared>>
        tpu.enqueue_indirect_dma source(%arg17 : memref<32x2x128xf32, #tpu.memory_space<vmem>>) target(%dma_start3A_398 : memref<5120x2x128xf32, #tpu.memory_space<vmem_shared>>) offsets(%arg7 : memref<32xi32, #tpu.memory_space<vmem>>) semaphore(%run_scoped3A : memref<!tpu.dma_semaphore, #tpu.memory_space<semaphore_mem>>) {add = true}
        %dma_wait3A_399 = arith.constant 0 : i32
        %dma_wait3A_400 = arith.constant 0 : i32
        %dma_wait3A_401 = arith.constant 0 : i32
        %dma_wait3A_402 = tpu.memref_slice %arg19[%dma_wait3A_399, %dma_wait3A_400, %dma_wait3A_401] : memref<5120x2x128xf32, #tpu.memory_space<vmem_shared>> -> memref<5120x2x128xf32, #tpu.memory_space<vmem_shared>>
        tpu.wait_indirect_dma semaphore(%run_scoped3A : memref<!tpu.dma_semaphore, #tpu.memory_space<semaphore_mem>>) src(%arg17 : memref<32x2x128xf32, #tpu.memory_space<vmem>>) dst(%dma_wait3A_402 : memref<5120x2x128xf32, #tpu.memory_space<vmem_shared>>)
        tpu.yield
      }) : () -> ()
      %add3A_307 = arith.constant 2 : i32
      %add3A_308 = arith.addi %mul3A_296, %add3A_307 : i32
      %mul3A_309 = arith.constant 32 : i32
      %mul3A_310 = arith.muli %add3A_308, %mul3A_309 : i32
      %add3A_311 = arith.addi %add3A_19, %mul3A_310 : i32
      %dma_wait3A_312 = tpu.memref_slice %arg3[%add3A_311] : memref<655360xi32, #tpu.memory_space<hbm>> -> memref<32xi32, #tpu.memory_space<hbm>>
      %dma_wait3A_313 = tpu.memref_slice %arg3[%add3A_311] : memref<655360xi32, #tpu.memory_space<hbm>> -> memref<32xi32, #tpu.memory_space<hbm>>
      tpu.wait_dma2 semaphore(%arg22 : memref<!tpu.dma_semaphore, #tpu.memory_space<semaphore_mem>>) src(%dma_wait3A_313 : memref<32xi32, #tpu.memory_space<hbm>>) dst(%arg11 : memref<32xi32, #tpu.memory_space<vmem>>)
      %mul3A_314 = arith.constant 32 : i32
      %mul3A_315 = arith.muli %add3A_308, %mul3A_314 : i32
      %add3A_316 = arith.addi %add3A_19, %mul3A_315 : i32
      %dma_wait3A_317 = tpu.memref_slice %arg4[%add3A_316] : memref<655360xi32, #tpu.memory_space<hbm>> -> memref<32xi32, #tpu.memory_space<hbm>>
      %dma_wait3A_318 = tpu.memref_slice %arg4[%add3A_316] : memref<655360xi32, #tpu.memory_space<hbm>> -> memref<32xi32, #tpu.memory_space<hbm>>
      tpu.wait_dma2 semaphore(%arg22 : memref<!tpu.dma_semaphore, #tpu.memory_space<semaphore_mem>>) src(%dma_wait3A_318 : memref<32xi32, #tpu.memory_space<hbm>>) dst(%arg12 : memref<32xi32, #tpu.memory_space<vmem>>)
      %get3A_319 = arith.constant 0 : index
      %get3A_320 = tpu.vector_load %arg11[%get3A_319] {strides = array<i32>} : memref<32xi32, #tpu.memory_space<vmem>>, vector<16xi32>,
      %swap3A = arith.constant 0 : index
      %swap3A_321 = tpu.vector_load %arg7[%swap3A] {strides = array<i32>} : memref<32xi32, #tpu.memory_space<vmem>>, vector<16xi32>,
      tpu.vector_store %arg7[%swap3A], %get3A_320 {strides = array<i32>} : memref<32xi32, #tpu.memory_space<vmem>>, vector<16xi32>,
      %get3A_322 = arith.constant 0 : index
      %get3A_323 = tpu.vector_load %arg12[%get3A_322] {strides = array<i32>} : memref<32xi32, #tpu.memory_space<vmem>>, vector<16xi32>,
      %swap3A_324 = arith.constant 0 : index
      %swap3A_325 = tpu.vector_load %arg9[%swap3A_324] {strides = array<i32>} : memref<32xi32, #tpu.memory_space<vmem>>, vector<16xi32>,
      tpu.vector_store %arg9[%swap3A_324], %get3A_323 {strides = array<i32>} : memref<32xi32, #tpu.memory_space<vmem>>, vector<16xi32>,
      %get3A_326 = arith.constant 16 : index
      %get3A_327 = tpu.vector_load %arg11[%get3A_326] {strides = array<i32>} : memref<32xi32, #tpu.memory_space<vmem>>, vector<16xi32>,
      %swap3A_328 = arith.constant 16 : index
      %swap3A_329 = tpu.vector_load %arg7[%swap3A_328] {strides = array<i32>} : memref<32xi32, #tpu.memory_space<vmem>>, vector<16xi32>,
      tpu.vector_store %arg7[%swap3A_328], %get3A_327 {strides = array<i32>} : memref<32xi32, #tpu.memory_space<vmem>>, vector<16xi32>,
      %get3A_330 = arith.constant 16 : index
      %get3A_331 = tpu.vector_load %arg12[%get3A_330] {strides = array<i32>} : memref<32xi32, #tpu.memory_space<vmem>>, vector<16xi32>,
      %swap3A_332 = arith.constant 16 : index
      %swap3A_333 = tpu.vector_load %arg9[%swap3A_332] {strides = array<i32>} : memref<32xi32, #tpu.memory_space<vmem>>, vector<16xi32>,
      tpu.vector_store %arg9[%swap3A_332], %get3A_331 {strides = array<i32>} : memref<32xi32, #tpu.memory_space<vmem>>, vector<16xi32>,
      %add3A_334 = arith.constant 4 : i32
      %add3A_335 = arith.addi %mul3A_296, %add3A_334 : i32
      %mul3A_336 = arith.constant 32 : i32
      %mul3A_337 = arith.muli %add3A_335, %mul3A_336 : i32
      %add3A_338 = arith.addi %add3A_19, %mul3A_337 : i32
      %dma_start3A_339 = tpu.memref_slice %arg3[%add3A_338] : memref<655360xi32, #tpu.memory_space<hbm>> -> memref<32xi32, #tpu.memory_space<hbm>>
      %dma_start3A_340 = tpu.memref_slice %arg3[%add3A_338] : memref<655360xi32, #tpu.memory_space<hbm>> -> memref<32xi32, #tpu.memory_space<hbm>>
      tpu.enqueue_dma source(%dma_start3A_340 : memref<32xi32, #tpu.memory_space<hbm>>) target(%arg11 : memref<32xi32, #tpu.memory_space<vmem>>) target_semaphore(%arg22 : memref<!tpu.dma_semaphore, #tpu.memory_space<semaphore_mem>>)
      %mul3A_341 = arith.constant 32 : i32
      %mul3A_342 = arith.muli %add3A_335, %mul3A_341 : i32
      %add3A_343 = arith.addi %add3A_19, %mul3A_342 : i32
      %dma_start3A_344 = tpu.memref_slice %arg4[%add3A_343] : memref<655360xi32, #tpu.memory_space<hbm>> -> memref<32xi32, #tpu.memory_space<hbm>>
      %dma_start3A_345 = tpu.memref_slice %arg4[%add3A_343] : memref<655360xi32, #tpu.memory_space<hbm>> -> memref<32xi32, #tpu.memory_space<hbm>>
      tpu.enqueue_dma source(%dma_start3A_345 : memref<32xi32, #tpu.memory_space<hbm>>) target(%arg12 : memref<32xi32, #tpu.memory_space<vmem>>) target_semaphore(%arg22 : memref<!tpu.dma_semaphore, #tpu.memory_space<semaphore_mem>>)
      %dma_start3A_346 = arith.constant 0 : i32
      %dma_start3A_347 = arith.constant 0 : i32
      %dma_start3A_348 = arith.constant 0 : i32
      %dma_start3A_349 = tpu.memref_slice %arg2[%dma_start3A_346, %dma_start3A_347, %dma_start3A_348] : memref<10240x2x128xf32, #tpu.memory_space<hbm>> -> memref<10240x2x128xf32, #tpu.memory_space<hbm>>
      tpu.enqueue_indirect_dma source(%dma_start3A_349 : memref<10240x2x128xf32, #tpu.memory_space<hbm>>) target(%arg17 : memref<32x2x128xf32, #tpu.memory_space<vmem>>) offsets(%arg9 : memref<32xi32, #tpu.memory_space<vmem>>) semaphore(%arg24 : memref<!tpu.dma_semaphore, #tpu.memory_space<semaphore_mem>>)
      %dma_wait3A_350 = arith.constant 0 : i32
      %dma_wait3A_351 = arith.constant 0 : i32
      %dma_wait3A_352 = arith.constant 0 : i32
      %dma_wait3A_353 = tpu.memref_slice %arg2[%dma_wait3A_350, %dma_wait3A_351, %dma_wait3A_352] : memref<10240x2x128xf32, #tpu.memory_space<hbm>> -> memref<10240x2x128xf32, #tpu.memory_space<hbm>>
      tpu.wait_indirect_dma semaphore(%arg25 : memref<!tpu.dma_semaphore, #tpu.memory_space<semaphore_mem>>) src(%dma_wait3A_353 : memref<10240x2x128xf32, #tpu.memory_space<hbm>>) dst(%arg18 : memref<32x2x128xf32, #tpu.memory_space<vmem>>)
      "tpu.region"() ({
        %run_scoped3A = tpu.sem_alloc : memref<!tpu.dma_semaphore, #tpu.memory_space<semaphore_mem>>
        %dma_start3A_395 = arith.constant 0 : i32
        %dma_start3A_396 = arith.constant 0 : i32
        %dma_start3A_397 = arith.constant 0 : i32
        %dma_start3A_398 = tpu.memref_slice %arg19[%dma_start3A_395, %dma_start3A_396, %dma_start3A_397] : memref<5120x2x128xf32, #tpu.memory_space<vmem_shared>> -> memref<5120x2x128xf32, #tpu.memory_space<vmem_shared>>
        tpu.enqueue_indirect_dma source(%arg18 : memref<32x2x128xf32, #tpu.memory_space<vmem>>) target(%dma_start3A_398 : memref<5120x2x128xf32, #tpu.memory_space<vmem_shared>>) offsets(%arg8 : memref<32xi32, #tpu.memory_space<vmem>>) semaphore(%run_scoped3A : memref<!tpu.dma_semaphore, #tpu.memory_space<semaphore_mem>>) {add = true}
        %dma_wait3A_399 = arith.constant 0 : i32
        %dma_wait3A_400 = arith.constant 0 : i32
        %dma_wait3A_401 = arith.constant 0 : i32
        %dma_wait3A_402 = tpu.memref_slice %arg19[%dma_wait3A_399, %dma_wait3A_400, %dma_wait3A_401] : memref<5120x2x128xf32, #tpu.memory_space<vmem_shared>> -> memref<5120x2x128xf32, #tpu.memory_space<vmem_shared>>
        tpu.wait_indirect_dma semaphore(%run_scoped3A : memref<!tpu.dma_semaphore, #tpu.memory_space<semaphore_mem>>) src(%arg18 : memref<32x2x128xf32, #tpu.memory_space<vmem>>) dst(%dma_wait3A_402 : memref<5120x2x128xf32, #tpu.memory_space<vmem_shared>>)
        tpu.yield
      }) : () -> ()
      %add3A_354 = arith.constant 2 : i32
      %add3A_355 = arith.addi %add3A_298, %add3A_354 : i32
      %mul3A_356 = arith.constant 32 : i32
      %mul3A_357 = arith.muli %add3A_355, %mul3A_356 : i32
      %add3A_358 = arith.addi %add3A_19, %mul3A_357 : i32
      %dma_wait3A_359 = tpu.memref_slice %arg3[%add3A_358] : memref<655360xi32, #tpu.memory_space<hbm>> -> memref<32xi32, #tpu.memory_space<hbm>>
      %dma_wait3A_360 = tpu.memref_slice %arg3[%add3A_358] : memref<655360xi32, #tpu.memory_space<hbm>> -> memref<32xi32, #tpu.memory_space<hbm>>
      tpu.wait_dma2 semaphore(%arg23 : memref<!tpu.dma_semaphore, #tpu.memory_space<semaphore_mem>>) src(%dma_wait3A_360 : memref<32xi32, #tpu.memory_space<hbm>>) dst(%arg13 : memref<32xi32, #tpu.memory_space<vmem>>)
      %mul3A_361 = arith.constant 32 : i32
      %mul3A_362 = arith.muli %add3A_355, %mul3A_361 : i32
      %add3A_363 = arith.addi %add3A_19, %mul3A_362 : i32
      %dma_wait3A_364 = tpu.memref_slice %arg4[%add3A_363] : memref<655360xi32, #tpu.memory_space<hbm>> -> memref<32xi32, #tpu.memory_space<hbm>>
      %dma_wait3A_365 = tpu.memref_slice %arg4[%add3A_363] : memref<655360xi32, #tpu.memory_space<hbm>> -> memref<32xi32, #tpu.memory_space<hbm>>
      tpu.wait_dma2 semaphore(%arg23 : memref<!tpu.dma_semaphore, #tpu.memory_space<semaphore_mem>>) src(%dma_wait3A_365 : memref<32xi32, #tpu.memory_space<hbm>>) dst(%arg14 : memref<32xi32, #tpu.memory_space<vmem>>)
      %get3A_366 = arith.constant 0 : index
      %get3A_367 = tpu.vector_load %arg13[%get3A_366] {strides = array<i32>} : memref<32xi32, #tpu.memory_space<vmem>>, vector<16xi32>,
      %swap3A_368 = arith.constant 0 : index
      %swap3A_369 = tpu.vector_load %arg8[%swap3A_368] {strides = array<i32>} : memref<32xi32, #tpu.memory_space<vmem>>, vector<16xi32>,
      tpu.vector_store %arg8[%swap3A_368], %get3A_367 {strides = array<i32>} : memref<32xi32, #tpu.memory_space<vmem>>, vector<16xi32>,
      %get3A_370 = arith.constant 0 : index
      %get3A_371 = tpu.vector_load %arg14[%get3A_370] {strides = array<i32>} : memref<32xi32, #tpu.memory_space<vmem>>, vector<16xi32>,
      %swap3A_372 = arith.constant 0 : index
      %swap3A_373 = tpu.vector_load %arg10[%swap3A_372] {strides = array<i32>} : memref<32xi32, #tpu.memory_space<vmem>>, vector<16xi32>,
      tpu.vector_store %arg10[%swap3A_372], %get3A_371 {strides = array<i32>} : memref<32xi32, #tpu.memory_space<vmem>>, vector<16xi32>,
      %get3A_374 = arith.constant 16 : index
      %get3A_375 = tpu.vector_load %arg13[%get3A_374] {strides = array<i32>} : memref<32xi32, #tpu.memory_space<vmem>>, vector<16xi32>,
      %swap3A_376 = arith.constant 16 : index
      %swap3A_377 = tpu.vector_load %arg8[%swap3A_376] {strides = array<i32>} : memref<32xi32, #tpu.memory_space<vmem>>, vector<16xi32>,
      tpu.vector_store %arg8[%swap3A_376], %get3A_375 {strides = array<i32>} : memref<32xi32, #tpu.memory_space<vmem>>, vector<16xi32>,
      %get3A_378 = arith.constant 16 : index
      %get3A_379 = tpu.vector_load %arg14[%get3A_378] {strides = array<i32>} : memref<32xi32, #tpu.memory_space<vmem>>, vector<16xi32>,
      %swap3A_380 = arith.constant 16 : index
      %swap3A_381 = tpu.vector_load %arg10[%swap3A_380] {strides = array<i32>} : memref<32xi32, #tpu.memory_space<vmem>>, vector<16xi32>,
      tpu.vector_store %arg10[%swap3A_380], %get3A_379 {strides = array<i32>} : memref<32xi32, #tpu.memory_space<vmem>>, vector<16xi32>,
      %add3A_382 = arith.constant 4 : i32
      %add3A_383 = arith.addi %add3A_298, %add3A_382 : i32
      %mul3A_384 = arith.constant 32 : i32
      %mul3A_385 = arith.muli %add3A_383, %mul3A_384 : i32
      %add3A_386 = arith.addi %add3A_19, %mul3A_385 : i32
      %dma_start3A_387 = tpu.memref_slice %arg3[%add3A_386] : memref<655360xi32, #tpu.memory_space<hbm>> -> memref<32xi32, #tpu.memory_space<hbm>>
      %dma_start3A_388 = tpu.memref_slice %arg3[%add3A_386] : memref<655360xi32, #tpu.memory_space<hbm>> -> memref<32xi32, #tpu.memory_space<hbm>>
      tpu.enqueue_dma source(%dma_start3A_388 : memref<32xi32, #tpu.memory_space<hbm>>) target(%arg13 : memref<32xi32, #tpu.memory_space<vmem>>) target_semaphore(%arg23 : memref<!tpu.dma_semaphore, #tpu.memory_space<semaphore_mem>>)
      %mul3A_389 = arith.constant 32 : i32
      %mul3A_390 = arith.muli %add3A_383, %mul3A_389 : i32
      %add3A_391 = arith.addi %add3A_19, %mul3A_390 : i32
      %dma_start3A_392 = tpu.memref_slice %arg4[%add3A_391] : memref<655360xi32, #tpu.memory_space<hbm>> -> memref<32xi32, #tpu.memory_space<hbm>>
      %dma_start3A_393 = tpu.memref_slice %arg4[%add3A_391] : memref<655360xi32, #tpu.memory_space<hbm>> -> memref<32xi32, #tpu.memory_space<hbm>>
      tpu.enqueue_dma source(%dma_start3A_393 : memref<32xi32, #tpu.memory_space<hbm>>) target(%arg14 : memref<32xi32, #tpu.memory_space<vmem>>) target_semaphore(%arg23 : memref<!tpu.dma_semaphore, #tpu.memory_space<semaphore_mem>>)
      %while3A_394 = arith.constant 0 : i32
      scf.yield %while3A_394 : i32
    }
    %dma_start3A_107 = arith.constant 0 : i32
    %dma_start3A_108 = arith.constant 0 : i32
    %dma_start3A_109 = arith.constant 0 : i32
    %dma_start3A_110 = tpu.memref_slice %arg2[%dma_start3A_107, %dma_start3A_108, %dma_start3A_109] : memref<10240x2x128xf32, #tpu.memory_space<hbm>> -> memref<10240x2x128xf32, #tpu.memory_space<hbm>>
    tpu.enqueue_indirect_dma source(%dma_start3A_110 : memref<10240x2x128xf32, #tpu.memory_space<hbm>>) target(%arg18 : memref<32x2x128xf32, #tpu.memory_space<vmem>>) offsets(%arg10 : memref<32xi32, #tpu.memory_space<vmem>>) semaphore(%arg25 : memref<!tpu.dma_semaphore, #tpu.memory_space<semaphore_mem>>)
    %dma_wait3A_111 = arith.constant 0 : i32
    %dma_wait3A_112 = arith.constant 0 : i32
    %dma_wait3A_113 = arith.constant 0 : i32
    %dma_wait3A_114 = tpu.memref_slice %arg2[%dma_wait3A_111, %dma_wait3A_112, %dma_wait3A_113] : memref<10240x2x128xf32, #tpu.memory_space<hbm>> -> memref<10240x2x128xf32, #tpu.memory_space<hbm>>
    tpu.wait_indirect_dma semaphore(%arg24 : memref<!tpu.dma_semaphore, #tpu.memory_space<semaphore_mem>>) src(%dma_wait3A_114 : memref<10240x2x128xf32, #tpu.memory_space<hbm>>) dst(%arg17 : memref<32x2x128xf32, #tpu.memory_space<vmem>>)
    "tpu.region"() ({
      %run_scoped3A = tpu.sem_alloc : memref<!tpu.dma_semaphore, #tpu.memory_space<semaphore_mem>>
      %dma_start3A_293 = arith.constant 0 : i32
      %dma_start3A_294 = arith.constant 0 : i32
      %dma_start3A_295 = arith.constant 0 : i32
      %dma_start3A_296 = tpu.memref_slice %arg19[%dma_start3A_293, %dma_start3A_294, %dma_start3A_295] : memref<5120x2x128xf32, #tpu.memory_space<vmem_shared>> -> memref<5120x2x128xf32, #tpu.memory_space<vmem_shared>>
      tpu.enqueue_indirect_dma source(%arg17 : memref<32x2x128xf32, #tpu.memory_space<vmem>>) target(%dma_start3A_296 : memref<5120x2x128xf32, #tpu.memory_space<vmem_shared>>) offsets(%arg7 : memref<32xi32, #tpu.memory_space<vmem>>) semaphore(%run_scoped3A : memref<!tpu.dma_semaphore, #tpu.memory_space<semaphore_mem>>) {add = true}
      %dma_wait3A_297 = arith.constant 0 : i32
      %dma_wait3A_298 = arith.constant 0 : i32
      %dma_wait3A_299 = arith.constant 0 : i32
      %dma_wait3A_300 = tpu.memref_slice %arg19[%dma_wait3A_297, %dma_wait3A_298, %dma_wait3A_299] : memref<5120x2x128xf32, #tpu.memory_space<vmem_shared>> -> memref<5120x2x128xf32, #tpu.memory_space<vmem_shared>>
      tpu.wait_indirect_dma semaphore(%run_scoped3A : memref<!tpu.dma_semaphore, #tpu.memory_space<semaphore_mem>>) src(%arg17 : memref<32x2x128xf32, #tpu.memory_space<vmem>>) dst(%dma_wait3A_300 : memref<5120x2x128xf32, #tpu.memory_space<vmem_shared>>)
      tpu.yield
    }) : () -> ()
    %dma_wait3A_115 = arith.constant 0 : i32
    %dma_wait3A_116 = arith.constant 0 : i32
    %dma_wait3A_117 = arith.constant 0 : i32
    %dma_wait3A_118 = tpu.memref_slice %arg2[%dma_wait3A_115, %dma_wait3A_116, %dma_wait3A_117] : memref<10240x2x128xf32, #tpu.memory_space<hbm>> -> memref<10240x2x128xf32, #tpu.memory_space<hbm>>
    tpu.wait_indirect_dma semaphore(%arg25 : memref<!tpu.dma_semaphore, #tpu.memory_space<semaphore_mem>>) src(%dma_wait3A_118 : memref<10240x2x128xf32, #tpu.memory_space<hbm>>) dst(%arg18 : memref<32x2x128xf32, #tpu.memory_space<vmem>>)
    "tpu.region"() ({
      %run_scoped3A = tpu.sem_alloc : memref<!tpu.dma_semaphore, #tpu.memory_space<semaphore_mem>>
      %dma_start3A_293 = arith.constant 0 : i32
      %dma_start3A_294 = arith.constant 0 : i32
      %dma_start3A_295 = arith.constant 0 : i32
      %dma_start3A_296 = tpu.memref_slice %arg19[%dma_start3A_293, %dma_start3A_294, %dma_start3A_295] : memref<5120x2x128xf32, #tpu.memory_space<vmem_shared>> -> memref<5120x2x128xf32, #tpu.memory_space<vmem_shared>>
      tpu.enqueue_indirect_dma source(%arg18 : memref<32x2x128xf32, #tpu.memory_space<vmem>>) target(%dma_start3A_296 : memref<5120x2x128xf32, #tpu.memory_space<vmem_shared>>) offsets(%arg8 : memref<32xi32, #tpu.memory_space<vmem>>) semaphore(%run_scoped3A : memref<!tpu.dma_semaphore, #tpu.memory_space<semaphore_mem>>) {add = true}
      %dma_wait3A_297 = arith.constant 0 : i32
      %dma_wait3A_298 = arith.constant 0 : i32
      %dma_wait3A_299 = arith.constant 0 : i32
      %dma_wait3A_300 = tpu.memref_slice %arg19[%dma_wait3A_297, %dma_wait3A_298, %dma_wait3A_299] : memref<5120x2x128xf32, #tpu.memory_space<vmem_shared>> -> memref<5120x2x128xf32, #tpu.memory_space<vmem_shared>>
      tpu.wait_indirect_dma semaphore(%run_scoped3A : memref<!tpu.dma_semaphore, #tpu.memory_space<semaphore_mem>>) src(%arg18 : memref<32x2x128xf32, #tpu.memory_space<vmem>>) dst(%dma_wait3A_300 : memref<5120x2x128xf32, #tpu.memory_space<vmem_shared>>)
      tpu.yield
    }) : () -> ()
    %mul3A_119 = arith.constant 32 : i32
    %mul3A_120 = arith.muli %squeeze3A, %mul3A_119 : i32
    %add3A_121 = arith.addi %add3A_19, %mul3A_120 : i32
    %dma_wait3A_122 = tpu.memref_slice %arg3[%add3A_121] : memref<655360xi32, #tpu.memory_space<hbm>> -> memref<32xi32, #tpu.memory_space<hbm>>
    %dma_wait3A_123 = tpu.memref_slice %arg3[%add3A_121] : memref<655360xi32, #tpu.memory_space<hbm>> -> memref<32xi32, #tpu.memory_space<hbm>>
    tpu.wait_dma2 semaphore(%arg22 : memref<!tpu.dma_semaphore, #tpu.memory_space<semaphore_mem>>) src(%dma_wait3A_123 : memref<32xi32, #tpu.memory_space<hbm>>) dst(%arg11 : memref<32xi32, #tpu.memory_space<vmem>>)
    %mul3A_124 = arith.constant 32 : i32
    %mul3A_125 = arith.muli %squeeze3A, %mul3A_124 : i32
    %add3A_126 = arith.addi %add3A_19, %mul3A_125 : i32
    %dma_wait3A_127 = tpu.memref_slice %arg4[%add3A_126] : memref<655360xi32, #tpu.memory_space<hbm>> -> memref<32xi32, #tpu.memory_space<hbm>>
    %dma_wait3A_128 = tpu.memref_slice %arg4[%add3A_126] : memref<655360xi32, #tpu.memory_space<hbm>> -> memref<32xi32, #tpu.memory_space<hbm>>
    tpu.wait_dma2 semaphore(%arg22 : memref<!tpu.dma_semaphore, #tpu.memory_space<semaphore_mem>>) src(%dma_wait3A_128 : memref<32xi32, #tpu.memory_space<hbm>>) dst(%arg12 : memref<32xi32, #tpu.memory_space<vmem>>)
    %add3A_129 = arith.constant 1 : i32
    %add3A_130 = arith.addi %squeeze3A, %add3A_129 : i32
    %mul3A_131 = arith.constant 32 : i32
    %mul3A_132 = arith.muli %add3A_130, %mul3A_131 : i32
    %add3A_133 = arith.addi %add3A_19, %mul3A_132 : i32
    %dma_wait3A_134 = tpu.memref_slice %arg3[%add3A_133] : memref<655360xi32, #tpu.memory_space<hbm>> -> memref<32xi32, #tpu.memory_space<hbm>>
    %dma_wait3A_135 = tpu.memref_slice %arg3[%add3A_133] : memref<655360xi32, #tpu.memory_space<hbm>> -> memref<32xi32, #tpu.memory_space<hbm>>
    tpu.wait_dma2 semaphore(%arg23 : memref<!tpu.dma_semaphore, #tpu.memory_space<semaphore_mem>>) src(%dma_wait3A_135 : memref<32xi32, #tpu.memory_space<hbm>>) dst(%arg13 : memref<32xi32, #tpu.memory_space<vmem>>)
    %mul3A_136 = arith.constant 32 : i32
    %mul3A_137 = arith.muli %add3A_130, %mul3A_136 : i32
    %add3A_138 = arith.addi %add3A_19, %mul3A_137 : i32
    %dma_wait3A_139 = tpu.memref_slice %arg4[%add3A_138] : memref<655360xi32, #tpu.memory_space<hbm>> -> memref<32xi32, #tpu.memory_space<hbm>>
    %dma_wait3A_140 = tpu.memref_slice %arg4[%add3A_138] : memref<655360xi32, #tpu.memory_space<hbm>> -> memref<32xi32, #tpu.memory_space<hbm>>
    tpu.wait_dma2 semaphore(%arg23 : memref<!tpu.dma_semaphore, #tpu.memory_space<semaphore_mem>>) src(%dma_wait3A_140 : memref<32xi32, #tpu.memory_space<hbm>>) dst(%arg14 : memref<32xi32, #tpu.memory_space<vmem>>)
    %mul3A_141 = arith.constant 2 : i32
    %mul3A_142 = arith.muli %mul3A_141, %arg1 : i32
    %add3A_143 = arith.constant 1 : i32
    %add3A_144 = arith.addi %mul3A_142, %add3A_143 : i32
    %mul3A_145 = arith.constant 327680 : i32
    %mul3A_146 = arith.muli %arg0, %mul3A_145 : i32
    %mul3A_147 = arith.constant 10240 : i32
    %mul3A_148 = arith.muli %add3A_144, %mul3A_147 : i32
    %add3A_149 = arith.addi %mul3A_146, %mul3A_148 : i32
    %mul3A_150 = arith.constant 32 : i32
    %mul3A_151 = arith.muli %arg0, %mul3A_150 : i32
    %mul3A_152 = arith.constant 16 : i32
    %mul3A_153 = arith.muli %mul3A_151, %mul3A_152 : i32
    %mul3A_154 = arith.constant 16 : i32
    %mul3A_155 = arith.muli %add3A_144, %mul3A_154 : i32
    %add3A_156 = arith.addi %mul3A_153, %mul3A_155 : i32
    "tpu.region"() ({
      %run_scoped3A = tpu.sem_alloc : memref<!tpu.dma_semaphore, #tpu.memory_space<semaphore_mem>>
      %dma_start3A_293 = tpu.memref_slice %arg5[%add3A_156] : memref<1024xi32, #tpu.memory_space<hbm>> -> memref<16xi32, #tpu.memory_space<hbm>>
      %dma_start3A_294 = tpu.memref_slice %arg5[%add3A_156] : memref<1024xi32, #tpu.memory_space<hbm>> -> memref<16xi32, #tpu.memory_space<hbm>>
      tpu.enqueue_dma source(%dma_start3A_294 : memref<16xi32, #tpu.memory_space<hbm>>) target(%arg15 : memref<16xi32, #tpu.memory_space<vmem>>) target_semaphore(%run_scoped3A : memref<!tpu.dma_semaphore, #tpu.memory_space<semaphore_mem>>)
      %dma_wait3A_295 = tpu.memref_slice %arg5[%add3A_156] : memref<1024xi32, #tpu.memory_space<hbm>> -> memref<16xi32, #tpu.memory_space<hbm>>
      %dma_wait3A_296 = tpu.memref_slice %arg5[%add3A_156] : memref<1024xi32, #tpu.memory_space<hbm>> -> memref<16xi32, #tpu.memory_space<hbm>>
      tpu.wait_dma2 semaphore(%run_scoped3A : memref<!tpu.dma_semaphore, #tpu.memory_space<semaphore_mem>>) src(%dma_wait3A_296 : memref<16xi32, #tpu.memory_space<hbm>>) dst(%arg15 : memref<16xi32, #tpu.memory_space<vmem>>)
      tpu.yield
    }) : () -> ()
    %get3A_157 = arith.constant 0 : index
    %get3A_158 = tpu.vector_load %arg15[%get3A_157] {strides = array<i32>} : memref<16xi32, #tpu.memory_space<vmem>>, vector<16xi32>,
    %slice3A_159 = vector.extract_strided_slice %get3A_158 {offsets = [0], sizes = [1], strides = [1]} : vector<16xi32> to vector<1xi32>
    %squeeze3A_160 = vector.extract %slice3A_159[0] : i32 from vector<1xi32>
    %add3A_161 = arith.constant 0 : i32
    %add3A_162 = arith.addi %add3A_149, %add3A_161 : i32
    %dma_start3A_163 = tpu.memref_slice %arg3[%add3A_162] : memref<655360xi32, #tpu.memory_space<hbm>> -> memref<32xi32, #tpu.memory_space<hbm>>
    %dma_start3A_164 = tpu.memref_slice %arg3[%add3A_162] : memref<655360xi32, #tpu.memory_space<hbm>> -> memref<32xi32, #tpu.memory_space<hbm>>
    tpu.enqueue_dma source(%dma_start3A_164 : memref<32xi32, #tpu.memory_space<hbm>>) target(%arg7 : memref<32xi32, #tpu.memory_space<vmem>>) target_semaphore(%arg20 : memref<!tpu.dma_semaphore, #tpu.memory_space<semaphore_mem>>)
    %add3A_165 = arith.constant 0 : i32
    %add3A_166 = arith.addi %add3A_149, %add3A_165 : i32
    %dma_start3A_167 = tpu.memref_slice %arg4[%add3A_166] : memref<655360xi32, #tpu.memory_space<hbm>> -> memref<32xi32, #tpu.memory_space<hbm>>
    %dma_start3A_168 = tpu.memref_slice %arg4[%add3A_166] : memref<655360xi32, #tpu.memory_space<hbm>> -> memref<32xi32, #tpu.memory_space<hbm>>
    tpu.enqueue_dma source(%dma_start3A_168 : memref<32xi32, #tpu.memory_space<hbm>>) target(%arg9 : memref<32xi32, #tpu.memory_space<vmem>>) target_semaphore(%arg20 : memref<!tpu.dma_semaphore, #tpu.memory_space<semaphore_mem>>)
    %add3A_169 = arith.constant 32 : i32
    %add3A_170 = arith.addi %add3A_149, %add3A_169 : i32
    %dma_start3A_171 = tpu.memref_slice %arg3[%add3A_170] : memref<655360xi32, #tpu.memory_space<hbm>> -> memref<32xi32, #tpu.memory_space<hbm>>
    %dma_start3A_172 = tpu.memref_slice %arg3[%add3A_170] : memref<655360xi32, #tpu.memory_space<hbm>> -> memref<32xi32, #tpu.memory_space<hbm>>
    tpu.enqueue_dma source(%dma_start3A_172 : memref<32xi32, #tpu.memory_space<hbm>>) target(%arg8 : memref<32xi32, #tpu.memory_space<vmem>>) target_semaphore(%arg21 : memref<!tpu.dma_semaphore, #tpu.memory_space<semaphore_mem>>)
    %add3A_173 = arith.constant 32 : i32
    %add3A_174 = arith.addi %add3A_149, %add3A_173 : i32
    %dma_start3A_175 = tpu.memref_slice %arg4[%add3A_174] : memref<655360xi32, #tpu.memory_space<hbm>> -> memref<32xi32, #tpu.memory_space<hbm>>
    %dma_start3A_176 = tpu.memref_slice %arg4[%add3A_174] : memref<655360xi32, #tpu.memory_space<hbm>> -> memref<32xi32, #tpu.memory_space<hbm>>
    tpu.enqueue_dma source(%dma_start3A_176 : memref<32xi32, #tpu.memory_space<hbm>>) target(%arg10 : memref<32xi32, #tpu.memory_space<vmem>>) target_semaphore(%arg21 : memref<!tpu.dma_semaphore, #tpu.memory_space<semaphore_mem>>)
    %add3A_177 = arith.constant 64 : i32
    %add3A_178 = arith.addi %add3A_149, %add3A_177 : i32
    %dma_start3A_179 = tpu.memref_slice %arg3[%add3A_178] : memref<655360xi32, #tpu.memory_space<hbm>> -> memref<32xi32, #tpu.memory_space<hbm>>
    %dma_start3A_180 = tpu.memref_slice %arg3[%add3A_178] : memref<655360xi32, #tpu.memory_space<hbm>> -> memref<32xi32, #tpu.memory_space<hbm>>
    tpu.enqueue_dma source(%dma_start3A_180 : memref<32xi32, #tpu.memory_space<hbm>>) target(%arg11 : memref<32xi32, #tpu.memory_space<vmem>>) target_semaphore(%arg22 : memref<!tpu.dma_semaphore, #tpu.memory_space<semaphore_mem>>)
    %add3A_181 = arith.constant 64 : i32
    %add3A_182 = arith.addi %add3A_149, %add3A_181 : i32
    %dma_start3A_183 = tpu.memref_slice %arg4[%add3A_182] : memref<655360xi32, #tpu.memory_space<hbm>> -> memref<32xi32, #tpu.memory_space<hbm>>
    %dma_start3A_184 = tpu.memref_slice %arg4[%add3A_182] : memref<655360xi32, #tpu.memory_space<hbm>> -> memref<32xi32, #tpu.memory_space<hbm>>
    tpu.enqueue_dma source(%dma_start3A_184 : memref<32xi32, #tpu.memory_space<hbm>>) target(%arg12 : memref<32xi32, #tpu.memory_space<vmem>>) target_semaphore(%arg22 : memref<!tpu.dma_semaphore, #tpu.memory_space<semaphore_mem>>)
    %add3A_185 = arith.constant 96 : i32
    %add3A_186 = arith.addi %add3A_149, %add3A_185 : i32
    %dma_start3A_187 = tpu.memref_slice %arg3[%add3A_186] : memref<655360xi32, #tpu.memory_space<hbm>> -> memref<32xi32, #tpu.memory_space<hbm>>
    %dma_start3A_188 = tpu.memref_slice %arg3[%add3A_186] : memref<655360xi32, #tpu.memory_space<hbm>> -> memref<32xi32, #tpu.memory_space<hbm>>
    tpu.enqueue_dma source(%dma_start3A_188 : memref<32xi32, #tpu.memory_space<hbm>>) target(%arg13 : memref<32xi32, #tpu.memory_space<vmem>>) target_semaphore(%arg23 : memref<!tpu.dma_semaphore, #tpu.memory_space<semaphore_mem>>)
    %add3A_189 = arith.constant 96 : i32
    %add3A_190 = arith.addi %add3A_149, %add3A_189 : i32
    %dma_start3A_191 = tpu.memref_slice %arg4[%add3A_190] : memref<655360xi32, #tpu.memory_space<hbm>> -> memref<32xi32, #tpu.memory_space<hbm>>
    %dma_start3A_192 = tpu.memref_slice %arg4[%add3A_190] : memref<655360xi32, #tpu.memory_space<hbm>> -> memref<32xi32, #tpu.memory_space<hbm>>
    tpu.enqueue_dma source(%dma_start3A_192 : memref<32xi32, #tpu.memory_space<hbm>>) target(%arg14 : memref<32xi32, #tpu.memory_space<vmem>>) target_semaphore(%arg23 : memref<!tpu.dma_semaphore, #tpu.memory_space<semaphore_mem>>)
    %add3A_193 = arith.constant 0 : i32
    %add3A_194 = arith.addi %add3A_149, %add3A_193 : i32
    %dma_wait3A_195 = tpu.memref_slice %arg3[%add3A_194] : memref<655360xi32, #tpu.memory_space<hbm>> -> memref<32xi32, #tpu.memory_space<hbm>>
    %dma_wait3A_196 = tpu.memref_slice %arg3[%add3A_194] : memref<655360xi32, #tpu.memory_space<hbm>> -> memref<32xi32, #tpu.memory_space<hbm>>
    tpu.wait_dma2 semaphore(%arg20 : memref<!tpu.dma_semaphore, #tpu.memory_space<semaphore_mem>>) src(%dma_wait3A_196 : memref<32xi32, #tpu.memory_space<hbm>>) dst(%arg7 : memref<32xi32, #tpu.memory_space<vmem>>)
    %add3A_197 = arith.constant 0 : i32
    %add3A_198 = arith.addi %add3A_149, %add3A_197 : i32
    %dma_wait3A_199 = tpu.memref_slice %arg4[%add3A_198] : memref<655360xi32, #tpu.memory_space<hbm>> -> memref<32xi32, #tpu.memory_space<hbm>>
    %dma_wait3A_200 = tpu.memref_slice %arg4[%add3A_198] : memref<655360xi32, #tpu.memory_space<hbm>> -> memref<32xi32, #tpu.memory_space<hbm>>
    tpu.wait_dma2 semaphore(%arg20 : memref<!tpu.dma_semaphore, #tpu.memory_space<semaphore_mem>>) src(%dma_wait3A_200 : memref<32xi32, #tpu.memory_space<hbm>>) dst(%arg9 : memref<32xi32, #tpu.memory_space<vmem>>)
    %dma_start3A_201 = arith.constant 0 : i32
    %dma_start3A_202 = arith.constant 0 : i32
    %dma_start3A_203 = arith.constant 0 : i32
    %dma_start3A_204 = tpu.memref_slice %arg2[%dma_start3A_201, %dma_start3A_202, %dma_start3A_203] : memref<10240x2x128xf32, #tpu.memory_space<hbm>> -> memref<10240x2x128xf32, #tpu.memory_space<hbm>>
    tpu.enqueue_indirect_dma source(%dma_start3A_204 : memref<10240x2x128xf32, #tpu.memory_space<hbm>>) target(%arg17 : memref<32x2x128xf32, #tpu.memory_space<vmem>>) offsets(%arg9 : memref<32xi32, #tpu.memory_space<vmem>>) semaphore(%arg24 : memref<!tpu.dma_semaphore, #tpu.memory_space<semaphore_mem>>)
    %add3A_205 = arith.constant 32 : i32
    %add3A_206 = arith.addi %add3A_149, %add3A_205 : i32
    %dma_wait3A_207 = tpu.memref_slice %arg3[%add3A_206] : memref<655360xi32, #tpu.memory_space<hbm>> -> memref<32xi32, #tpu.memory_space<hbm>>
    %dma_wait3A_208 = tpu.memref_slice %arg3[%add3A_206] : memref<655360xi32, #tpu.memory_space<hbm>> -> memref<32xi32, #tpu.memory_space<hbm>>
    tpu.wait_dma2 semaphore(%arg21 : memref<!tpu.dma_semaphore, #tpu.memory_space<semaphore_mem>>) src(%dma_wait3A_208 : memref<32xi32, #tpu.memory_space<hbm>>) dst(%arg8 : memref<32xi32, #tpu.memory_space<vmem>>)
    %add3A_209 = arith.constant 32 : i32
    %add3A_210 = arith.addi %add3A_149, %add3A_209 : i32
    %dma_wait3A_211 = tpu.memref_slice %arg4[%add3A_210] : memref<655360xi32, #tpu.memory_space<hbm>> -> memref<32xi32, #tpu.memory_space<hbm>>
    %dma_wait3A_212 = tpu.memref_slice %arg4[%add3A_210] : memref<655360xi32, #tpu.memory_space<hbm>> -> memref<32xi32, #tpu.memory_space<hbm>>
    tpu.wait_dma2 semaphore(%arg21 : memref<!tpu.dma_semaphore, #tpu.memory_space<semaphore_mem>>) src(%dma_wait3A_212 : memref<32xi32, #tpu.memory_space<hbm>>) dst(%arg10 : memref<32xi32, #tpu.memory_space<vmem>>)
    %jit3A_213 = arith.constant 2 : i32
    %div3A_214 = arith.divsi %squeeze3A_160, %jit3A_213 : i32
    %sign3A_215 = arith.constant 0 : i32
    %sign3A_216 = arith.cmpi sgt, %squeeze3A_160, %sign3A_215 : i32
    %sign3A_217 = arith.extui %sign3A_216 : i1 to i32
    %sign3A_218 = arith.constant 0 : i32
    %sign3A_219 = arith.cmpi slt, %squeeze3A_160, %sign3A_218 : i32
    %sign3A_220 = arith.extui %sign3A_219 : i1 to i32
    %sign3A_221 = arith.subi %sign3A_217, %sign3A_220 : i32
    %sign3A_222 = arith.constant 0 : i32
    %sign3A_223 = arith.cmpi sgt, %jit3A_213, %sign3A_222 : i32
    %sign3A_224 = arith.extui %sign3A_223 : i1 to i32
    %sign3A_225 = arith.constant 0 : i32
    %sign3A_226 = arith.cmpi slt, %jit3A_213, %sign3A_225 : i32
    %sign3A_227 = arith.extui %sign3A_226 : i1 to i32
    %sign3A_228 = arith.subi %sign3A_224, %sign3A_227 : i32
    %ne3A_229 = arith.cmpi ne, %sign3A_221, %sign3A_228 : i32
    %rem3A_230 = arith.remsi %squeeze3A_160, %jit3A_213 : i32
    %ne3A_231 = arith.constant 0 : i32
    %ne3A_232 = arith.cmpi ne, %rem3A_230, %ne3A_231 : i32
    %and3A_233 = arith.andi %ne3A_229, %ne3A_232 : i1
    %sub3A_234 = arith.constant 1 : i32
    %sub3A_235 = arith.subi %div3A_214, %sub3A_234 : i32
    %select_n3A_236 = arith.select %and3A_233, %sub3A_235, %div3A_214 : i32
    %sub3A_237 = arith.constant 1 : i32
    %sub3A_238 = arith.subi %select_n3A_236, %sub3A_237 : i32
    %while3A_239 = arith.constant 0 : i32
    %while3A_240 = arith.constant 0 : i32
    %while3A_241 = arith.subi %sub3A_238, %while3A_239 : i32
    %while3A_242 = arith.addi %while3A_239, %while3A_241 : i32
    %while3A_243 = arith.constant 1 : i32
    %while3A_244 = arith.divsi %while3A_241, %while3A_243 : i32
    %while3A_245 = arith.muli %while3A_244, %while3A_243 : i32
    %while3A_246 = arith.addi %while3A_239, %while3A_245 : i32
    %while3A_247 = arith.constant 1 : i32
    %while3A_248 = scf.for %while3A_293 = %while3A_239 to %while3A_246 step %while3A_247 iter_args(%while3A_294 = %while3A_240) -> (i32)  : i32 {
      %mul3A_295 = arith.constant 2 : i32
      %mul3A_296 = arith.muli %mul3A_295, %while3A_293 : i32
      %add3A_297 = arith.constant 1 : i32
      %add3A_298 = arith.addi %mul3A_296, %add3A_297 : i32
      %dma_start3A_299 = arith.constant 0 : i32
      %dma_start3A_300 = arith.constant 0 : i32
      %dma_start3A_301 = arith.constant 0 : i32
      %dma_start3A_302 = tpu.memref_slice %arg2[%dma_start3A_299, %dma_start3A_300, %dma_start3A_301] : memref<10240x2x128xf32, #tpu.memory_space<hbm>> -> memref<10240x2x128xf32, #tpu.memory_space<hbm>>
      tpu.enqueue_indirect_dma source(%dma_start3A_302 : memref<10240x2x128xf32, #tpu.memory_space<hbm>>) target(%arg18 : memref<32x2x128xf32, #tpu.memory_space<vmem>>) offsets(%arg10 : memref<32xi32, #tpu.memory_space<vmem>>) semaphore(%arg25 : memref<!tpu.dma_semaphore, #tpu.memory_space<semaphore_mem>>)
      %dma_wait3A_303 = arith.constant 0 : i32
      %dma_wait3A_304 = arith.constant 0 : i32
      %dma_wait3A_305 = arith.constant 0 : i32
      %dma_wait3A_306 = tpu.memref_slice %arg2[%dma_wait3A_303, %dma_wait3A_304, %dma_wait3A_305] : memref<10240x2x128xf32, #tpu.memory_space<hbm>> -> memref<10240x2x128xf32, #tpu.memory_space<hbm>>
      tpu.wait_indirect_dma semaphore(%arg24 : memref<!tpu.dma_semaphore, #tpu.memory_space<semaphore_mem>>) src(%dma_wait3A_306 : memref<10240x2x128xf32, #tpu.memory_space<hbm>>) dst(%arg17 : memref<32x2x128xf32, #tpu.memory_space<vmem>>)
      "tpu.region"() ({
        %run_scoped3A = tpu.sem_alloc : memref<!tpu.dma_semaphore, #tpu.memory_space<semaphore_mem>>
        %dma_start3A_395 = arith.constant 0 : i32
        %dma_start3A_396 = arith.constant 0 : i32
        %dma_start3A_397 = arith.constant 0 : i32
        %dma_start3A_398 = tpu.memref_slice %arg19[%dma_start3A_395, %dma_start3A_396, %dma_start3A_397] : memref<5120x2x128xf32, #tpu.memory_space<vmem_shared>> -> memref<5120x2x128xf32, #tpu.memory_space<vmem_shared>>
        tpu.enqueue_indirect_dma source(%arg17 : memref<32x2x128xf32, #tpu.memory_space<vmem>>) target(%dma_start3A_398 : memref<5120x2x128xf32, #tpu.memory_space<vmem_shared>>) offsets(%arg7 : memref<32xi32, #tpu.memory_space<vmem>>) semaphore(%run_scoped3A : memref<!tpu.dma_semaphore, #tpu.memory_space<semaphore_mem>>) {add = true}
        %dma_wait3A_399 = arith.constant 0 : i32
        %dma_wait3A_400 = arith.constant 0 : i32
        %dma_wait3A_401 = arith.constant 0 : i32
        %dma_wait3A_402 = tpu.memref_slice %arg19[%dma_wait3A_399, %dma_wait3A_400, %dma_wait3A_401] : memref<5120x2x128xf32, #tpu.memory_space<vmem_shared>> -> memref<5120x2x128xf32, #tpu.memory_space<vmem_shared>>
        tpu.wait_indirect_dma semaphore(%run_scoped3A : memref<!tpu.dma_semaphore, #tpu.memory_space<semaphore_mem>>) src(%arg17 : memref<32x2x128xf32, #tpu.memory_space<vmem>>) dst(%dma_wait3A_402 : memref<5120x2x128xf32, #tpu.memory_space<vmem_shared>>)
        tpu.yield
      }) : () -> ()
      %add3A_307 = arith.constant 2 : i32
      %add3A_308 = arith.addi %mul3A_296, %add3A_307 : i32
      %mul3A_309 = arith.constant 32 : i32
      %mul3A_310 = arith.muli %add3A_308, %mul3A_309 : i32
      %add3A_311 = arith.addi %add3A_149, %mul3A_310 : i32
      %dma_wait3A_312 = tpu.memref_slice %arg3[%add3A_311] : memref<655360xi32, #tpu.memory_space<hbm>> -> memref<32xi32, #tpu.memory_space<hbm>>
      %dma_wait3A_313 = tpu.memref_slice %arg3[%add3A_311] : memref<655360xi32, #tpu.memory_space<hbm>> -> memref<32xi32, #tpu.memory_space<hbm>>
      tpu.wait_dma2 semaphore(%arg22 : memref<!tpu.dma_semaphore, #tpu.memory_space<semaphore_mem>>) src(%dma_wait3A_313 : memref<32xi32, #tpu.memory_space<hbm>>) dst(%arg11 : memref<32xi32, #tpu.memory_space<vmem>>)
      %mul3A_314 = arith.constant 32 : i32
      %mul3A_315 = arith.muli %add3A_308, %mul3A_314 : i32
      %add3A_316 = arith.addi %add3A_149, %mul3A_315 : i32
      %dma_wait3A_317 = tpu.memref_slice %arg4[%add3A_316] : memref<655360xi32, #tpu.memory_space<hbm>> -> memref<32xi32, #tpu.memory_space<hbm>>
      %dma_wait3A_318 = tpu.memref_slice %arg4[%add3A_316] : memref<655360xi32, #tpu.memory_space<hbm>> -> memref<32xi32, #tpu.memory_space<hbm>>
      tpu.wait_dma2 semaphore(%arg22 : memref<!tpu.dma_semaphore, #tpu.memory_space<semaphore_mem>>) src(%dma_wait3A_318 : memref<32xi32, #tpu.memory_space<hbm>>) dst(%arg12 : memref<32xi32, #tpu.memory_space<vmem>>)
      %get3A_319 = arith.constant 0 : index
      %get3A_320 = tpu.vector_load %arg11[%get3A_319] {strides = array<i32>} : memref<32xi32, #tpu.memory_space<vmem>>, vector<16xi32>,
      %swap3A = arith.constant 0 : index
      %swap3A_321 = tpu.vector_load %arg7[%swap3A] {strides = array<i32>} : memref<32xi32, #tpu.memory_space<vmem>>, vector<16xi32>,
      tpu.vector_store %arg7[%swap3A], %get3A_320 {strides = array<i32>} : memref<32xi32, #tpu.memory_space<vmem>>, vector<16xi32>,
      %get3A_322 = arith.constant 0 : index
      %get3A_323 = tpu.vector_load %arg12[%get3A_322] {strides = array<i32>} : memref<32xi32, #tpu.memory_space<vmem>>, vector<16xi32>,
      %swap3A_324 = arith.constant 0 : index
      %swap3A_325 = tpu.vector_load %arg9[%swap3A_324] {strides = array<i32>} : memref<32xi32, #tpu.memory_space<vmem>>, vector<16xi32>,
      tpu.vector_store %arg9[%swap3A_324], %get3A_323 {strides = array<i32>} : memref<32xi32, #tpu.memory_space<vmem>>, vector<16xi32>,
      %get3A_326 = arith.constant 16 : index
      %get3A_327 = tpu.vector_load %arg11[%get3A_326] {strides = array<i32>} : memref<32xi32, #tpu.memory_space<vmem>>, vector<16xi32>,
      %swap3A_328 = arith.constant 16 : index
      %swap3A_329 = tpu.vector_load %arg7[%swap3A_328] {strides = array<i32>} : memref<32xi32, #tpu.memory_space<vmem>>, vector<16xi32>,
      tpu.vector_store %arg7[%swap3A_328], %get3A_327 {strides = array<i32>} : memref<32xi32, #tpu.memory_space<vmem>>, vector<16xi32>,
      %get3A_330 = arith.constant 16 : index
      %get3A_331 = tpu.vector_load %arg12[%get3A_330] {strides = array<i32>} : memref<32xi32, #tpu.memory_space<vmem>>, vector<16xi32>,
      %swap3A_332 = arith.constant 16 : index
      %swap3A_333 = tpu.vector_load %arg9[%swap3A_332] {strides = array<i32>} : memref<32xi32, #tpu.memory_space<vmem>>, vector<16xi32>,
      tpu.vector_store %arg9[%swap3A_332], %get3A_331 {strides = array<i32>} : memref<32xi32, #tpu.memory_space<vmem>>, vector<16xi32>,
      %add3A_334 = arith.constant 4 : i32
      %add3A_335 = arith.addi %mul3A_296, %add3A_334 : i32
      %mul3A_336 = arith.constant 32 : i32
      %mul3A_337 = arith.muli %add3A_335, %mul3A_336 : i32
      %add3A_338 = arith.addi %add3A_149, %mul3A_337 : i32
      %dma_start3A_339 = tpu.memref_slice %arg3[%add3A_338] : memref<655360xi32, #tpu.memory_space<hbm>> -> memref<32xi32, #tpu.memory_space<hbm>>
      %dma_start3A_340 = tpu.memref_slice %arg3[%add3A_338] : memref<655360xi32, #tpu.memory_space<hbm>> -> memref<32xi32, #tpu.memory_space<hbm>>
      tpu.enqueue_dma source(%dma_start3A_340 : memref<32xi32, #tpu.memory_space<hbm>>) target(%arg11 : memref<32xi32, #tpu.memory_space<vmem>>) target_semaphore(%arg22 : memref<!tpu.dma_semaphore, #tpu.memory_space<semaphore_mem>>)
      %mul3A_341 = arith.constant 32 : i32
      %mul3A_342 = arith.muli %add3A_335, %mul3A_341 : i32
      %add3A_343 = arith.addi %add3A_149, %mul3A_342 : i32
      %dma_start3A_344 = tpu.memref_slice %arg4[%add3A_343] : memref<655360xi32, #tpu.memory_space<hbm>> -> memref<32xi32, #tpu.memory_space<hbm>>
      %dma_start3A_345 = tpu.memref_slice %arg4[%add3A_343] : memref<655360xi32, #tpu.memory_space<hbm>> -> memref<32xi32, #tpu.memory_space<hbm>>
      tpu.enqueue_dma source(%dma_start3A_345 : memref<32xi32, #tpu.memory_space<hbm>>) target(%arg12 : memref<32xi32, #tpu.memory_space<vmem>>) target_semaphore(%arg22 : memref<!tpu.dma_semaphore, #tpu.memory_space<semaphore_mem>>)
      %dma_start3A_346 = arith.constant 0 : i32
      %dma_start3A_347 = arith.constant 0 : i32
      %dma_start3A_348 = arith.constant 0 : i32
      %dma_start3A_349 = tpu.memref_slice %arg2[%dma_start3A_346, %dma_start3A_347, %dma_start3A_348] : memref<10240x2x128xf32, #tpu.memory_space<hbm>> -> memref<10240x2x128xf32, #tpu.memory_space<hbm>>
      tpu.enqueue_indirect_dma source(%dma_start3A_349 : memref<10240x2x128xf32, #tpu.memory_space<hbm>>) target(%arg17 : memref<32x2x128xf32, #tpu.memory_space<vmem>>) offsets(%arg9 : memref<32xi32, #tpu.memory_space<vmem>>) semaphore(%arg24 : memref<!tpu.dma_semaphore, #tpu.memory_space<semaphore_mem>>)
      %dma_wait3A_350 = arith.constant 0 : i32
      %dma_wait3A_351 = arith.constant 0 : i32
      %dma_wait3A_352 = arith.constant 0 : i32
      %dma_wait3A_353 = tpu.memref_slice %arg2[%dma_wait3A_350, %dma_wait3A_351, %dma_wait3A_352] : memref<10240x2x128xf32, #tpu.memory_space<hbm>> -> memref<10240x2x128xf32, #tpu.memory_space<hbm>>
      tpu.wait_indirect_dma semaphore(%arg25 : memref<!tpu.dma_semaphore, #tpu.memory_space<semaphore_mem>>) src(%dma_wait3A_353 : memref<10240x2x128xf32, #tpu.memory_space<hbm>>) dst(%arg18 : memref<32x2x128xf32, #tpu.memory_space<vmem>>)
      "tpu.region"() ({
        %run_scoped3A = tpu.sem_alloc : memref<!tpu.dma_semaphore, #tpu.memory_space<semaphore_mem>>
        %dma_start3A_395 = arith.constant 0 : i32
        %dma_start3A_396 = arith.constant 0 : i32
        %dma_start3A_397 = arith.constant 0 : i32
        %dma_start3A_398 = tpu.memref_slice %arg19[%dma_start3A_395, %dma_start3A_396, %dma_start3A_397] : memref<5120x2x128xf32, #tpu.memory_space<vmem_shared>> -> memref<5120x2x128xf32, #tpu.memory_space<vmem_shared>>
        tpu.enqueue_indirect_dma source(%arg18 : memref<32x2x128xf32, #tpu.memory_space<vmem>>) target(%dma_start3A_398 : memref<5120x2x128xf32, #tpu.memory_space<vmem_shared>>) offsets(%arg8 : memref<32xi32, #tpu.memory_space<vmem>>) semaphore(%run_scoped3A : memref<!tpu.dma_semaphore, #tpu.memory_space<semaphore_mem>>) {add = true}
        %dma_wait3A_399 = arith.constant 0 : i32
        %dma_wait3A_400 = arith.constant 0 : i32
        %dma_wait3A_401 = arith.constant 0 : i32
        %dma_wait3A_402 = tpu.memref_slice %arg19[%dma_wait3A_399, %dma_wait3A_400, %dma_wait3A_401] : memref<5120x2x128xf32, #tpu.memory_space<vmem_shared>> -> memref<5120x2x128xf32, #tpu.memory_space<vmem_shared>>
        tpu.wait_indirect_dma semaphore(%run_scoped3A : memref<!tpu.dma_semaphore, #tpu.memory_space<semaphore_mem>>) src(%arg18 : memref<32x2x128xf32, #tpu.memory_space<vmem>>) dst(%dma_wait3A_402 : memref<5120x2x128xf32, #tpu.memory_space<vmem_shared>>)
        tpu.yield
      }) : () -> ()
      %add3A_354 = arith.constant 2 : i32
      %add3A_355 = arith.addi %add3A_298, %add3A_354 : i32
      %mul3A_356 = arith.constant 32 : i32
      %mul3A_357 = arith.muli %add3A_355, %mul3A_356 : i32
      %add3A_358 = arith.addi %add3A_149, %mul3A_357 : i32
      %dma_wait3A_359 = tpu.memref_slice %arg3[%add3A_358] : memref<655360xi32, #tpu.memory_space<hbm>> -> memref<32xi32, #tpu.memory_space<hbm>>
      %dma_wait3A_360 = tpu.memref_slice %arg3[%add3A_358] : memref<655360xi32, #tpu.memory_space<hbm>> -> memref<32xi32, #tpu.memory_space<hbm>>
      tpu.wait_dma2 semaphore(%arg23 : memref<!tpu.dma_semaphore, #tpu.memory_space<semaphore_mem>>) src(%dma_wait3A_360 : memref<32xi32, #tpu.memory_space<hbm>>) dst(%arg13 : memref<32xi32, #tpu.memory_space<vmem>>)
      %mul3A_361 = arith.constant 32 : i32
      %mul3A_362 = arith.muli %add3A_355, %mul3A_361 : i32
      %add3A_363 = arith.addi %add3A_149, %mul3A_362 : i32
      %dma_wait3A_364 = tpu.memref_slice %arg4[%add3A_363] : memref<655360xi32, #tpu.memory_space<hbm>> -> memref<32xi32, #tpu.memory_space<hbm>>
      %dma_wait3A_365 = tpu.memref_slice %arg4[%add3A_363] : memref<655360xi32, #tpu.memory_space<hbm>> -> memref<32xi32, #tpu.memory_space<hbm>>
      tpu.wait_dma2 semaphore(%arg23 : memref<!tpu.dma_semaphore, #tpu.memory_space<semaphore_mem>>) src(%dma_wait3A_365 : memref<32xi32, #tpu.memory_space<hbm>>) dst(%arg14 : memref<32xi32, #tpu.memory_space<vmem>>)
      %get3A_366 = arith.constant 0 : index
      %get3A_367 = tpu.vector_load %arg13[%get3A_366] {strides = array<i32>} : memref<32xi32, #tpu.memory_space<vmem>>, vector<16xi32>,
      %swap3A_368 = arith.constant 0 : index
      %swap3A_369 = tpu.vector_load %arg8[%swap3A_368] {strides = array<i32>} : memref<32xi32, #tpu.memory_space<vmem>>, vector<16xi32>,
      tpu.vector_store %arg8[%swap3A_368], %get3A_367 {strides = array<i32>} : memref<32xi32, #tpu.memory_space<vmem>>, vector<16xi32>,
      %get3A_370 = arith.constant 0 : index
      %get3A_371 = tpu.vector_load %arg14[%get3A_370] {strides = array<i32>} : memref<32xi32, #tpu.memory_space<vmem>>, vector<16xi32>,
      %swap3A_372 = arith.constant 0 : index
      %swap3A_373 = tpu.vector_load %arg10[%swap3A_372] {strides = array<i32>} : memref<32xi32, #tpu.memory_space<vmem>>, vector<16xi32>,
      tpu.vector_store %arg10[%swap3A_372], %get3A_371 {strides = array<i32>} : memref<32xi32, #tpu.memory_space<vmem>>, vector<16xi32>,
      %get3A_374 = arith.constant 16 : index
      %get3A_375 = tpu.vector_load %arg13[%get3A_374] {strides = array<i32>} : memref<32xi32, #tpu.memory_space<vmem>>, vector<16xi32>,
      %swap3A_376 = arith.constant 16 : index
      %swap3A_377 = tpu.vector_load %arg8[%swap3A_376] {strides = array<i32>} : memref<32xi32, #tpu.memory_space<vmem>>, vector<16xi32>,
      tpu.vector_store %arg8[%swap3A_376], %get3A_375 {strides = array<i32>} : memref<32xi32, #tpu.memory_space<vmem>>, vector<16xi32>,
      %get3A_378 = arith.constant 16 : index
      %get3A_379 = tpu.vector_load %arg14[%get3A_378] {strides = array<i32>} : memref<32xi32, #tpu.memory_space<vmem>>, vector<16xi32>,
      %swap3A_380 = arith.constant 16 : index
      %swap3A_381 = tpu.vector_load %arg10[%swap3A_380] {strides = array<i32>} : memref<32xi32, #tpu.memory_space<vmem>>, vector<16xi32>,
      tpu.vector_store %arg10[%swap3A_380], %get3A_379 {strides = array<i32>} : memref<32xi32, #tpu.memory_space<vmem>>, vector<16xi32>,
      %add3A_382 = arith.constant 4 : i32
      %add3A_383 = arith.addi %add3A_298, %add3A_382 : i32
      %mul3A_384 = arith.constant 32 : i32
      %mul3A_385 = arith.muli %add3A_383, %mul3A_384 : i32
      %add3A_386 = arith.addi %add3A_149, %mul3A_385 : i32
      %dma_start3A_387 = tpu.memref_slice %arg3[%add3A_386] : memref<655360xi32, #tpu.memory_space<hbm>> -> memref<32xi32, #tpu.memory_space<hbm>>
      %dma_start3A_388 = tpu.memref_slice %arg3[%add3A_386] : memref<655360xi32, #tpu.memory_space<hbm>> -> memref<32xi32, #tpu.memory_space<hbm>>
      tpu.enqueue_dma source(%dma_start3A_388 : memref<32xi32, #tpu.memory_space<hbm>>) target(%arg13 : memref<32xi32, #tpu.memory_space<vmem>>) target_semaphore(%arg23 : memref<!tpu.dma_semaphore, #tpu.memory_space<semaphore_mem>>)
      %mul3A_389 = arith.constant 32 : i32
      %mul3A_390 = arith.muli %add3A_383, %mul3A_389 : i32
      %add3A_391 = arith.addi %add3A_149, %mul3A_390 : i32
      %dma_start3A_392 = tpu.memref_slice %arg4[%add3A_391] : memref<655360xi32, #tpu.memory_space<hbm>> -> memref<32xi32, #tpu.memory_space<hbm>>
      %dma_start3A_393 = tpu.memref_slice %arg4[%add3A_391] : memref<655360xi32, #tpu.memory_space<hbm>> -> memref<32xi32, #tpu.memory_space<hbm>>
      tpu.enqueue_dma source(%dma_start3A_393 : memref<32xi32, #tpu.memory_space<hbm>>) target(%arg14 : memref<32xi32, #tpu.memory_space<vmem>>) target_semaphore(%arg23 : memref<!tpu.dma_semaphore, #tpu.memory_space<semaphore_mem>>)
      %while3A_394 = arith.constant 0 : i32
      scf.yield %while3A_394 : i32
    }
    %while3A_249 = arith.constant 1 : i32
    %while3A_250 = scf.for %while3A_293 = %while3A_246 to %while3A_242 step %while3A_249 iter_args(%while3A_294 = %while3A_248) -> (i32)  : i32 {
      %mul3A_295 = arith.constant 2 : i32
      %mul3A_296 = arith.muli %mul3A_295, %while3A_293 : i32
      %add3A_297 = arith.constant 1 : i32
      %add3A_298 = arith.addi %mul3A_296, %add3A_297 : i32
      %dma_start3A_299 = arith.constant 0 : i32
      %dma_start3A_300 = arith.constant 0 : i32
      %dma_start3A_301 = arith.constant 0 : i32
      %dma_start3A_302 = tpu.memref_slice %arg2[%dma_start3A_299, %dma_start3A_300, %dma_start3A_301] : memref<10240x2x128xf32, #tpu.memory_space<hbm>> -> memref<10240x2x128xf32, #tpu.memory_space<hbm>>
      tpu.enqueue_indirect_dma source(%dma_start3A_302 : memref<10240x2x128xf32, #tpu.memory_space<hbm>>) target(%arg18 : memref<32x2x128xf32, #tpu.memory_space<vmem>>) offsets(%arg10 : memref<32xi32, #tpu.memory_space<vmem>>) semaphore(%arg25 : memref<!tpu.dma_semaphore, #tpu.memory_space<semaphore_mem>>)
      %dma_wait3A_303 = arith.constant 0 : i32
      %dma_wait3A_304 = arith.constant 0 : i32
      %dma_wait3A_305 = arith.constant 0 : i32
      %dma_wait3A_306 = tpu.memref_slice %arg2[%dma_wait3A_303, %dma_wait3A_304, %dma_wait3A_305] : memref<10240x2x128xf32, #tpu.memory_space<hbm>> -> memref<10240x2x128xf32, #tpu.memory_space<hbm>>
      tpu.wait_indirect_dma semaphore(%arg24 : memref<!tpu.dma_semaphore, #tpu.memory_space<semaphore_mem>>) src(%dma_wait3A_306 : memref<10240x2x128xf32, #tpu.memory_space<hbm>>) dst(%arg17 : memref<32x2x128xf32, #tpu.memory_space<vmem>>)
      "tpu.region"() ({
        %run_scoped3A = tpu.sem_alloc : memref<!tpu.dma_semaphore, #tpu.memory_space<semaphore_mem>>
        %dma_start3A_395 = arith.constant 0 : i32
        %dma_start3A_396 = arith.constant 0 : i32
        %dma_start3A_397 = arith.constant 0 : i32
        %dma_start3A_398 = tpu.memref_slice %arg19[%dma_start3A_395, %dma_start3A_396, %dma_start3A_397] : memref<5120x2x128xf32, #tpu.memory_space<vmem_shared>> -> memref<5120x2x128xf32, #tpu.memory_space<vmem_shared>>
        tpu.enqueue_indirect_dma source(%arg17 : memref<32x2x128xf32, #tpu.memory_space<vmem>>) target(%dma_start3A_398 : memref<5120x2x128xf32, #tpu.memory_space<vmem_shared>>) offsets(%arg7 : memref<32xi32, #tpu.memory_space<vmem>>) semaphore(%run_scoped3A : memref<!tpu.dma_semaphore, #tpu.memory_space<semaphore_mem>>) {add = true}
        %dma_wait3A_399 = arith.constant 0 : i32
        %dma_wait3A_400 = arith.constant 0 : i32
        %dma_wait3A_401 = arith.constant 0 : i32
        %dma_wait3A_402 = tpu.memref_slice %arg19[%dma_wait3A_399, %dma_wait3A_400, %dma_wait3A_401] : memref<5120x2x128xf32, #tpu.memory_space<vmem_shared>> -> memref<5120x2x128xf32, #tpu.memory_space<vmem_shared>>
        tpu.wait_indirect_dma semaphore(%run_scoped3A : memref<!tpu.dma_semaphore, #tpu.memory_space<semaphore_mem>>) src(%arg17 : memref<32x2x128xf32, #tpu.memory_space<vmem>>) dst(%dma_wait3A_402 : memref<5120x2x128xf32, #tpu.memory_space<vmem_shared>>)
        tpu.yield
      }) : () -> ()
      %add3A_307 = arith.constant 2 : i32
      %add3A_308 = arith.addi %mul3A_296, %add3A_307 : i32
      %mul3A_309 = arith.constant 32 : i32
      %mul3A_310 = arith.muli %add3A_308, %mul3A_309 : i32
      %add3A_311 = arith.addi %add3A_149, %mul3A_310 : i32
      %dma_wait3A_312 = tpu.memref_slice %arg3[%add3A_311] : memref<655360xi32, #tpu.memory_space<hbm>> -> memref<32xi32, #tpu.memory_space<hbm>>
      %dma_wait3A_313 = tpu.memref_slice %arg3[%add3A_311] : memref<655360xi32, #tpu.memory_space<hbm>> -> memref<32xi32, #tpu.memory_space<hbm>>
      tpu.wait_dma2 semaphore(%arg22 : memref<!tpu.dma_semaphore, #tpu.memory_space<semaphore_mem>>) src(%dma_wait3A_313 : memref<32xi32, #tpu.memory_space<hbm>>) dst(%arg11 : memref<32xi32, #tpu.memory_space<vmem>>)
      %mul3A_314 = arith.constant 32 : i32
      %mul3A_315 = arith.muli %add3A_308, %mul3A_314 : i32
      %add3A_316 = arith.addi %add3A_149, %mul3A_315 : i32
      %dma_wait3A_317 = tpu.memref_slice %arg4[%add3A_316] : memref<655360xi32, #tpu.memory_space<hbm>> -> memref<32xi32, #tpu.memory_space<hbm>>
      %dma_wait3A_318 = tpu.memref_slice %arg4[%add3A_316] : memref<655360xi32, #tpu.memory_space<hbm>> -> memref<32xi32, #tpu.memory_space<hbm>>
      tpu.wait_dma2 semaphore(%arg22 : memref<!tpu.dma_semaphore, #tpu.memory_space<semaphore_mem>>) src(%dma_wait3A_318 : memref<32xi32, #tpu.memory_space<hbm>>) dst(%arg12 : memref<32xi32, #tpu.memory_space<vmem>>)
      %get3A_319 = arith.constant 0 : index
      %get3A_320 = tpu.vector_load %arg11[%get3A_319] {strides = array<i32>} : memref<32xi32, #tpu.memory_space<vmem>>, vector<16xi32>,
      %swap3A = arith.constant 0 : index
      %swap3A_321 = tpu.vector_load %arg7[%swap3A] {strides = array<i32>} : memref<32xi32, #tpu.memory_space<vmem>>, vector<16xi32>,
      tpu.vector_store %arg7[%swap3A], %get3A_320 {strides = array<i32>} : memref<32xi32, #tpu.memory_space<vmem>>, vector<16xi32>,
      %get3A_322 = arith.constant 0 : index
      %get3A_323 = tpu.vector_load %arg12[%get3A_322] {strides = array<i32>} : memref<32xi32, #tpu.memory_space<vmem>>, vector<16xi32>,
      %swap3A_324 = arith.constant 0 : index
      %swap3A_325 = tpu.vector_load %arg9[%swap3A_324] {strides = array<i32>} : memref<32xi32, #tpu.memory_space<vmem>>, vector<16xi32>,
      tpu.vector_store %arg9[%swap3A_324], %get3A_323 {strides = array<i32>} : memref<32xi32, #tpu.memory_space<vmem>>, vector<16xi32>,
      %get3A_326 = arith.constant 16 : index
      %get3A_327 = tpu.vector_load %arg11[%get3A_326] {strides = array<i32>} : memref<32xi32, #tpu.memory_space<vmem>>, vector<16xi32>,
      %swap3A_328 = arith.constant 16 : index
      %swap3A_329 = tpu.vector_load %arg7[%swap3A_328] {strides = array<i32>} : memref<32xi32, #tpu.memory_space<vmem>>, vector<16xi32>,
      tpu.vector_store %arg7[%swap3A_328], %get3A_327 {strides = array<i32>} : memref<32xi32, #tpu.memory_space<vmem>>, vector<16xi32>,
      %get3A_330 = arith.constant 16 : index
      %get3A_331 = tpu.vector_load %arg12[%get3A_330] {strides = array<i32>} : memref<32xi32, #tpu.memory_space<vmem>>, vector<16xi32>,
      %swap3A_332 = arith.constant 16 : index
      %swap3A_333 = tpu.vector_load %arg9[%swap3A_332] {strides = array<i32>} : memref<32xi32, #tpu.memory_space<vmem>>, vector<16xi32>,
      tpu.vector_store %arg9[%swap3A_332], %get3A_331 {strides = array<i32>} : memref<32xi32, #tpu.memory_space<vmem>>, vector<16xi32>,
      %add3A_334 = arith.constant 4 : i32
      %add3A_335 = arith.addi %mul3A_296, %add3A_334 : i32
      %mul3A_336 = arith.constant 32 : i32
      %mul3A_337 = arith.muli %add3A_335, %mul3A_336 : i32
      %add3A_338 = arith.addi %add3A_149, %mul3A_337 : i32
      %dma_start3A_339 = tpu.memref_slice %arg3[%add3A_338] : memref<655360xi32, #tpu.memory_space<hbm>> -> memref<32xi32, #tpu.memory_space<hbm>>
      %dma_start3A_340 = tpu.memref_slice %arg3[%add3A_338] : memref<655360xi32, #tpu.memory_space<hbm>> -> memref<32xi32, #tpu.memory_space<hbm>>
      tpu.enqueue_dma source(%dma_start3A_340 : memref<32xi32, #tpu.memory_space<hbm>>) target(%arg11 : memref<32xi32, #tpu.memory_space<vmem>>) target_semaphore(%arg22 : memref<!tpu.dma_semaphore, #tpu.memory_space<semaphore_mem>>)
      %mul3A_341 = arith.constant 32 : i32
      %mul3A_342 = arith.muli %add3A_335, %mul3A_341 : i32
      %add3A_343 = arith.addi %add3A_149, %mul3A_342 : i32
      %dma_start3A_344 = tpu.memref_slice %arg4[%add3A_343] : memref<655360xi32, #tpu.memory_space<hbm>> -> memref<32xi32, #tpu.memory_space<hbm>>
      %dma_start3A_345 = tpu.memref_slice %arg4[%add3A_343] : memref<655360xi32, #tpu.memory_space<hbm>> -> memref<32xi32, #tpu.memory_space<hbm>>
      tpu.enqueue_dma source(%dma_start3A_345 : memref<32xi32, #tpu.memory_space<hbm>>) target(%arg12 : memref<32xi32, #tpu.memory_space<vmem>>) target_semaphore(%arg22 : memref<!tpu.dma_semaphore, #tpu.memory_space<semaphore_mem>>)
      %dma_start3A_346 = arith.constant 0 : i32
      %dma_start3A_347 = arith.constant 0 : i32
      %dma_start3A_348 = arith.constant 0 : i32
      %dma_start3A_349 = tpu.memref_slice %arg2[%dma_start3A_346, %dma_start3A_347, %dma_start3A_348] : memref<10240x2x128xf32, #tpu.memory_space<hbm>> -> memref<10240x2x128xf32, #tpu.memory_space<hbm>>
      tpu.enqueue_indirect_dma source(%dma_start3A_349 : memref<10240x2x128xf32, #tpu.memory_space<hbm>>) target(%arg17 : memref<32x2x128xf32, #tpu.memory_space<vmem>>) offsets(%arg9 : memref<32xi32, #tpu.memory_space<vmem>>) semaphore(%arg24 : memref<!tpu.dma_semaphore, #tpu.memory_space<semaphore_mem>>)
      %dma_wait3A_350 = arith.constant 0 : i32
      %dma_wait3A_351 = arith.constant 0 : i32
      %dma_wait3A_352 = arith.constant 0 : i32
      %dma_wait3A_353 = tpu.memref_slice %arg2[%dma_wait3A_350, %dma_wait3A_351, %dma_wait3A_352] : memref<10240x2x128xf32, #tpu.memory_space<hbm>> -> memref<10240x2x128xf32, #tpu.memory_space<hbm>>
      tpu.wait_indirect_dma semaphore(%arg25 : memref<!tpu.dma_semaphore, #tpu.memory_space<semaphore_mem>>) src(%dma_wait3A_353 : memref<10240x2x128xf32, #tpu.memory_space<hbm>>) dst(%arg18 : memref<32x2x128xf32, #tpu.memory_space<vmem>>)
      "tpu.region"() ({
        %run_scoped3A = tpu.sem_alloc : memref<!tpu.dma_semaphore, #tpu.memory_space<semaphore_mem>>
        %dma_start3A_395 = arith.constant 0 : i32
        %dma_start3A_396 = arith.constant 0 : i32
        %dma_start3A_397 = arith.constant 0 : i32
        %dma_start3A_398 = tpu.memref_slice %arg19[%dma_start3A_395, %dma_start3A_396, %dma_start3A_397] : memref<5120x2x128xf32, #tpu.memory_space<vmem_shared>> -> memref<5120x2x128xf32, #tpu.memory_space<vmem_shared>>
        tpu.enqueue_indirect_dma source(%arg18 : memref<32x2x128xf32, #tpu.memory_space<vmem>>) target(%dma_start3A_398 : memref<5120x2x128xf32, #tpu.memory_space<vmem_shared>>) offsets(%arg8 : memref<32xi32, #tpu.memory_space<vmem>>) semaphore(%run_scoped3A : memref<!tpu.dma_semaphore, #tpu.memory_space<semaphore_mem>>) {add = true}
        %dma_wait3A_399 = arith.constant 0 : i32
        %dma_wait3A_400 = arith.constant 0 : i32
        %dma_wait3A_401 = arith.constant 0 : i32
        %dma_wait3A_402 = tpu.memref_slice %arg19[%dma_wait3A_399, %dma_wait3A_400, %dma_wait3A_401] : memref<5120x2x128xf32, #tpu.memory_space<vmem_shared>> -> memref<5120x2x128xf32, #tpu.memory_space<vmem_shared>>
        tpu.wait_indirect_dma semaphore(%run_scoped3A : memref<!tpu.dma_semaphore, #tpu.memory_space<semaphore_mem>>) src(%arg18 : memref<32x2x128xf32, #tpu.memory_space<vmem>>) dst(%dma_wait3A_402 : memref<5120x2x128xf32, #tpu.memory_space<vmem_shared>>)
        tpu.yield
      }) : () -> ()
      %add3A_354 = arith.constant 2 : i32
      %add3A_355 = arith.addi %add3A_298, %add3A_354 : i32
      %mul3A_356 = arith.constant 32 : i32
      %mul3A_357 = arith.muli %add3A_355, %mul3A_356 : i32
      %add3A_358 = arith.addi %add3A_149, %mul3A_357 : i32
      %dma_wait3A_359 = tpu.memref_slice %arg3[%add3A_358] : memref<655360xi32, #tpu.memory_space<hbm>> -> memref<32xi32, #tpu.memory_space<hbm>>
      %dma_wait3A_360 = tpu.memref_slice %arg3[%add3A_358] : memref<655360xi32, #tpu.memory_space<hbm>> -> memref<32xi32, #tpu.memory_space<hbm>>
      tpu.wait_dma2 semaphore(%arg23 : memref<!tpu.dma_semaphore, #tpu.memory_space<semaphore_mem>>) src(%dma_wait3A_360 : memref<32xi32, #tpu.memory_space<hbm>>) dst(%arg13 : memref<32xi32, #tpu.memory_space<vmem>>)
      %mul3A_361 = arith.constant 32 : i32
      %mul3A_362 = arith.muli %add3A_355, %mul3A_361 : i32
      %add3A_363 = arith.addi %add3A_149, %mul3A_362 : i32
      %dma_wait3A_364 = tpu.memref_slice %arg4[%add3A_363] : memref<655360xi32, #tpu.memory_space<hbm>> -> memref<32xi32, #tpu.memory_space<hbm>>
      %dma_wait3A_365 = tpu.memref_slice %arg4[%add3A_363] : memref<655360xi32, #tpu.memory_space<hbm>> -> memref<32xi32, #tpu.memory_space<hbm>>
      tpu.wait_dma2 semaphore(%arg23 : memref<!tpu.dma_semaphore, #tpu.memory_space<semaphore_mem>>) src(%dma_wait3A_365 : memref<32xi32, #tpu.memory_space<hbm>>) dst(%arg14 : memref<32xi32, #tpu.memory_space<vmem>>)
      %get3A_366 = arith.constant 0 : index
      %get3A_367 = tpu.vector_load %arg13[%get3A_366] {strides = array<i32>} : memref<32xi32, #tpu.memory_space<vmem>>, vector<16xi32>,
      %swap3A_368 = arith.constant 0 : index
      %swap3A_369 = tpu.vector_load %arg8[%swap3A_368] {strides = array<i32>} : memref<32xi32, #tpu.memory_space<vmem>>, vector<16xi32>,
      tpu.vector_store %arg8[%swap3A_368], %get3A_367 {strides = array<i32>} : memref<32xi32, #tpu.memory_space<vmem>>, vector<16xi32>,
      %get3A_370 = arith.constant 0 : index
      %get3A_371 = tpu.vector_load %arg14[%get3A_370] {strides = array<i32>} : memref<32xi32, #tpu.memory_space<vmem>>, vector<16xi32>,
      %swap3A_372 = arith.constant 0 : index
      %swap3A_373 = tpu.vector_load %arg10[%swap3A_372] {strides = array<i32>} : memref<32xi32, #tpu.memory_space<vmem>>, vector<16xi32>,
      tpu.vector_store %arg10[%swap3A_372], %get3A_371 {strides = array<i32>} : memref<32xi32, #tpu.memory_space<vmem>>, vector<16xi32>,
      %get3A_374 = arith.constant 16 : index
      %get3A_375 = tpu.vector_load %arg13[%get3A_374] {strides = array<i32>} : memref<32xi32, #tpu.memory_space<vmem>>, vector<16xi32>,
      %swap3A_376 = arith.constant 16 : index
      %swap3A_377 = tpu.vector_load %arg8[%swap3A_376] {strides = array<i32>} : memref<32xi32, #tpu.memory_space<vmem>>, vector<16xi32>,
      tpu.vector_store %arg8[%swap3A_376], %get3A_375 {strides = array<i32>} : memref<32xi32, #tpu.memory_space<vmem>>, vector<16xi32>,
      %get3A_378 = arith.constant 16 : index
      %get3A_379 = tpu.vector_load %arg14[%get3A_378] {strides = array<i32>} : memref<32xi32, #tpu.memory_space<vmem>>, vector<16xi32>,
      %swap3A_380 = arith.constant 16 : index
      %swap3A_381 = tpu.vector_load %arg10[%swap3A_380] {strides = array<i32>} : memref<32xi32, #tpu.memory_space<vmem>>, vector<16xi32>,
      tpu.vector_store %arg10[%swap3A_380], %get3A_379 {strides = array<i32>} : memref<32xi32, #tpu.memory_space<vmem>>, vector<16xi32>,
      %add3A_382 = arith.constant 4 : i32
      %add3A_383 = arith.addi %add3A_298, %add3A_382 : i32
      %mul3A_384 = arith.constant 32 : i32
      %mul3A_385 = arith.muli %add3A_383, %mul3A_384 : i32
      %add3A_386 = arith.addi %add3A_149, %mul3A_385 : i32
      %dma_start3A_387 = tpu.memref_slice %arg3[%add3A_386] : memref<655360xi32, #tpu.memory_space<hbm>> -> memref<32xi32, #tpu.memory_space<hbm>>
      %dma_start3A_388 = tpu.memref_slice %arg3[%add3A_386] : memref<655360xi32, #tpu.memory_space<hbm>> -> memref<32xi32, #tpu.memory_space<hbm>>
      tpu.enqueue_dma source(%dma_start3A_388 : memref<32xi32, #tpu.memory_space<hbm>>) target(%arg13 : memref<32xi32, #tpu.memory_space<vmem>>) target_semaphore(%arg23 : memref<!tpu.dma_semaphore, #tpu.memory_space<semaphore_mem>>)
      %mul3A_389 = arith.constant 32 : i32
      %mul3A_390 = arith.muli %add3A_383, %mul3A_389 : i32
      %add3A_391 = arith.addi %add3A_149, %mul3A_390 : i32
      %dma_start3A_392 = tpu.memref_slice %arg4[%add3A_391] : memref<655360xi32, #tpu.memory_space<hbm>> -> memref<32xi32, #tpu.memory_space<hbm>>
      %dma_start3A_393 = tpu.memref_slice %arg4[%add3A_391] : memref<655360xi32, #tpu.memory_space<hbm>> -> memref<32xi32, #tpu.memory_space<hbm>>
      tpu.enqueue_dma source(%dma_start3A_393 : memref<32xi32, #tpu.memory_space<hbm>>) target(%arg14 : memref<32xi32, #tpu.memory_space<vmem>>) target_semaphore(%arg23 : memref<!tpu.dma_semaphore, #tpu.memory_space<semaphore_mem>>)
      %while3A_394 = arith.constant 0 : i32
      scf.yield %while3A_394 : i32
    }
    %dma_start3A_251 = arith.constant 0 : i32
    %dma_start3A_252 = arith.constant 0 : i32
    %dma_start3A_253 = arith.constant 0 : i32
    %dma_start3A_254 = tpu.memref_slice %arg2[%dma_start3A_251, %dma_start3A_252, %dma_start3A_253] : memref<10240x2x128xf32, #tpu.memory_space<hbm>> -> memref<10240x2x128xf32, #tpu.memory_space<hbm>>
    tpu.enqueue_indirect_dma source(%dma_start3A_254 : memref<10240x2x128xf32, #tpu.memory_space<hbm>>) target(%arg18 : memref<32x2x128xf32, #tpu.memory_space<vmem>>) offsets(%arg10 : memref<32xi32, #tpu.memory_space<vmem>>) semaphore(%arg25 : memref<!tpu.dma_semaphore, #tpu.memory_space<semaphore_mem>>)
    %dma_wait3A_255 = arith.constant 0 : i32
    %dma_wait3A_256 = arith.constant 0 : i32
    %dma_wait3A_257 = arith.constant 0 : i32
    %dma_wait3A_258 = tpu.memref_slice %arg2[%dma_wait3A_255, %dma_wait3A_256, %dma_wait3A_257] : memref<10240x2x128xf32, #tpu.memory_space<hbm>> -> memref<10240x2x128xf32, #tpu.memory_space<hbm>>
    tpu.wait_indirect_dma semaphore(%arg24 : memref<!tpu.dma_semaphore, #tpu.memory_space<semaphore_mem>>) src(%dma_wait3A_258 : memref<10240x2x128xf32, #tpu.memory_space<hbm>>) dst(%arg17 : memref<32x2x128xf32, #tpu.memory_space<vmem>>)
    "tpu.region"() ({
      %run_scoped3A = tpu.sem_alloc : memref<!tpu.dma_semaphore, #tpu.memory_space<semaphore_mem>>
      %dma_start3A_293 = arith.constant 0 : i32
      %dma_start3A_294 = arith.constant 0 : i32
      %dma_start3A_295 = arith.constant 0 : i32
      %dma_start3A_296 = tpu.memref_slice %arg19[%dma_start3A_293, %dma_start3A_294, %dma_start3A_295] : memref<5120x2x128xf32, #tpu.memory_space<vmem_shared>> -> memref<5120x2x128xf32, #tpu.memory_space<vmem_shared>>
      tpu.enqueue_indirect_dma source(%arg17 : memref<32x2x128xf32, #tpu.memory_space<vmem>>) target(%dma_start3A_296 : memref<5120x2x128xf32, #tpu.memory_space<vmem_shared>>) offsets(%arg7 : memref<32xi32, #tpu.memory_space<vmem>>) semaphore(%run_scoped3A : memref<!tpu.dma_semaphore, #tpu.memory_space<semaphore_mem>>) {add = true}
      %dma_wait3A_297 = arith.constant 0 : i32
      %dma_wait3A_298 = arith.constant 0 : i32
      %dma_wait3A_299 = arith.constant 0 : i32
      %dma_wait3A_300 = tpu.memref_slice %arg19[%dma_wait3A_297, %dma_wait3A_298, %dma_wait3A_299] : memref<5120x2x128xf32, #tpu.memory_space<vmem_shared>> -> memref<5120x2x128xf32, #tpu.memory_space<vmem_shared>>
      tpu.wait_indirect_dma semaphore(%run_scoped3A : memref<!tpu.dma_semaphore, #tpu.memory_space<semaphore_mem>>) src(%arg17 : memref<32x2x128xf32, #tpu.memory_space<vmem>>) dst(%dma_wait3A_300 : memref<5120x2x128xf32, #tpu.memory_space<vmem_shared>>)
      tpu.yield
    }) : () -> ()
    %dma_wait3A_259 = arith.constant 0 : i32
    %dma_wait3A_260 = arith.constant 0 : i32
    %dma_wait3A_261 = arith.constant 0 : i32
    %dma_wait3A_262 = tpu.memref_slice %arg2[%dma_wait3A_259, %dma_wait3A_260, %dma_wait3A_261] : memref<10240x2x128xf32, #tpu.memory_space<hbm>> -> memref<10240x2x128xf32, #tpu.memory_space<hbm>>
    tpu.wait_indirect_dma semaphore(%arg25 : memref<!tpu.dma_semaphore, #tpu.memory_space<semaphore_mem>>) src(%dma_wait3A_262 : memref<10240x2x128xf32, #tpu.memory_space<hbm>>) dst(%arg18 : memref<32x2x128xf32, #tpu.memory_space<vmem>>)
    "tpu.region"() ({
      %run_scoped3A = tpu.sem_alloc : memref<!tpu.dma_semaphore, #tpu.memory_space<semaphore_mem>>
      %dma_start3A_293 = arith.constant 0 : i32
      %dma_start3A_294 = arith.constant 0 : i32
      %dma_start3A_295 = arith.constant 0 : i32
      %dma_start3A_296 = tpu.memref_slice %arg19[%dma_start3A_293, %dma_start3A_294, %dma_start3A_295] : memref<5120x2x128xf32, #tpu.memory_space<vmem_shared>> -> memref<5120x2x128xf32, #tpu.memory_space<vmem_shared>>
      tpu.enqueue_indirect_dma source(%arg18 : memref<32x2x128xf32, #tpu.memory_space<vmem>>) target(%dma_start3A_296 : memref<5120x2x128xf32, #tpu.memory_space<vmem_shared>>) offsets(%arg8 : memref<32xi32, #tpu.memory_space<vmem>>) semaphore(%run_scoped3A : memref<!tpu.dma_semaphore, #tpu.memory_space<semaphore_mem>>) {add = true}
      %dma_wait3A_297 = arith.constant 0 : i32
      %dma_wait3A_298 = arith.constant 0 : i32
      %dma_wait3A_299 = arith.constant 0 : i32
      %dma_wait3A_300 = tpu.memref_slice %arg19[%dma_wait3A_297, %dma_wait3A_298, %dma_wait3A_299] : memref<5120x2x128xf32, #tpu.memory_space<vmem_shared>> -> memref<5120x2x128xf32, #tpu.memory_space<vmem_shared>>
      tpu.wait_indirect_dma semaphore(%run_scoped3A : memref<!tpu.dma_semaphore, #tpu.memory_space<semaphore_mem>>) src(%arg18 : memref<32x2x128xf32, #tpu.memory_space<vmem>>) dst(%dma_wait3A_300 : memref<5120x2x128xf32, #tpu.memory_space<vmem_shared>>)
      tpu.yield
    }) : () -> ()
    %mul3A_263 = arith.constant 32 : i32
    %mul3A_264 = arith.muli %squeeze3A_160, %mul3A_263 : i32
    %add3A_265 = arith.addi %add3A_149, %mul3A_264 : i32
    %dma_wait3A_266 = tpu.memref_slice %arg3[%add3A_265] : memref<655360xi32, #tpu.memory_space<hbm>> -> memref<32xi32, #tpu.memory_space<hbm>>
    %dma_wait3A_267 = tpu.memref_slice %arg3[%add3A_265] : memref<655360xi32, #tpu.memory_space<hbm>> -> memref<32xi32, #tpu.memory_space<hbm>>
    tpu.wait_dma2 semaphore(%arg22 : memref<!tpu.dma_semaphore, #tpu.memory_space<semaphore_mem>>) src(%dma_wait3A_267 : memref<32xi32, #tpu.memory_space<hbm>>) dst(%arg11 : memref<32xi32, #tpu.memory_space<vmem>>)
    %mul3A_268 = arith.constant 32 : i32
    %mul3A_269 = arith.muli %squeeze3A_160, %mul3A_268 : i32
    %add3A_270 = arith.addi %add3A_149, %mul3A_269 : i32
    %dma_wait3A_271 = tpu.memref_slice %arg4[%add3A_270] : memref<655360xi32, #tpu.memory_space<hbm>> -> memref<32xi32, #tpu.memory_space<hbm>>
    %dma_wait3A_272 = tpu.memref_slice %arg4[%add3A_270] : memref<655360xi32, #tpu.memory_space<hbm>> -> memref<32xi32, #tpu.memory_space<hbm>>
    tpu.wait_dma2 semaphore(%arg22 : memref<!tpu.dma_semaphore, #tpu.memory_space<semaphore_mem>>) src(%dma_wait3A_272 : memref<32xi32, #tpu.memory_space<hbm>>) dst(%arg12 : memref<32xi32, #tpu.memory_space<vmem>>)
    %add3A_273 = arith.constant 1 : i32
    %add3A_274 = arith.addi %squeeze3A_160, %add3A_273 : i32
    %mul3A_275 = arith.constant 32 : i32
    %mul3A_276 = arith.muli %add3A_274, %mul3A_275 : i32
    %add3A_277 = arith.addi %add3A_149, %mul3A_276 : i32
    %dma_wait3A_278 = tpu.memref_slice %arg3[%add3A_277] : memref<655360xi32, #tpu.memory_space<hbm>> -> memref<32xi32, #tpu.memory_space<hbm>>
    %dma_wait3A_279 = tpu.memref_slice %arg3[%add3A_277] : memref<655360xi32, #tpu.memory_space<hbm>> -> memref<32xi32, #tpu.memory_space<hbm>>
    tpu.wait_dma2 semaphore(%arg23 : memref<!tpu.dma_semaphore, #tpu.memory_space<semaphore_mem>>) src(%dma_wait3A_279 : memref<32xi32, #tpu.memory_space<hbm>>) dst(%arg13 : memref<32xi32, #tpu.memory_space<vmem>>)
    %mul3A_280 = arith.constant 32 : i32
    %mul3A_281 = arith.muli %add3A_274, %mul3A_280 : i32
    %add3A_282 = arith.addi %add3A_149, %mul3A_281 : i32
    %dma_wait3A_283 = tpu.memref_slice %arg4[%add3A_282] : memref<655360xi32, #tpu.memory_space<hbm>> -> memref<32xi32, #tpu.memory_space<hbm>>
    %dma_wait3A_284 = tpu.memref_slice %arg4[%add3A_282] : memref<655360xi32, #tpu.memory_space<hbm>> -> memref<32xi32, #tpu.memory_space<hbm>>
    tpu.wait_dma2 semaphore(%arg23 : memref<!tpu.dma_semaphore, #tpu.memory_space<semaphore_mem>>) src(%dma_wait3A_284 : memref<32xi32, #tpu.memory_space<hbm>>) dst(%arg14 : memref<32xi32, #tpu.memory_space<vmem>>)
    %barrier3A_285 = arith.constant 0 : index
    tpu.barrier barrier_id(%barrier3A_285)
    %mul3A_286 = arith.constant 320 : i32
    %mul3A_287 = arith.muli %arg1, %mul3A_286 : i32
    %mul3A_288 = arith.constant 5120 : i32
    %mul3A_289 = arith.muli %arg0, %mul3A_288 : i32
    %mul3A_290 = arith.constant 320 : i32
    %mul3A_291 = arith.muli %arg1, %mul3A_290 : i32
    %add3A_292 = arith.addi %mul3A_289, %mul3A_291 : i32
    "tpu.region"() ({
      %run_scoped3A = tpu.sem_alloc : memref<!tpu.dma_semaphore, #tpu.memory_space<semaphore_mem>>
      %dma_start3A_293 = arith.constant 0 : i32
      %dma_start3A_294 = arith.constant 0 : i32
      %dma_start3A_295 = tpu.memref_slice %arg6[%add3A_292, %dma_start3A_293, %dma_start3A_294] : memref<10240x2x128xf32, #tpu.memory_space<hbm>> -> memref<320x2x128xf32, #tpu.memory_space<hbm>>
      %dma_start3A_296 = arith.constant 0 : i32
      %dma_start3A_297 = arith.constant 0 : i32
      %dma_start3A_298 = tpu.memref_slice %arg19[%mul3A_287, %dma_start3A_296, %dma_start3A_297] : memref<5120x2x128xf32, #tpu.memory_space<vmem_shared>> -> memref<320x2x128xf32, #tpu.memory_space<vmem_shared>>
      tpu.enqueue_dma source(%dma_start3A_298 : memref<320x2x128xf32, #tpu.memory_space<vmem_shared>>) target(%dma_start3A_295 : memref<320x2x128xf32, #tpu.memory_space<hbm>>) target_semaphore(%run_scoped3A : memref<!tpu.dma_semaphore, #tpu.memory_space<semaphore_mem>>)
      %dma_wait3A_299 = arith.constant 0 : i32
      %dma_wait3A_300 = arith.constant 0 : i32
      %dma_wait3A_301 = tpu.memref_slice %arg6[%add3A_292, %dma_wait3A_299, %dma_wait3A_300] : memref<10240x2x128xf32, #tpu.memory_space<hbm>> -> memref<320x2x128xf32, #tpu.memory_space<hbm>>
      %dma_wait3A_302 = arith.constant 0 : i32
      %dma_wait3A_303 = arith.constant 0 : i32
      %dma_wait3A_304 = tpu.memref_slice %arg19[%mul3A_287, %dma_wait3A_302, %dma_wait3A_303] : memref<5120x2x128xf32, #tpu.memory_space<vmem_shared>> -> memref<320x2x128xf32, #tpu.memory_space<vmem_shared>>
      tpu.wait_dma2 semaphore(%run_scoped3A : memref<!tpu.dma_semaphore, #tpu.memory_space<semaphore_mem>>) src(%dma_wait3A_304 : memref<320x2x128xf32, #tpu.memory_space<vmem_shared>>) dst(%dma_wait3A_301 : memref<320x2x128xf32, #tpu.memory_space<hbm>>)
      tpu.yield
    }) : () -> ()
    return
  }
}

#map = affine_map<(d0, d1) -> (0)>
module attributes {stable_mosaic.version = 14 : i64} {
  func.func @_part_body(%arg0: i32, %arg1: i32, %arg2: memref<320000xi32, #tpu.memory_space<hbm>>, %arg3: memref<320000xi32, #tpu.memory_space<hbm>>, %arg4: memref<40960xf32, #tpu.memory_space<hbm>>, %arg5: memref<655360xi32, #tpu.memory_space<hbm>>, %arg6: memref<655360xi32, #tpu.memory_space<hbm>>, %arg7: memref<1024xi32, #tpu.memory_space<hbm>>, %arg8: memref<10000xi32, #tpu.memory_space<vmem>>, %arg9: memref<10000xi32, #tpu.memory_space<vmem>>, %arg10: memref<10240xf32, #tpu.memory_space<vmem>>, %arg11: memref<10240xf32, #tpu.memory_space<vmem>>, %arg12: memref<10240xi32, #tpu.memory_space<vmem>>, %arg13: memref<10240xi32, #tpu.memory_space<vmem>>, %arg14: memref<10240xi32, #tpu.memory_space<vmem>>, %arg15: memref<10240xi32, #tpu.memory_space<vmem>>, %arg16: memref<640xf32, #tpu.memory_space<vmem>>, %arg17: memref<16xi32, #tpu.memory_space<vmem>>, %arg18: memref<16x10240xf32, #tpu.memory_space<vmem_shared>>) attributes {dimension_semantics = [#tpu.dimension_semantics<core_parallel>, #tpu.dimension_semantics<subcore_parallel>], iteration_bounds = array<i64: 2, 16>, scalar_prefetch = 0 : i64, scratch_operands = 11 : i64, tpu.core_type = #tpu.core_type<sc_vector_subcore>, window_params = [{transform_indices = #map}, {transform_indices = #map}, {transform_indices = #map}, {transform_indices = #map}, {transform_indices = #map}, {transform_indices = #map}]} {
    %mul3A = arith.constant 2 : i32
    %mul3A_0 = arith.muli %arg1, %mul3A : i32
    %add3A = arith.addi %mul3A_0, %arg0 : i32
    %broadcast_in_dim3A = arith.constant 0.000000e+00 : f32
    %broadcast_in_dim3A_1 = vector.broadcast %broadcast_in_dim3A : f32 to vector<16xf32>
    %scan3A = arith.constant 0 : i32
    %scan3A_2 = arith.constant 0 : i32
    %scan3A_3 = arith.constant 640 : i32
    %scan3A_4 = arith.addi %scan3A_2, %scan3A_3 : i32
    %scan3A_5 = arith.constant 1 : i32
    %scan3A_6 = scf.for %scan3A_223 = %scan3A_2 to %scan3A_4 step %scan3A_5 iter_args(%scan3A_224 = %scan3A) -> (i32)  : i32 {
      %mul3A_225 = arith.constant 16 : i32
      %mul3A_226 = arith.muli %scan3A_223, %mul3A_225 : i32
      %swap3A_227 = arith.index_cast %mul3A_226 : i32 to index
      %swap3A_228 = tpu.vector_load %arg10[%swap3A_227] {strides = array<i32>} : memref<10240xf32, #tpu.memory_space<vmem>>, vector<16xf32>,
      tpu.vector_store %arg10[%swap3A_227], %broadcast_in_dim3A_1 {strides = array<i32>} : memref<10240xf32, #tpu.memory_space<vmem>>, vector<16xf32>,
      %mul3A_229 = arith.constant 16 : i32
      %mul3A_230 = arith.muli %scan3A_223, %mul3A_229 : i32
      %swap3A_231 = arith.index_cast %mul3A_230 : i32 to index
      %swap3A_232 = tpu.vector_load %arg11[%swap3A_231] {strides = array<i32>} : memref<10240xf32, #tpu.memory_space<vmem>>, vector<16xf32>,
      tpu.vector_store %arg11[%swap3A_231], %broadcast_in_dim3A_1 {strides = array<i32>} : memref<10240xf32, #tpu.memory_space<vmem>>, vector<16xf32>,
      %scan3A_233 = arith.constant 0 : i32
      scf.yield %scan3A_233 : i32
    }
    %scan3A_7 = arith.constant 640 : i32
    %mul3A_8 = arith.constant 10000 : i32
    %mul3A_9 = arith.muli %add3A, %mul3A_8 : i32
    "tpu.region"() ({
      %run_scoped3A = tpu.sem_alloc : memref<!tpu.dma_semaphore, #tpu.memory_space<semaphore_mem>>
      %dma_start3A = tpu.memref_slice %arg2[%mul3A_9] : memref<320000xi32, #tpu.memory_space<hbm>> -> memref<10000xi32, #tpu.memory_space<hbm>>
      %dma_start3A_223 = tpu.memref_slice %arg2[%mul3A_9] : memref<320000xi32, #tpu.memory_space<hbm>> -> memref<10000xi32, #tpu.memory_space<hbm>>
      tpu.enqueue_dma source(%dma_start3A_223 : memref<10000xi32, #tpu.memory_space<hbm>>) target(%arg8 : memref<10000xi32, #tpu.memory_space<vmem>>) target_semaphore(%run_scoped3A : memref<!tpu.dma_semaphore, #tpu.memory_space<semaphore_mem>>)
      %dma_wait3A = tpu.memref_slice %arg2[%mul3A_9] : memref<320000xi32, #tpu.memory_space<hbm>> -> memref<10000xi32, #tpu.memory_space<hbm>>
      %dma_wait3A_224 = tpu.memref_slice %arg2[%mul3A_9] : memref<320000xi32, #tpu.memory_space<hbm>> -> memref<10000xi32, #tpu.memory_space<hbm>>
      tpu.wait_dma2 semaphore(%run_scoped3A : memref<!tpu.dma_semaphore, #tpu.memory_space<semaphore_mem>>) src(%dma_wait3A_224 : memref<10000xi32, #tpu.memory_space<hbm>>) dst(%arg8 : memref<10000xi32, #tpu.memory_space<vmem>>)
      tpu.yield
    }) : () -> ()
    %mul3A_10 = arith.constant 10000 : i32
    %mul3A_11 = arith.muli %add3A, %mul3A_10 : i32
    "tpu.region"() ({
      %run_scoped3A = tpu.sem_alloc : memref<!tpu.dma_semaphore, #tpu.memory_space<semaphore_mem>>
      %dma_start3A = tpu.memref_slice %arg3[%mul3A_11] : memref<320000xi32, #tpu.memory_space<hbm>> -> memref<10000xi32, #tpu.memory_space<hbm>>
      %dma_start3A_223 = tpu.memref_slice %arg3[%mul3A_11] : memref<320000xi32, #tpu.memory_space<hbm>> -> memref<10000xi32, #tpu.memory_space<hbm>>
      tpu.enqueue_dma source(%dma_start3A_223 : memref<10000xi32, #tpu.memory_space<hbm>>) target(%arg9 : memref<10000xi32, #tpu.memory_space<vmem>>) target_semaphore(%run_scoped3A : memref<!tpu.dma_semaphore, #tpu.memory_space<semaphore_mem>>)
      %dma_wait3A = tpu.memref_slice %arg3[%mul3A_11] : memref<320000xi32, #tpu.memory_space<hbm>> -> memref<10000xi32, #tpu.memory_space<hbm>>
      %dma_wait3A_224 = tpu.memref_slice %arg3[%mul3A_11] : memref<320000xi32, #tpu.memory_space<hbm>> -> memref<10000xi32, #tpu.memory_space<hbm>>
      tpu.wait_dma2 semaphore(%run_scoped3A : memref<!tpu.dma_semaphore, #tpu.memory_space<semaphore_mem>>) src(%dma_wait3A_224 : memref<10000xi32, #tpu.memory_space<hbm>>) dst(%arg9 : memref<10000xi32, #tpu.memory_space<vmem>>)
      tpu.yield
    }) : () -> ()
    %broadcast_in_dim3A_12 = arith.constant 1.000000e+00 : f32
    %broadcast_in_dim3A_13 = vector.broadcast %broadcast_in_dim3A_12 : f32 to vector<16xf32>
    %scan3A_14 = arith.constant 0 : i32
    %scan3A_15 = arith.constant 0 : i32
    %scan3A_16 = arith.constant 0 : i32
    %scan3A_17 = arith.constant 625 : i32
    %scan3A_18 = arith.addi %scan3A_16, %scan3A_17 : i32
    %scan3A_19 = arith.constant 1 : i32
    %scan3A_20:2 = scf.for %scan3A_223 = %scan3A_16 to %scan3A_18 step %scan3A_19 iter_args(%scan3A_224 = %scan3A_14, %scan3A_225 = %scan3A_15) -> (i32, i32)  : i32 {
      %mul3A_226 = arith.constant 16 : i32
      %mul3A_227 = arith.muli %scan3A_223, %mul3A_226 : i32
      %get3A = arith.index_cast %mul3A_227 : i32 to index
      %get3A_228 = tpu.vector_load %arg8[%get3A] {strides = array<i32>} : memref<10000xi32, #tpu.memory_space<vmem>>, vector<16xi32>,
      %mul3A_229 = arith.constant 16 : i32
      %mul3A_230 = arith.muli %scan3A_223, %mul3A_229 : i32
      %get3A_231 = arith.index_cast %mul3A_230 : i32 to index
      %get3A_232 = tpu.vector_load %arg9[%get3A_231] {strides = array<i32>} : memref<10000xi32, #tpu.memory_space<vmem>>, vector<16xi32>,
      tpu.vector_store_idx %arg10[%get3A_228], %broadcast_in_dim3A_13 {add = true} : memref<10240xf32, #tpu.memory_space<vmem>>[vector<16xi32>], vector<16xf32>,
      tpu.vector_store_idx %arg11[%get3A_232], %broadcast_in_dim3A_13 {add = true} : memref<10240xf32, #tpu.memory_space<vmem>>[vector<16xi32>], vector<16xf32>,
      %lt3A = arith.constant 5120 : i32
      %lt3A_233 = vector.broadcast %lt3A : i32 to vector<16xi32>
      %lt3A_234 = arith.cmpi slt, %get3A_228, %lt3A_233 : vector<16xi32>
      %all_reduce_population_count3A = tpu.all_reduce %lt3A_234 {dim = 0 : i64, kind = #tpu.reduction_kind<sum>} : vector<16xi1> -> vector<16xi32>
      %slice3A = vector.extract_strided_slice %all_reduce_population_count3A {offsets = [0], sizes = [1], strides = [1]} : vector<16xi32> to vector<1xi32>
      %squeeze3A = vector.extract %slice3A[0] : i32 from vector<1xi32>
      %swap3A_235 = arith.index_cast %scan3A_224 : i32 to index
      %swap3A_236 = tpu.vector_load %arg12[%swap3A_235] masked %lt3A_234 {strides = array<i32>} : memref<10240xi32, #tpu.memory_space<vmem>>, vector<16xi32>, vector<16xi1>
      tpu.vector_store %arg12[%swap3A_235], %get3A_228 masked %lt3A_234 {strides = array<i32>} : memref<10240xi32, #tpu.memory_space<vmem>>, vector<16xi32>, vector<16xi1>
      %swap3A_237 = arith.index_cast %scan3A_224 : i32 to index
      %swap3A_238 = tpu.vector_load %arg13[%swap3A_237] masked %lt3A_234 {strides = array<i32>} : memref<10240xi32, #tpu.memory_space<vmem>>, vector<16xi32>, vector<16xi1>
      tpu.vector_store %arg13[%swap3A_237], %get3A_232 masked %lt3A_234 {strides = array<i32>} : memref<10240xi32, #tpu.memory_space<vmem>>, vector<16xi32>, vector<16xi1>
      %not3A = arith.constant dense<true> : vector<16xi1>
      %not3A_239 = arith.xori %lt3A_234, %not3A : vector<16xi1>
      %sub3A_240 = arith.constant 5120 : i32
      %sub3A_241 = vector.broadcast %sub3A_240 : i32 to vector<16xi32>
      %sub3A_242 = arith.subi %get3A_228, %sub3A_241 : vector<16xi32>
      %swap3A_243 = arith.index_cast %scan3A_225 : i32 to index
      %swap3A_244 = tpu.vector_load %arg14[%swap3A_243] masked %not3A_239 {strides = array<i32>} : memref<10240xi32, #tpu.memory_space<vmem>>, vector<16xi32>, vector<16xi1>
      tpu.vector_store %arg14[%swap3A_243], %sub3A_242 masked %not3A_239 {strides = array<i32>} : memref<10240xi32, #tpu.memory_space<vmem>>, vector<16xi32>, vector<16xi1>
      %swap3A_245 = arith.index_cast %scan3A_225 : i32 to index
      %swap3A_246 = tpu.vector_load %arg15[%swap3A_245] masked %not3A_239 {strides = array<i32>} : memref<10240xi32, #tpu.memory_space<vmem>>, vector<16xi32>, vector<16xi1>
      tpu.vector_store %arg15[%swap3A_245], %get3A_232 masked %not3A_239 {strides = array<i32>} : memref<10240xi32, #tpu.memory_space<vmem>>, vector<16xi32>, vector<16xi1>
      %add3A_247 = arith.addi %scan3A_224, %squeeze3A : i32
      %sub3A_248 = arith.constant 16 : i32
      %sub3A_249 = arith.subi %sub3A_248, %squeeze3A : i32
      %add3A_250 = arith.addi %scan3A_225, %sub3A_249 : i32
      scf.yield %add3A_247, %add3A_250 : i32, i32
    }
    %scan3A_21 = arith.constant 625 : i32
    %broadcast_in_dim3A_22 = arith.constant 0 : i32
    %broadcast_in_dim3A_23 = vector.broadcast %broadcast_in_dim3A_22 : i32 to vector<16xi32>
    %broadcast_in_dim3A_24 = arith.constant 10000 : i32
    %broadcast_in_dim3A_25 = vector.broadcast %broadcast_in_dim3A_24 : i32 to vector<16xi32>
    %add3A_26 = arith.constant 0 : i32
    %add3A_27 = arith.addi %scan3A_20#0, %add3A_26 : i32
    %swap3A = arith.index_cast %add3A_27 : i32 to index
    %swap3A_28 = tpu.vector_load %arg12[%swap3A] {strides = array<i32>} : memref<10240xi32, #tpu.memory_space<vmem>>, vector<16xi32>,
    tpu.vector_store %arg12[%swap3A], %broadcast_in_dim3A_23 {strides = array<i32>} : memref<10240xi32, #tpu.memory_space<vmem>>, vector<16xi32>,
    %add3A_29 = arith.constant 0 : i32
    %add3A_30 = arith.addi %scan3A_20#0, %add3A_29 : i32
    %swap3A_31 = arith.index_cast %add3A_30 : i32 to index
    %swap3A_32 = tpu.vector_load %arg13[%swap3A_31] {strides = array<i32>} : memref<10240xi32, #tpu.memory_space<vmem>>, vector<16xi32>,
    tpu.vector_store %arg13[%swap3A_31], %broadcast_in_dim3A_25 {strides = array<i32>} : memref<10240xi32, #tpu.memory_space<vmem>>, vector<16xi32>,
    %add3A_33 = arith.constant 0 : i32
    %add3A_34 = arith.addi %scan3A_20#1, %add3A_33 : i32
    %swap3A_35 = arith.index_cast %add3A_34 : i32 to index
    %swap3A_36 = tpu.vector_load %arg14[%swap3A_35] {strides = array<i32>} : memref<10240xi32, #tpu.memory_space<vmem>>, vector<16xi32>,
    tpu.vector_store %arg14[%swap3A_35], %broadcast_in_dim3A_23 {strides = array<i32>} : memref<10240xi32, #tpu.memory_space<vmem>>, vector<16xi32>,
    %add3A_37 = arith.constant 0 : i32
    %add3A_38 = arith.addi %scan3A_20#1, %add3A_37 : i32
    %swap3A_39 = arith.index_cast %add3A_38 : i32 to index
    %swap3A_40 = tpu.vector_load %arg15[%swap3A_39] {strides = array<i32>} : memref<10240xi32, #tpu.memory_space<vmem>>, vector<16xi32>,
    tpu.vector_store %arg15[%swap3A_39], %broadcast_in_dim3A_25 {strides = array<i32>} : memref<10240xi32, #tpu.memory_space<vmem>>, vector<16xi32>,
    %add3A_41 = arith.constant 16 : i32
    %add3A_42 = arith.addi %scan3A_20#0, %add3A_41 : i32
    %swap3A_43 = arith.index_cast %add3A_42 : i32 to index
    %swap3A_44 = tpu.vector_load %arg12[%swap3A_43] {strides = array<i32>} : memref<10240xi32, #tpu.memory_space<vmem>>, vector<16xi32>,
    tpu.vector_store %arg12[%swap3A_43], %broadcast_in_dim3A_23 {strides = array<i32>} : memref<10240xi32, #tpu.memory_space<vmem>>, vector<16xi32>,
    %add3A_45 = arith.constant 16 : i32
    %add3A_46 = arith.addi %scan3A_20#0, %add3A_45 : i32
    %swap3A_47 = arith.index_cast %add3A_46 : i32 to index
    %swap3A_48 = tpu.vector_load %arg13[%swap3A_47] {strides = array<i32>} : memref<10240xi32, #tpu.memory_space<vmem>>, vector<16xi32>,
    tpu.vector_store %arg13[%swap3A_47], %broadcast_in_dim3A_25 {strides = array<i32>} : memref<10240xi32, #tpu.memory_space<vmem>>, vector<16xi32>,
    %add3A_49 = arith.constant 16 : i32
    %add3A_50 = arith.addi %scan3A_20#1, %add3A_49 : i32
    %swap3A_51 = arith.index_cast %add3A_50 : i32 to index
    %swap3A_52 = tpu.vector_load %arg14[%swap3A_51] {strides = array<i32>} : memref<10240xi32, #tpu.memory_space<vmem>>, vector<16xi32>,
    tpu.vector_store %arg14[%swap3A_51], %broadcast_in_dim3A_23 {strides = array<i32>} : memref<10240xi32, #tpu.memory_space<vmem>>, vector<16xi32>,
    %add3A_53 = arith.constant 16 : i32
    %add3A_54 = arith.addi %scan3A_20#1, %add3A_53 : i32
    %swap3A_55 = arith.index_cast %add3A_54 : i32 to index
    %swap3A_56 = tpu.vector_load %arg15[%swap3A_55] {strides = array<i32>} : memref<10240xi32, #tpu.memory_space<vmem>>, vector<16xi32>,
    tpu.vector_store %arg15[%swap3A_55], %broadcast_in_dim3A_25 {strides = array<i32>} : memref<10240xi32, #tpu.memory_space<vmem>>, vector<16xi32>,
    %add3A_57 = arith.constant 32 : i32
    %add3A_58 = arith.addi %scan3A_20#0, %add3A_57 : i32
    %swap3A_59 = arith.index_cast %add3A_58 : i32 to index
    %swap3A_60 = tpu.vector_load %arg12[%swap3A_59] {strides = array<i32>} : memref<10240xi32, #tpu.memory_space<vmem>>, vector<16xi32>,
    tpu.vector_store %arg12[%swap3A_59], %broadcast_in_dim3A_23 {strides = array<i32>} : memref<10240xi32, #tpu.memory_space<vmem>>, vector<16xi32>,
    %add3A_61 = arith.constant 32 : i32
    %add3A_62 = arith.addi %scan3A_20#0, %add3A_61 : i32
    %swap3A_63 = arith.index_cast %add3A_62 : i32 to index
    %swap3A_64 = tpu.vector_load %arg13[%swap3A_63] {strides = array<i32>} : memref<10240xi32, #tpu.memory_space<vmem>>, vector<16xi32>,
    tpu.vector_store %arg13[%swap3A_63], %broadcast_in_dim3A_25 {strides = array<i32>} : memref<10240xi32, #tpu.memory_space<vmem>>, vector<16xi32>,
    %add3A_65 = arith.constant 32 : i32
    %add3A_66 = arith.addi %scan3A_20#1, %add3A_65 : i32
    %swap3A_67 = arith.index_cast %add3A_66 : i32 to index
    %swap3A_68 = tpu.vector_load %arg14[%swap3A_67] {strides = array<i32>} : memref<10240xi32, #tpu.memory_space<vmem>>, vector<16xi32>,
    tpu.vector_store %arg14[%swap3A_67], %broadcast_in_dim3A_23 {strides = array<i32>} : memref<10240xi32, #tpu.memory_space<vmem>>, vector<16xi32>,
    %add3A_69 = arith.constant 32 : i32
    %add3A_70 = arith.addi %scan3A_20#1, %add3A_69 : i32
    %swap3A_71 = arith.index_cast %add3A_70 : i32 to index
    %swap3A_72 = tpu.vector_load %arg15[%swap3A_71] {strides = array<i32>} : memref<10240xi32, #tpu.memory_space<vmem>>, vector<16xi32>,
    tpu.vector_store %arg15[%swap3A_71], %broadcast_in_dim3A_25 {strides = array<i32>} : memref<10240xi32, #tpu.memory_space<vmem>>, vector<16xi32>,
    %add3A_73 = arith.constant 48 : i32
    %add3A_74 = arith.addi %scan3A_20#0, %add3A_73 : i32
    %swap3A_75 = arith.index_cast %add3A_74 : i32 to index
    %swap3A_76 = tpu.vector_load %arg12[%swap3A_75] {strides = array<i32>} : memref<10240xi32, #tpu.memory_space<vmem>>, vector<16xi32>,
    tpu.vector_store %arg12[%swap3A_75], %broadcast_in_dim3A_23 {strides = array<i32>} : memref<10240xi32, #tpu.memory_space<vmem>>, vector<16xi32>,
    %add3A_77 = arith.constant 48 : i32
    %add3A_78 = arith.addi %scan3A_20#0, %add3A_77 : i32
    %swap3A_79 = arith.index_cast %add3A_78 : i32 to index
    %swap3A_80 = tpu.vector_load %arg13[%swap3A_79] {strides = array<i32>} : memref<10240xi32, #tpu.memory_space<vmem>>, vector<16xi32>,
    tpu.vector_store %arg13[%swap3A_79], %broadcast_in_dim3A_25 {strides = array<i32>} : memref<10240xi32, #tpu.memory_space<vmem>>, vector<16xi32>,
    %add3A_81 = arith.constant 48 : i32
    %add3A_82 = arith.addi %scan3A_20#1, %add3A_81 : i32
    %swap3A_83 = arith.index_cast %add3A_82 : i32 to index
    %swap3A_84 = tpu.vector_load %arg14[%swap3A_83] {strides = array<i32>} : memref<10240xi32, #tpu.memory_space<vmem>>, vector<16xi32>,
    tpu.vector_store %arg14[%swap3A_83], %broadcast_in_dim3A_23 {strides = array<i32>} : memref<10240xi32, #tpu.memory_space<vmem>>, vector<16xi32>,
    %add3A_85 = arith.constant 48 : i32
    %add3A_86 = arith.addi %scan3A_20#1, %add3A_85 : i32
    %swap3A_87 = arith.index_cast %add3A_86 : i32 to index
    %swap3A_88 = tpu.vector_load %arg15[%swap3A_87] {strides = array<i32>} : memref<10240xi32, #tpu.memory_space<vmem>>, vector<16xi32>,
    tpu.vector_store %arg15[%swap3A_87], %broadcast_in_dim3A_25 {strides = array<i32>} : memref<10240xi32, #tpu.memory_space<vmem>>, vector<16xi32>,
    %add3A_89 = arith.constant 64 : i32
    %add3A_90 = arith.addi %scan3A_20#0, %add3A_89 : i32
    %sub3A = arith.constant 1 : i32
    %sub3A_91 = arith.subi %add3A_90, %sub3A : i32
    %jit3A = arith.constant 64 : i32
    %div3A = arith.divsi %sub3A_91, %jit3A : i32
    %sign3A = arith.constant 0 : i32
    %sign3A_92 = arith.cmpi sgt, %sub3A_91, %sign3A : i32
    %sign3A_93 = arith.extui %sign3A_92 : i1 to i32
    %sign3A_94 = arith.constant 0 : i32
    %sign3A_95 = arith.cmpi slt, %sub3A_91, %sign3A_94 : i32
    %sign3A_96 = arith.extui %sign3A_95 : i1 to i32
    %sign3A_97 = arith.subi %sign3A_93, %sign3A_96 : i32
    %sign3A_98 = arith.constant 0 : i32
    %sign3A_99 = arith.cmpi sgt, %jit3A, %sign3A_98 : i32
    %sign3A_100 = arith.extui %sign3A_99 : i1 to i32
    %sign3A_101 = arith.constant 0 : i32
    %sign3A_102 = arith.cmpi slt, %jit3A, %sign3A_101 : i32
    %sign3A_103 = arith.extui %sign3A_102 : i1 to i32
    %sign3A_104 = arith.subi %sign3A_100, %sign3A_103 : i32
    %ne3A = arith.cmpi ne, %sign3A_97, %sign3A_104 : i32
    %rem3A = arith.remsi %sub3A_91, %jit3A : i32
    %ne3A_105 = arith.constant 0 : i32
    %ne3A_106 = arith.cmpi ne, %rem3A, %ne3A_105 : i32
    %and3A = arith.andi %ne3A, %ne3A_106 : i1
    %sub3A_107 = arith.constant 1 : i32
    %sub3A_108 = arith.subi %div3A, %sub3A_107 : i32
    %select_n3A = arith.select %and3A, %sub3A_108, %div3A : i32
    %mul3A_109 = arith.constant 2 : i32
    %mul3A_110 = arith.muli %select_n3A, %mul3A_109 : i32
    %add3A_111 = arith.constant 64 : i32
    %add3A_112 = arith.addi %scan3A_20#1, %add3A_111 : i32
    %sub3A_113 = arith.constant 1 : i32
    %sub3A_114 = arith.subi %add3A_112, %sub3A_113 : i32
    %jit3A_115 = arith.constant 64 : i32
    %div3A_116 = arith.divsi %sub3A_114, %jit3A_115 : i32
    %sign3A_117 = arith.constant 0 : i32
    %sign3A_118 = arith.cmpi sgt, %sub3A_114, %sign3A_117 : i32
    %sign3A_119 = arith.extui %sign3A_118 : i1 to i32
    %sign3A_120 = arith.constant 0 : i32
    %sign3A_121 = arith.cmpi slt, %sub3A_114, %sign3A_120 : i32
    %sign3A_122 = arith.extui %sign3A_121 : i1 to i32
    %sign3A_123 = arith.subi %sign3A_119, %sign3A_122 : i32
    %sign3A_124 = arith.constant 0 : i32
    %sign3A_125 = arith.cmpi sgt, %jit3A_115, %sign3A_124 : i32
    %sign3A_126 = arith.extui %sign3A_125 : i1 to i32
    %sign3A_127 = arith.constant 0 : i32
    %sign3A_128 = arith.cmpi slt, %jit3A_115, %sign3A_127 : i32
    %sign3A_129 = arith.extui %sign3A_128 : i1 to i32
    %sign3A_130 = arith.subi %sign3A_126, %sign3A_129 : i32
    %ne3A_131 = arith.cmpi ne, %sign3A_123, %sign3A_130 : i32
    %rem3A_132 = arith.remsi %sub3A_114, %jit3A_115 : i32
    %ne3A_133 = arith.constant 0 : i32
    %ne3A_134 = arith.cmpi ne, %rem3A_132, %ne3A_133 : i32
    %and3A_135 = arith.andi %ne3A_131, %ne3A_134 : i1
    %sub3A_136 = arith.constant 1 : i32
    %sub3A_137 = arith.subi %div3A_116, %sub3A_136 : i32
    %select_n3A_138 = arith.select %and3A_135, %sub3A_137, %div3A_116 : i32
    %mul3A_139 = arith.constant 2 : i32
    %mul3A_140 = arith.muli %select_n3A_138, %mul3A_139 : i32
    %mul3A_141 = arith.constant 10240 : i32
    %mul3A_142 = arith.muli %add3A, %mul3A_141 : i32
    "tpu.region"() ({
      %run_scoped3A = tpu.sem_alloc : memref<!tpu.dma_semaphore, #tpu.memory_space<semaphore_mem>>
      %dma_start3A = tpu.memref_slice %arg5[%mul3A_142] : memref<655360xi32, #tpu.memory_space<hbm>> -> memref<10240xi32, #tpu.memory_space<hbm>>
      %dma_start3A_223 = tpu.memref_slice %arg5[%mul3A_142] : memref<655360xi32, #tpu.memory_space<hbm>> -> memref<10240xi32, #tpu.memory_space<hbm>>
      tpu.enqueue_dma source(%arg12 : memref<10240xi32, #tpu.memory_space<vmem>>) target(%dma_start3A_223 : memref<10240xi32, #tpu.memory_space<hbm>>) target_semaphore(%run_scoped3A : memref<!tpu.dma_semaphore, #tpu.memory_space<semaphore_mem>>)
      %dma_wait3A = tpu.memref_slice %arg5[%mul3A_142] : memref<655360xi32, #tpu.memory_space<hbm>> -> memref<10240xi32, #tpu.memory_space<hbm>>
      %dma_wait3A_224 = tpu.memref_slice %arg5[%mul3A_142] : memref<655360xi32, #tpu.memory_space<hbm>> -> memref<10240xi32, #tpu.memory_space<hbm>>
      tpu.wait_dma2 semaphore(%run_scoped3A : memref<!tpu.dma_semaphore, #tpu.memory_space<semaphore_mem>>) src(%arg12 : memref<10240xi32, #tpu.memory_space<vmem>>) dst(%dma_wait3A_224 : memref<10240xi32, #tpu.memory_space<hbm>>)
      tpu.yield
    }) : () -> ()
    %mul3A_143 = arith.constant 10240 : i32
    %mul3A_144 = arith.muli %add3A, %mul3A_143 : i32
    "tpu.region"() ({
      %run_scoped3A = tpu.sem_alloc : memref<!tpu.dma_semaphore, #tpu.memory_space<semaphore_mem>>
      %dma_start3A = tpu.memref_slice %arg6[%mul3A_144] : memref<655360xi32, #tpu.memory_space<hbm>> -> memref<10240xi32, #tpu.memory_space<hbm>>
      %dma_start3A_223 = tpu.memref_slice %arg6[%mul3A_144] : memref<655360xi32, #tpu.memory_space<hbm>> -> memref<10240xi32, #tpu.memory_space<hbm>>
      tpu.enqueue_dma source(%arg13 : memref<10240xi32, #tpu.memory_space<vmem>>) target(%dma_start3A_223 : memref<10240xi32, #tpu.memory_space<hbm>>) target_semaphore(%run_scoped3A : memref<!tpu.dma_semaphore, #tpu.memory_space<semaphore_mem>>)
      %dma_wait3A = tpu.memref_slice %arg6[%mul3A_144] : memref<655360xi32, #tpu.memory_space<hbm>> -> memref<10240xi32, #tpu.memory_space<hbm>>
      %dma_wait3A_224 = tpu.memref_slice %arg6[%mul3A_144] : memref<655360xi32, #tpu.memory_space<hbm>> -> memref<10240xi32, #tpu.memory_space<hbm>>
      tpu.wait_dma2 semaphore(%run_scoped3A : memref<!tpu.dma_semaphore, #tpu.memory_space<semaphore_mem>>) src(%arg13 : memref<10240xi32, #tpu.memory_space<vmem>>) dst(%dma_wait3A_224 : memref<10240xi32, #tpu.memory_space<hbm>>)
      tpu.yield
    }) : () -> ()
    %mul3A_145 = arith.constant 10240 : i32
    %mul3A_146 = arith.muli %add3A, %mul3A_145 : i32
    %add3A_147 = arith.constant 327680 : i32
    %add3A_148 = arith.addi %add3A_147, %mul3A_146 : i32
    "tpu.region"() ({
      %run_scoped3A = tpu.sem_alloc : memref<!tpu.dma_semaphore, #tpu.memory_space<semaphore_mem>>
      %dma_start3A = tpu.memref_slice %arg5[%add3A_148] : memref<655360xi32, #tpu.memory_space<hbm>> -> memref<10240xi32, #tpu.memory_space<hbm>>
      %dma_start3A_223 = tpu.memref_slice %arg5[%add3A_148] : memref<655360xi32, #tpu.memory_space<hbm>> -> memref<10240xi32, #tpu.memory_space<hbm>>
      tpu.enqueue_dma source(%arg14 : memref<10240xi32, #tpu.memory_space<vmem>>) target(%dma_start3A_223 : memref<10240xi32, #tpu.memory_space<hbm>>) target_semaphore(%run_scoped3A : memref<!tpu.dma_semaphore, #tpu.memory_space<semaphore_mem>>)
      %dma_wait3A = tpu.memref_slice %arg5[%add3A_148] : memref<655360xi32, #tpu.memory_space<hbm>> -> memref<10240xi32, #tpu.memory_space<hbm>>
      %dma_wait3A_224 = tpu.memref_slice %arg5[%add3A_148] : memref<655360xi32, #tpu.memory_space<hbm>> -> memref<10240xi32, #tpu.memory_space<hbm>>
      tpu.wait_dma2 semaphore(%run_scoped3A : memref<!tpu.dma_semaphore, #tpu.memory_space<semaphore_mem>>) src(%arg14 : memref<10240xi32, #tpu.memory_space<vmem>>) dst(%dma_wait3A_224 : memref<10240xi32, #tpu.memory_space<hbm>>)
      tpu.yield
    }) : () -> ()
    %mul3A_149 = arith.constant 10240 : i32
    %mul3A_150 = arith.muli %add3A, %mul3A_149 : i32
    %add3A_151 = arith.constant 327680 : i32
    %add3A_152 = arith.addi %add3A_151, %mul3A_150 : i32
    "tpu.region"() ({
      %run_scoped3A = tpu.sem_alloc : memref<!tpu.dma_semaphore, #tpu.memory_space<semaphore_mem>>
      %dma_start3A = tpu.memref_slice %arg6[%add3A_152] : memref<655360xi32, #tpu.memory_space<hbm>> -> memref<10240xi32, #tpu.memory_space<hbm>>
      %dma_start3A_223 = tpu.memref_slice %arg6[%add3A_152] : memref<655360xi32, #tpu.memory_space<hbm>> -> memref<10240xi32, #tpu.memory_space<hbm>>
      tpu.enqueue_dma source(%arg15 : memref<10240xi32, #tpu.memory_space<vmem>>) target(%dma_start3A_223 : memref<10240xi32, #tpu.memory_space<hbm>>) target_semaphore(%run_scoped3A : memref<!tpu.dma_semaphore, #tpu.memory_space<semaphore_mem>>)
      %dma_wait3A = tpu.memref_slice %arg6[%add3A_152] : memref<655360xi32, #tpu.memory_space<hbm>> -> memref<10240xi32, #tpu.memory_space<hbm>>
      %dma_wait3A_224 = tpu.memref_slice %arg6[%add3A_152] : memref<655360xi32, #tpu.memory_space<hbm>> -> memref<10240xi32, #tpu.memory_space<hbm>>
      tpu.wait_dma2 semaphore(%run_scoped3A : memref<!tpu.dma_semaphore, #tpu.memory_space<semaphore_mem>>) src(%arg15 : memref<10240xi32, #tpu.memory_space<vmem>>) dst(%dma_wait3A_224 : memref<10240xi32, #tpu.memory_space<hbm>>)
      tpu.yield
    }) : () -> ()
    %iota3A = tpu.iota {dimensions = array<i32: 0>} : vector<16xi32>
    %eq3A = arith.constant 0 : i32
    %eq3A_153 = vector.broadcast %eq3A : i32 to vector<16xi32>
    %eq3A_154 = arith.cmpi eq, %iota3A, %eq3A_153 : vector<16xi32>
    %jit3A_155 = arith.constant 0 : i32
    %broadcast_in_dim3A_156 = vector.broadcast %mul3A_110 : i32 to vector<16xi32>
    %broadcast_in_dim3A_157 = vector.broadcast %jit3A_155 : i32 to vector<16xi32>
    %select_n3A_158 = arith.select %eq3A_154, %broadcast_in_dim3A_156, %broadcast_in_dim3A_157 : vector<16xi1>, vector<16xi32>
    %swap3A_159 = arith.constant 0 : index
    %swap3A_160 = tpu.vector_load %arg17[%swap3A_159] {strides = array<i32>} : memref<16xi32, #tpu.memory_space<vmem>>, vector<16xi32>,
    tpu.vector_store %arg17[%swap3A_159], %select_n3A_158 {strides = array<i32>} : memref<16xi32, #tpu.memory_space<vmem>>, vector<16xi32>,
    %mul3A_161 = arith.constant 16 : i32
    %mul3A_162 = arith.muli %add3A, %mul3A_161 : i32
    "tpu.region"() ({
      %run_scoped3A = tpu.sem_alloc : memref<!tpu.dma_semaphore, #tpu.memory_space<semaphore_mem>>
      %dma_start3A = tpu.memref_slice %arg7[%mul3A_162] : memref<1024xi32, #tpu.memory_space<hbm>> -> memref<16xi32, #tpu.memory_space<hbm>>
      %dma_start3A_223 = tpu.memref_slice %arg7[%mul3A_162] : memref<1024xi32, #tpu.memory_space<hbm>> -> memref<16xi32, #tpu.memory_space<hbm>>
      tpu.enqueue_dma source(%arg17 : memref<16xi32, #tpu.memory_space<vmem>>) target(%dma_start3A_223 : memref<16xi32, #tpu.memory_space<hbm>>) target_semaphore(%run_scoped3A : memref<!tpu.dma_semaphore, #tpu.memory_space<semaphore_mem>>)
      %dma_wait3A = tpu.memref_slice %arg7[%mul3A_162] : memref<1024xi32, #tpu.memory_space<hbm>> -> memref<16xi32, #tpu.memory_space<hbm>>
      %dma_wait3A_224 = tpu.memref_slice %arg7[%mul3A_162] : memref<1024xi32, #tpu.memory_space<hbm>> -> memref<16xi32, #tpu.memory_space<hbm>>
      tpu.wait_dma2 semaphore(%run_scoped3A : memref<!tpu.dma_semaphore, #tpu.memory_space<semaphore_mem>>) src(%arg17 : memref<16xi32, #tpu.memory_space<vmem>>) dst(%dma_wait3A_224 : memref<16xi32, #tpu.memory_space<hbm>>)
      tpu.yield
    }) : () -> ()
    %eq3A_163 = arith.constant 0 : i32
    %eq3A_164 = vector.broadcast %eq3A_163 : i32 to vector<16xi32>
    %eq3A_165 = arith.cmpi eq, %iota3A, %eq3A_164 : vector<16xi32>
    %jit3A_166 = arith.constant 0 : i32
    %broadcast_in_dim3A_167 = vector.broadcast %mul3A_140 : i32 to vector<16xi32>
    %broadcast_in_dim3A_168 = vector.broadcast %jit3A_166 : i32 to vector<16xi32>
    %select_n3A_169 = arith.select %eq3A_165, %broadcast_in_dim3A_167, %broadcast_in_dim3A_168 : vector<16xi1>, vector<16xi32>
    %swap3A_170 = arith.constant 0 : index
    %swap3A_171 = tpu.vector_load %arg17[%swap3A_170] {strides = array<i32>} : memref<16xi32, #tpu.memory_space<vmem>>, vector<16xi32>,
    tpu.vector_store %arg17[%swap3A_170], %select_n3A_169 {strides = array<i32>} : memref<16xi32, #tpu.memory_space<vmem>>, vector<16xi32>,
    %mul3A_172 = arith.constant 16 : i32
    %mul3A_173 = arith.muli %add3A, %mul3A_172 : i32
    %add3A_174 = arith.constant 512 : i32
    %add3A_175 = arith.addi %add3A_174, %mul3A_173 : i32
    "tpu.region"() ({
      %run_scoped3A = tpu.sem_alloc : memref<!tpu.dma_semaphore, #tpu.memory_space<semaphore_mem>>
      %dma_start3A = tpu.memref_slice %arg7[%add3A_175] : memref<1024xi32, #tpu.memory_space<hbm>> -> memref<16xi32, #tpu.memory_space<hbm>>
      %dma_start3A_223 = tpu.memref_slice %arg7[%add3A_175] : memref<1024xi32, #tpu.memory_space<hbm>> -> memref<16xi32, #tpu.memory_space<hbm>>
      tpu.enqueue_dma source(%arg17 : memref<16xi32, #tpu.memory_space<vmem>>) target(%dma_start3A_223 : memref<16xi32, #tpu.memory_space<hbm>>) target_semaphore(%run_scoped3A : memref<!tpu.dma_semaphore, #tpu.memory_space<semaphore_mem>>)
      %dma_wait3A = tpu.memref_slice %arg7[%add3A_175] : memref<1024xi32, #tpu.memory_space<hbm>> -> memref<16xi32, #tpu.memory_space<hbm>>
      %dma_wait3A_224 = tpu.memref_slice %arg7[%add3A_175] : memref<1024xi32, #tpu.memory_space<hbm>> -> memref<16xi32, #tpu.memory_space<hbm>>
      tpu.wait_dma2 semaphore(%run_scoped3A : memref<!tpu.dma_semaphore, #tpu.memory_space<semaphore_mem>>) src(%arg17 : memref<16xi32, #tpu.memory_space<vmem>>) dst(%dma_wait3A_224 : memref<16xi32, #tpu.memory_space<hbm>>)
      tpu.yield
    }) : () -> ()
    %mul3A_176 = arith.constant 2 : i32
    %mul3A_177 = arith.muli %arg0, %mul3A_176 : i32
    %mul3A_178 = arith.constant 10240 : i32
    %mul3A_179 = arith.muli %mul3A_177, %mul3A_178 : i32
    "tpu.region"() ({
      %run_scoped3A = tpu.sem_alloc : memref<!tpu.dma_semaphore, #tpu.memory_space<semaphore_mem>>
      %dma_start3A = arith.constant 0 : i32
      %dma_start3A_223 = tpu.memref_slice %arg18[%arg1, %dma_start3A] : memref<16x10240xf32, #tpu.memory_space<vmem_shared>> -> memref<1x10240xf32, #tpu.memory_space<vmem_shared>>
      %dma_start3A_224 = tpu.memref_squeeze %dma_start3A_223 : memref<1x10240xf32, #tpu.memory_space<vmem_shared>> -> memref<10240xf32, #tpu.memory_space<vmem_shared>>
      %dma_start3A_225 = arith.constant 0 : i32
      %dma_start3A_226 = tpu.memref_slice %arg18[%arg1, %dma_start3A_225] : memref<16x10240xf32, #tpu.memory_space<vmem_shared>> -> memref<1x10240xf32, #tpu.memory_space<vmem_shared>>
      %dma_start3A_227 = tpu.memref_squeeze %dma_start3A_226 : memref<1x10240xf32, #tpu.memory_space<vmem_shared>> -> memref<10240xf32, #tpu.memory_space<vmem_shared>>
      tpu.enqueue_dma source(%arg10 : memref<10240xf32, #tpu.memory_space<vmem>>) target(%dma_start3A_227 : memref<10240xf32, #tpu.memory_space<vmem_shared>>) target_semaphore(%run_scoped3A : memref<!tpu.dma_semaphore, #tpu.memory_space<semaphore_mem>>)
      %dma_wait3A = arith.constant 0 : i32
      %dma_wait3A_228 = tpu.memref_slice %arg18[%arg1, %dma_wait3A] : memref<16x10240xf32, #tpu.memory_space<vmem_shared>> -> memref<1x10240xf32, #tpu.memory_space<vmem_shared>>
      %dma_wait3A_229 = tpu.memref_squeeze %dma_wait3A_228 : memref<1x10240xf32, #tpu.memory_space<vmem_shared>> -> memref<10240xf32, #tpu.memory_space<vmem_shared>>
      %dma_wait3A_230 = arith.constant 0 : i32
      %dma_wait3A_231 = tpu.memref_slice %arg18[%arg1, %dma_wait3A_230] : memref<16x10240xf32, #tpu.memory_space<vmem_shared>> -> memref<1x10240xf32, #tpu.memory_space<vmem_shared>>
      %dma_wait3A_232 = tpu.memref_squeeze %dma_wait3A_231 : memref<1x10240xf32, #tpu.memory_space<vmem_shared>> -> memref<10240xf32, #tpu.memory_space<vmem_shared>>
      tpu.wait_dma2 semaphore(%run_scoped3A : memref<!tpu.dma_semaphore, #tpu.memory_space<semaphore_mem>>) src(%arg10 : memref<10240xf32, #tpu.memory_space<vmem>>) dst(%dma_wait3A_232 : memref<10240xf32, #tpu.memory_space<vmem_shared>>)
      tpu.yield
    }) : () -> ()
    %barrier3A = arith.constant 0 : index
    tpu.barrier barrier_id(%barrier3A)
    %scan3A_180 = arith.constant 0 : i32
    %scan3A_181 = arith.constant 0 : i32
    %scan3A_182 = arith.constant 40 : i32
    %scan3A_183 = arith.addi %scan3A_181, %scan3A_182 : i32
    %scan3A_184 = arith.constant 1 : i32
    %scan3A_185 = scf.for %scan3A_223 = %scan3A_181 to %scan3A_183 step %scan3A_184 iter_args(%scan3A_224 = %scan3A_180) -> (i32)  : i32 {
      %mul3A_225 = arith.constant 16 : i32
      %mul3A_226 = arith.muli %scan3A_223, %mul3A_225 : i32
      %swap3A_227 = arith.index_cast %mul3A_226 : i32 to index
      %swap3A_228 = tpu.vector_load %arg16[%swap3A_227] {strides = array<i32>} : memref<640xf32, #tpu.memory_space<vmem>>, vector<16xf32>,
      tpu.vector_store %arg16[%swap3A_227], %broadcast_in_dim3A_1 {strides = array<i32>} : memref<640xf32, #tpu.memory_space<vmem>>, vector<16xf32>,
      %scan3A_229 = arith.constant 0 : i32
      scf.yield %scan3A_229 : i32
    }
    %scan3A_186 = arith.constant 40 : i32
    %scan3A_187 = arith.constant 0 : i32
    %scan3A_188 = arith.constant 0 : i32
    %scan3A_189 = arith.constant 16 : i32
    %scan3A_190 = arith.addi %scan3A_188, %scan3A_189 : i32
    %scan3A_191 = arith.constant 1 : i32
    %scan3A_192 = scf.for %scan3A_223 = %scan3A_188 to %scan3A_190 step %scan3A_191 iter_args(%scan3A_224 = %scan3A_187) -> (i32)  : i32 {
      %mul3A_225 = arith.constant 640 : i32
      %mul3A_226 = arith.muli %arg1, %mul3A_225 : i32
      "tpu.region"() ({
        %run_scoped3A = tpu.sem_alloc : memref<!tpu.dma_semaphore, #tpu.memory_space<semaphore_mem>>
        %dma_start3A = arith.constant 0 : i32
        %dma_start3A_235 = tpu.memref_slice %arg10[%dma_start3A] : memref<10240xf32, #tpu.memory_space<vmem>> -> memref<640xf32, #tpu.memory_space<vmem>>
        %dma_start3A_236 = tpu.memref_slice %arg18[%scan3A_223, %mul3A_226] : memref<16x10240xf32, #tpu.memory_space<vmem_shared>> -> memref<1x640xf32, #tpu.memory_space<vmem_shared>>
        %dma_start3A_237 = tpu.memref_squeeze %dma_start3A_236 : memref<1x640xf32, #tpu.memory_space<vmem_shared>> -> memref<640xf32, #tpu.memory_space<vmem_shared>>
        %dma_start3A_238 = arith.constant 0 : i32
        %dma_start3A_239 = tpu.memref_slice %arg10[%dma_start3A_238] : memref<10240xf32, #tpu.memory_space<vmem>> -> memref<640xf32, #tpu.memory_space<vmem>>
        %dma_start3A_240 = tpu.memref_slice %arg18[%scan3A_223, %mul3A_226] : memref<16x10240xf32, #tpu.memory_space<vmem_shared>> -> memref<1x640xf32, #tpu.memory_space<vmem_shared>>
        %dma_start3A_241 = tpu.memref_squeeze %dma_start3A_240 : memref<1x640xf32, #tpu.memory_space<vmem_shared>> -> memref<640xf32, #tpu.memory_space<vmem_shared>>
        tpu.enqueue_dma source(%dma_start3A_241 : memref<640xf32, #tpu.memory_space<vmem_shared>>) target(%dma_start3A_239 : memref<640xf32, #tpu.memory_space<vmem>>) target_semaphore(%run_scoped3A : memref<!tpu.dma_semaphore, #tpu.memory_space<semaphore_mem>>)
        %dma_wait3A = arith.constant 0 : i32
        %dma_wait3A_242 = tpu.memref_slice %arg10[%dma_wait3A] : memref<10240xf32, #tpu.memory_space<vmem>> -> memref<640xf32, #tpu.memory_space<vmem>>
        %dma_wait3A_243 = tpu.memref_slice %arg18[%scan3A_223, %mul3A_226] : memref<16x10240xf32, #tpu.memory_space<vmem_shared>> -> memref<1x640xf32, #tpu.memory_space<vmem_shared>>
        %dma_wait3A_244 = tpu.memref_squeeze %dma_wait3A_243 : memref<1x640xf32, #tpu.memory_space<vmem_shared>> -> memref<640xf32, #tpu.memory_space<vmem_shared>>
        %dma_wait3A_245 = arith.constant 0 : i32
        %dma_wait3A_246 = tpu.memref_slice %arg10[%dma_wait3A_245] : memref<10240xf32, #tpu.memory_space<vmem>> -> memref<640xf32, #tpu.memory_space<vmem>>
        %dma_wait3A_247 = tpu.memref_slice %arg18[%scan3A_223, %mul3A_226] : memref<16x10240xf32, #tpu.memory_space<vmem_shared>> -> memref<1x640xf32, #tpu.memory_space<vmem_shared>>
        %dma_wait3A_248 = tpu.memref_squeeze %dma_wait3A_247 : memref<1x640xf32, #tpu.memory_space<vmem_shared>> -> memref<640xf32, #tpu.memory_space<vmem_shared>>
        tpu.wait_dma2 semaphore(%run_scoped3A : memref<!tpu.dma_semaphore, #tpu.memory_space<semaphore_mem>>) src(%dma_wait3A_248 : memref<640xf32, #tpu.memory_space<vmem_shared>>) dst(%dma_wait3A_246 : memref<640xf32, #tpu.memory_space<vmem>>)
        tpu.yield
      }) : () -> ()
      %scan3A_227 = arith.constant 0 : i32
      %scan3A_228 = arith.constant 0 : i32
      %scan3A_229 = arith.constant 40 : i32
      %scan3A_230 = arith.addi %scan3A_228, %scan3A_229 : i32
      %scan3A_231 = arith.constant 1 : i32
      %scan3A_232 = scf.for %scan3A_235 = %scan3A_228 to %scan3A_230 step %scan3A_231 iter_args(%scan3A_236 = %scan3A_227) -> (i32)  : i32 {
        %mul3A_237 = arith.constant 16 : i32
        %mul3A_238 = arith.muli %scan3A_235, %mul3A_237 : i32
        %get3A = arith.index_cast %mul3A_238 : i32 to index
        %get3A_239 = tpu.vector_load %arg16[%get3A] {strides = array<i32>} : memref<640xf32, #tpu.memory_space<vmem>>, vector<16xf32>,
        %mul3A_240 = arith.constant 16 : i32
        %mul3A_241 = arith.muli %scan3A_235, %mul3A_240 : i32
        %get3A_242 = arith.index_cast %mul3A_241 : i32 to index
        %get3A_243 = tpu.vector_load %arg10[%get3A_242] {strides = array<i32>} : memref<10240xf32, #tpu.memory_space<vmem>>, vector<16xf32>,
        %add3A_244 = arith.addf %get3A_239, %get3A_243 : vector<16xf32>
        %mul3A_245 = arith.constant 16 : i32
        %mul3A_246 = arith.muli %scan3A_235, %mul3A_245 : i32
        %swap3A_247 = arith.index_cast %mul3A_246 : i32 to index
        %swap3A_248 = tpu.vector_load %arg16[%swap3A_247] {strides = array<i32>} : memref<640xf32, #tpu.memory_space<vmem>>, vector<16xf32>,
        tpu.vector_store %arg16[%swap3A_247], %add3A_244 {strides = array<i32>} : memref<640xf32, #tpu.memory_space<vmem>>, vector<16xf32>,
        %scan3A_249 = arith.constant 0 : i32
        scf.yield %scan3A_249 : i32
      }
      %scan3A_233 = arith.constant 40 : i32
      %scan3A_234 = arith.constant 0 : i32
      scf.yield %scan3A_234 : i32
    }
    %scan3A_193 = arith.constant 16 : i32
    %mul3A_194 = arith.constant 640 : i32
    %mul3A_195 = arith.muli %arg1, %mul3A_194 : i32
    %add3A_196 = arith.addi %mul3A_179, %mul3A_195 : i32
    "tpu.region"() ({
      %run_scoped3A = tpu.sem_alloc : memref<!tpu.dma_semaphore, #tpu.memory_space<semaphore_mem>>
      %dma_start3A = tpu.memref_slice %arg4[%add3A_196] : memref<40960xf32, #tpu.memory_space<hbm>> -> memref<640xf32, #tpu.memory_space<hbm>>
      %dma_start3A_223 = tpu.memref_slice %arg4[%add3A_196] : memref<40960xf32, #tpu.memory_space<hbm>> -> memref<640xf32, #tpu.memory_space<hbm>>
      tpu.enqueue_dma source(%arg16 : memref<640xf32, #tpu.memory_space<vmem>>) target(%dma_start3A_223 : memref<640xf32, #tpu.memory_space<hbm>>) target_semaphore(%run_scoped3A : memref<!tpu.dma_semaphore, #tpu.memory_space<semaphore_mem>>)
      %dma_wait3A = tpu.memref_slice %arg4[%add3A_196] : memref<40960xf32, #tpu.memory_space<hbm>> -> memref<640xf32, #tpu.memory_space<hbm>>
      %dma_wait3A_224 = tpu.memref_slice %arg4[%add3A_196] : memref<40960xf32, #tpu.memory_space<hbm>> -> memref<640xf32, #tpu.memory_space<hbm>>
      tpu.wait_dma2 semaphore(%run_scoped3A : memref<!tpu.dma_semaphore, #tpu.memory_space<semaphore_mem>>) src(%arg16 : memref<640xf32, #tpu.memory_space<vmem>>) dst(%dma_wait3A_224 : memref<640xf32, #tpu.memory_space<hbm>>)
      tpu.yield
    }) : () -> ()
    %barrier3A_197 = arith.constant 0 : index
    tpu.barrier barrier_id(%barrier3A_197)
    %mul3A_198 = arith.constant 2 : i32
    %mul3A_199 = arith.muli %arg0, %mul3A_198 : i32
    %mul3A_200 = arith.constant 10240 : i32
    %mul3A_201 = arith.muli %mul3A_199, %mul3A_200 : i32
    %add3A_202 = arith.constant 10240 : i32
    %add3A_203 = arith.addi %mul3A_201, %add3A_202 : i32
    "tpu.region"() ({
      %run_scoped3A = tpu.sem_alloc : memref<!tpu.dma_semaphore, #tpu.memory_space<semaphore_mem>>
      %dma_start3A = arith.constant 0 : i32
      %dma_start3A_223 = tpu.memref_slice %arg18[%arg1, %dma_start3A] : memref<16x10240xf32, #tpu.memory_space<vmem_shared>> -> memref<1x10240xf32, #tpu.memory_space<vmem_shared>>
      %dma_start3A_224 = tpu.memref_squeeze %dma_start3A_223 : memref<1x10240xf32, #tpu.memory_space<vmem_shared>> -> memref<10240xf32, #tpu.memory_space<vmem_shared>>
      %dma_start3A_225 = arith.constant 0 : i32
      %dma_start3A_226 = tpu.memref_slice %arg18[%arg1, %dma_start3A_225] : memref<16x10240xf32, #tpu.memory_space<vmem_shared>> -> memref<1x10240xf32, #tpu.memory_space<vmem_shared>>
      %dma_start3A_227 = tpu.memref_squeeze %dma_start3A_226 : memref<1x10240xf32, #tpu.memory_space<vmem_shared>> -> memref<10240xf32, #tpu.memory_space<vmem_shared>>
      tpu.enqueue_dma source(%arg11 : memref<10240xf32, #tpu.memory_space<vmem>>) target(%dma_start3A_227 : memref<10240xf32, #tpu.memory_space<vmem_shared>>) target_semaphore(%run_scoped3A : memref<!tpu.dma_semaphore, #tpu.memory_space<semaphore_mem>>)
      %dma_wait3A = arith.constant 0 : i32
      %dma_wait3A_228 = tpu.memref_slice %arg18[%arg1, %dma_wait3A] : memref<16x10240xf32, #tpu.memory_space<vmem_shared>> -> memref<1x10240xf32, #tpu.memory_space<vmem_shared>>
      %dma_wait3A_229 = tpu.memref_squeeze %dma_wait3A_228 : memref<1x10240xf32, #tpu.memory_space<vmem_shared>> -> memref<10240xf32, #tpu.memory_space<vmem_shared>>
      %dma_wait3A_230 = arith.constant 0 : i32
      %dma_wait3A_231 = tpu.memref_slice %arg18[%arg1, %dma_wait3A_230] : memref<16x10240xf32, #tpu.memory_space<vmem_shared>> -> memref<1x10240xf32, #tpu.memory_space<vmem_shared>>
      %dma_wait3A_232 = tpu.memref_squeeze %dma_wait3A_231 : memref<1x10240xf32, #tpu.memory_space<vmem_shared>> -> memref<10240xf32, #tpu.memory_space<vmem_shared>>
      tpu.wait_dma2 semaphore(%run_scoped3A : memref<!tpu.dma_semaphore, #tpu.memory_space<semaphore_mem>>) src(%arg11 : memref<10240xf32, #tpu.memory_space<vmem>>) dst(%dma_wait3A_232 : memref<10240xf32, #tpu.memory_space<vmem_shared>>)
      tpu.yield
    }) : () -> ()
    %barrier3A_204 = arith.constant 0 : index
    tpu.barrier barrier_id(%barrier3A_204)
    %scan3A_205 = arith.constant 0 : i32
    %scan3A_206 = arith.constant 0 : i32
    %scan3A_207 = arith.constant 40 : i32
    %scan3A_208 = arith.addi %scan3A_206, %scan3A_207 : i32
    %scan3A_209 = arith.constant 1 : i32
    %scan3A_210 = scf.for %scan3A_223 = %scan3A_206 to %scan3A_208 step %scan3A_209 iter_args(%scan3A_224 = %scan3A_205) -> (i32)  : i32 {
      %mul3A_225 = arith.constant 16 : i32
      %mul3A_226 = arith.muli %scan3A_223, %mul3A_225 : i32
      %swap3A_227 = arith.index_cast %mul3A_226 : i32 to index
      %swap3A_228 = tpu.vector_load %arg16[%swap3A_227] {strides = array<i32>} : memref<640xf32, #tpu.memory_space<vmem>>, vector<16xf32>,
      tpu.vector_store %arg16[%swap3A_227], %broadcast_in_dim3A_1 {strides = array<i32>} : memref<640xf32, #tpu.memory_space<vmem>>, vector<16xf32>,
      %scan3A_229 = arith.constant 0 : i32
      scf.yield %scan3A_229 : i32
    }
    %scan3A_211 = arith.constant 40 : i32
    %scan3A_212 = arith.constant 0 : i32
    %scan3A_213 = arith.constant 0 : i32
    %scan3A_214 = arith.constant 16 : i32
    %scan3A_215 = arith.addi %scan3A_213, %scan3A_214 : i32
    %scan3A_216 = arith.constant 1 : i32
    %scan3A_217 = scf.for %scan3A_223 = %scan3A_213 to %scan3A_215 step %scan3A_216 iter_args(%scan3A_224 = %scan3A_212) -> (i32)  : i32 {
      %mul3A_225 = arith.constant 640 : i32
      %mul3A_226 = arith.muli %arg1, %mul3A_225 : i32
      "tpu.region"() ({
        %run_scoped3A = tpu.sem_alloc : memref<!tpu.dma_semaphore, #tpu.memory_space<semaphore_mem>>
        %dma_start3A = arith.constant 0 : i32
        %dma_start3A_235 = tpu.memref_slice %arg10[%dma_start3A] : memref<10240xf32, #tpu.memory_space<vmem>> -> memref<640xf32, #tpu.memory_space<vmem>>
        %dma_start3A_236 = tpu.memref_slice %arg18[%scan3A_223, %mul3A_226] : memref<16x10240xf32, #tpu.memory_space<vmem_shared>> -> memref<1x640xf32, #tpu.memory_space<vmem_shared>>
        %dma_start3A_237 = tpu.memref_squeeze %dma_start3A_236 : memref<1x640xf32, #tpu.memory_space<vmem_shared>> -> memref<640xf32, #tpu.memory_space<vmem_shared>>
        %dma_start3A_238 = arith.constant 0 : i32
        %dma_start3A_239 = tpu.memref_slice %arg10[%dma_start3A_238] : memref<10240xf32, #tpu.memory_space<vmem>> -> memref<640xf32, #tpu.memory_space<vmem>>
        %dma_start3A_240 = tpu.memref_slice %arg18[%scan3A_223, %mul3A_226] : memref<16x10240xf32, #tpu.memory_space<vmem_shared>> -> memref<1x640xf32, #tpu.memory_space<vmem_shared>>
        %dma_start3A_241 = tpu.memref_squeeze %dma_start3A_240 : memref<1x640xf32, #tpu.memory_space<vmem_shared>> -> memref<640xf32, #tpu.memory_space<vmem_shared>>
        tpu.enqueue_dma source(%dma_start3A_241 : memref<640xf32, #tpu.memory_space<vmem_shared>>) target(%dma_start3A_239 : memref<640xf32, #tpu.memory_space<vmem>>) target_semaphore(%run_scoped3A : memref<!tpu.dma_semaphore, #tpu.memory_space<semaphore_mem>>)
        %dma_wait3A = arith.constant 0 : i32
        %dma_wait3A_242 = tpu.memref_slice %arg10[%dma_wait3A] : memref<10240xf32, #tpu.memory_space<vmem>> -> memref<640xf32, #tpu.memory_space<vmem>>
        %dma_wait3A_243 = tpu.memref_slice %arg18[%scan3A_223, %mul3A_226] : memref<16x10240xf32, #tpu.memory_space<vmem_shared>> -> memref<1x640xf32, #tpu.memory_space<vmem_shared>>
        %dma_wait3A_244 = tpu.memref_squeeze %dma_wait3A_243 : memref<1x640xf32, #tpu.memory_space<vmem_shared>> -> memref<640xf32, #tpu.memory_space<vmem_shared>>
        %dma_wait3A_245 = arith.constant 0 : i32
        %dma_wait3A_246 = tpu.memref_slice %arg10[%dma_wait3A_245] : memref<10240xf32, #tpu.memory_space<vmem>> -> memref<640xf32, #tpu.memory_space<vmem>>
        %dma_wait3A_247 = tpu.memref_slice %arg18[%scan3A_223, %mul3A_226] : memref<16x10240xf32, #tpu.memory_space<vmem_shared>> -> memref<1x640xf32, #tpu.memory_space<vmem_shared>>
        %dma_wait3A_248 = tpu.memref_squeeze %dma_wait3A_247 : memref<1x640xf32, #tpu.memory_space<vmem_shared>> -> memref<640xf32, #tpu.memory_space<vmem_shared>>
        tpu.wait_dma2 semaphore(%run_scoped3A : memref<!tpu.dma_semaphore, #tpu.memory_space<semaphore_mem>>) src(%dma_wait3A_248 : memref<640xf32, #tpu.memory_space<vmem_shared>>) dst(%dma_wait3A_246 : memref<640xf32, #tpu.memory_space<vmem>>)
        tpu.yield
      }) : () -> ()
      %scan3A_227 = arith.constant 0 : i32
      %scan3A_228 = arith.constant 0 : i32
      %scan3A_229 = arith.constant 40 : i32
      %scan3A_230 = arith.addi %scan3A_228, %scan3A_229 : i32
      %scan3A_231 = arith.constant 1 : i32
      %scan3A_232 = scf.for %scan3A_235 = %scan3A_228 to %scan3A_230 step %scan3A_231 iter_args(%scan3A_236 = %scan3A_227) -> (i32)  : i32 {
        %mul3A_237 = arith.constant 16 : i32
        %mul3A_238 = arith.muli %scan3A_235, %mul3A_237 : i32
        %get3A = arith.index_cast %mul3A_238 : i32 to index
        %get3A_239 = tpu.vector_load %arg16[%get3A] {strides = array<i32>} : memref<640xf32, #tpu.memory_space<vmem>>, vector<16xf32>,
        %mul3A_240 = arith.constant 16 : i32
        %mul3A_241 = arith.muli %scan3A_235, %mul3A_240 : i32
        %get3A_242 = arith.index_cast %mul3A_241 : i32 to index
        %get3A_243 = tpu.vector_load %arg10[%get3A_242] {strides = array<i32>} : memref<10240xf32, #tpu.memory_space<vmem>>, vector<16xf32>,
        %add3A_244 = arith.addf %get3A_239, %get3A_243 : vector<16xf32>
        %mul3A_245 = arith.constant 16 : i32
        %mul3A_246 = arith.muli %scan3A_235, %mul3A_245 : i32
        %swap3A_247 = arith.index_cast %mul3A_246 : i32 to index
        %swap3A_248 = tpu.vector_load %arg16[%swap3A_247] {strides = array<i32>} : memref<640xf32, #tpu.memory_space<vmem>>, vector<16xf32>,
        tpu.vector_store %arg16[%swap3A_247], %add3A_244 {strides = array<i32>} : memref<640xf32, #tpu.memory_space<vmem>>, vector<16xf32>,
        %scan3A_249 = arith.constant 0 : i32
        scf.yield %scan3A_249 : i32
      }
      %scan3A_233 = arith.constant 40 : i32
      %scan3A_234 = arith.constant 0 : i32
      scf.yield %scan3A_234 : i32
    }
    %scan3A_218 = arith.constant 16 : i32
    %mul3A_219 = arith.constant 640 : i32
    %mul3A_220 = arith.muli %arg1, %mul3A_219 : i32
    %add3A_221 = arith.addi %add3A_203, %mul3A_220 : i32
    "tpu.region"() ({
      %run_scoped3A = tpu.sem_alloc : memref<!tpu.dma_semaphore, #tpu.memory_space<semaphore_mem>>
      %dma_start3A = tpu.memref_slice %arg4[%add3A_221] : memref<40960xf32, #tpu.memory_space<hbm>> -> memref<640xf32, #tpu.memory_space<hbm>>
      %dma_start3A_223 = tpu.memref_slice %arg4[%add3A_221] : memref<40960xf32, #tpu.memory_space<hbm>> -> memref<640xf32, #tpu.memory_space<hbm>>
      tpu.enqueue_dma source(%arg16 : memref<640xf32, #tpu.memory_space<vmem>>) target(%dma_start3A_223 : memref<640xf32, #tpu.memory_space<hbm>>) target_semaphore(%run_scoped3A : memref<!tpu.dma_semaphore, #tpu.memory_space<semaphore_mem>>)
      %dma_wait3A = tpu.memref_slice %arg4[%add3A_221] : memref<40960xf32, #tpu.memory_space<hbm>> -> memref<640xf32, #tpu.memory_space<hbm>>
      %dma_wait3A_224 = tpu.memref_slice %arg4[%add3A_221] : memref<40960xf32, #tpu.memory_space<hbm>> -> memref<640xf32, #tpu.memory_space<hbm>>
      tpu.wait_dma2 semaphore(%run_scoped3A : memref<!tpu.dma_semaphore, #tpu.memory_space<semaphore_mem>>) src(%arg16 : memref<640xf32, #tpu.memory_space<vmem>>) dst(%dma_wait3A_224 : memref<640xf32, #tpu.memory_space<hbm>>)
      tpu.yield
    }) : () -> ()
    %barrier3A_222 = arith.constant 0 : index
    tpu.barrier barrier_id(%barrier3A_222)
    return
  }
}

module attributes {stable_mosaic.version = 14 : i64} {
  func.func @_prescale_body(%arg0: i32, %arg1: memref<2048x128xf32, #tpu.memory_space<vmem>>, %arg2: memref<2048x1xf32, #tpu.memory_space<vmem>>, %arg3: memref<2048x1xf32, #tpu.memory_space<vmem>>, %arg4: memref<2048x1xf32, #tpu.memory_space<vmem>>, %arg5: memref<2048x1xf32, #tpu.memory_space<vmem>>, %arg6: memref<2048x256xf32, #tpu.memory_space<vmem>>, %arg7: memref<2048x1xf32, #tpu.memory_space<vmem>>) attributes {dimension_semantics = [#tpu.dimension_semantics<arbitrary>], iteration_bounds = array<i64: 5>, scalar_prefetch = 0 : i64, scratch_operands = 0 : i64, tpu.core_type = #tpu.core_type<tc>, window_params = [{transform_indices = @transform_0, window_bounds = array<i64: 2048, 128>}, {transform_indices = @transform_1, window_bounds = array<i64: 2048, 1>}, {transform_indices = @transform_2, window_bounds = array<i64: 2048, 1>}, {transform_indices = @transform_3, window_bounds = array<i64: 2048, 1>}, {transform_indices = @transform_4, window_bounds = array<i64: 2048, 1>}, {transform_indices = @transform_5, window_bounds = array<i64: 2048, 256>}, {transform_indices = @transform_6, window_bounds = array<i64: 2048, 1>}]} {
    %get3A = arith.constant 0 : index
    %get3A_0 = arith.constant 0 : index
    %get3A_1 = vector.load %arg1[%get3A, %get3A_0] : memref<2048x128xf32, #tpu.memory_space<vmem>>, vector<2048x128xf32>
    %get3A_2 = arith.constant 0 : index
    %get3A_3 = arith.constant 0 : index
    %get3A_4 = vector.load %arg2[%get3A_2, %get3A_3] : memref<2048x1xf32, #tpu.memory_space<vmem>>, vector<2048x1xf32>
    %get3A_5 = arith.constant 0 : index
    %get3A_6 = arith.constant 0 : index
    %get3A_7 = vector.load %arg3[%get3A_5, %get3A_6] : memref<2048x1xf32, #tpu.memory_space<vmem>>, vector<2048x1xf32>
    %add3A = arith.addf %get3A_4, %get3A_7 : vector<2048x1xf32>
    %get3A_8 = arith.constant 0 : index
    %get3A_9 = arith.constant 0 : index
    %get3A_10 = vector.load %arg4[%get3A_8, %get3A_9] : memref<2048x1xf32, #tpu.memory_space<vmem>>, vector<2048x1xf32>
    %get3A_11 = arith.constant 0 : index
    %get3A_12 = arith.constant 0 : index
    %get3A_13 = vector.load %arg5[%get3A_11, %get3A_12] : memref<2048x1xf32, #tpu.memory_space<vmem>>, vector<2048x1xf32>
    %add3A_14 = arith.addf %get3A_10, %get3A_13 : vector<2048x1xf32>
    %max3A = arith.constant 1.000000e+00 : f32
    %max3A_15 = vector.broadcast %max3A : f32 to vector<2048x1xf32>
    %max3A_16 = arith.maximumf %add3A, %max3A_15 : vector<2048x1xf32>
    %rsqrt3A = math.rsqrt %max3A_16 : vector<2048x1xf32>
    %swap3A = arith.constant 0 : index
    %swap3A_17 = arith.constant 0 : index
    %swap3A_18 = vector.load %arg7[%swap3A, %swap3A_17] : memref<2048x1xf32, #tpu.memory_space<vmem>>, vector<2048x1xf32>
    tpu.vector_store %arg7[%swap3A, %swap3A_17], %rsqrt3A {strides = array<i32>} : memref<2048x1xf32, #tpu.memory_space<vmem>>, vector<2048x1xf32>,
    %max3A_19 = arith.constant 1.000000e+00 : f32
    %max3A_20 = vector.broadcast %max3A_19 : f32 to vector<2048x1xf32>
    %max3A_21 = arith.maximumf %add3A_14, %max3A_20 : vector<2048x1xf32>
    %rsqrt3A_22 = math.rsqrt %max3A_21 : vector<2048x1xf32>
    %mul3A = vector.broadcast %rsqrt3A_22 : vector<2048x1xf32> to vector<2048x128xf32>
    %mul3A_23 = arith.mulf %get3A_1, %mul3A : vector<2048x128xf32>
    %mul3A_24 = arith.mulf %mul3A_23, %get3A_1 : vector<2048x128xf32>
    %concatenate3A = tpu.concatenate %mul3A_23, %mul3A_24 in 1 : vector<2048x128xf32>, vector<2048x128xf32> -> vector<2048x256xf32>
    %swap3A_25 = arith.constant 0 : index
    %swap3A_26 = arith.constant 0 : index
    %swap3A_27 = vector.load %arg6[%swap3A_25, %swap3A_26] : memref<2048x256xf32, #tpu.memory_space<vmem>>, vector<2048x256xf32>
    tpu.vector_store %arg6[%swap3A_25, %swap3A_26], %concatenate3A {strides = array<i32>} : memref<2048x256xf32, #tpu.memory_space<vmem>>, vector<2048x256xf32>,
    return
  }
  func.func @transform_0(%arg0: i32) -> (i32, i32) {
    %c0_i32 = arith.constant 0 : i32
    %c0_i32_0 = arith.constant 0 : i32
    return %arg0, %c0_i32 : i32, i32
  }
  func.func @transform_1(%arg0: i32) -> (i32, i32) {
    %c0_i32 = arith.constant 0 : i32
    %c0_i32_0 = arith.constant 0 : i32
    return %arg0, %c0_i32 : i32, i32
  }
  func.func @transform_2(%arg0: i32) -> (i32, i32) {
    %c0_i32 = arith.constant 0 : i32
    %c0_i32_0 = arith.constant 0 : i32
    return %arg0, %c0_i32 : i32, i32
  }
  func.func @transform_3(%arg0: i32) -> (i32, i32) {
    %c0_i32 = arith.constant 0 : i32
    %c0_i32_0 = arith.constant 0 : i32
    return %arg0, %c0_i32 : i32, i32
  }
  func.func @transform_4(%arg0: i32) -> (i32, i32) {
    %c0_i32 = arith.constant 0 : i32
    %c0_i32_0 = arith.constant 0 : i32
    return %arg0, %c0_i32 : i32, i32
  }
  func.func @transform_5(%arg0: i32) -> (i32, i32) {
    %c0_i32 = arith.constant 0 : i32
    %c0_i32_0 = arith.constant 0 : i32
    return %arg0, %c0_i32 : i32, i32
  }
  func.func @transform_6(%arg0: i32) -> (i32, i32) {
    %c0_i32 = arith.constant 0 : i32
    %c0_i32_0 = arith.constant 0 : i32
    return %arg0, %c0_i32 : i32, i32
  }
}

module attributes {stable_mosaic.version = 14 : i64} {
  func.func @_finish_body(%arg0: i32, %arg1: memref<2000x128xf32, #tpu.memory_space<vmem>>, %arg2: memref<2000x128xf32, #tpu.memory_space<vmem>>, %arg3: memref<2000x128xf32, #tpu.memory_space<vmem>>, %arg4: memref<2000x1xf32, #tpu.memory_space<vmem>>, %arg5: memref<128x128xf32, #tpu.memory_space<vmem>>, %arg6: memref<128x128xf32, #tpu.memory_space<vmem>>, %arg7: memref<1x128xf32, #tpu.memory_space<vmem>>, %arg8: memref<1x128xf32, #tpu.memory_space<vmem>>, %arg9: memref<2000x128xf32, #tpu.memory_space<vmem>>) attributes {dimension_semantics = [#tpu.dimension_semantics<arbitrary>], iteration_bounds = array<i64: 5>, scalar_prefetch = 0 : i64, scratch_operands = 0 : i64, tpu.core_type = #tpu.core_type<tc>, window_params = [{transform_indices = @transform_0, window_bounds = array<i64: 2000, 128>}, {transform_indices = @transform_1, window_bounds = array<i64: 2000, 128>}, {transform_indices = @transform_2, window_bounds = array<i64: 2000, 128>}, {transform_indices = @transform_3, window_bounds = array<i64: 2000, 1>}, {pipeline_mode = #tpu.pipeline_mode<synchronous>, transform_indices = @transform_4, window_bounds = array<i64: 128, 128>}, {pipeline_mode = #tpu.pipeline_mode<synchronous>, transform_indices = @transform_5, window_bounds = array<i64: 128, 128>}, {pipeline_mode = #tpu.pipeline_mode<synchronous>, transform_indices = @transform_6, window_bounds = array<i64: 1, 128>}, {pipeline_mode = #tpu.pipeline_mode<synchronous>, transform_indices = @transform_7, window_bounds = array<i64: 1, 128>}, {transform_indices = @transform_8, window_bounds = array<i64: 2000, 128>}]} {
    %get3A = arith.constant 0 : index
    %get3A_0 = arith.constant 0 : index
    %get3A_1 = vector.load %arg4[%get3A, %get3A_0] : memref<2000x1xf32, #tpu.memory_space<vmem>>, vector<2000x1xf32>
    %get3A_2 = arith.constant 0 : index
    %get3A_3 = arith.constant 0 : index
    %get3A_4 = vector.load %arg1[%get3A_2, %get3A_3] : memref<2000x128xf32, #tpu.memory_space<vmem>>, vector<2000x128xf32>
    %get3A_5 = arith.constant 0 : index
    %get3A_6 = arith.constant 0 : index
    %get3A_7 = vector.load %arg2[%get3A_5, %get3A_6] : memref<2000x128xf32, #tpu.memory_space<vmem>>, vector<2000x128xf32>
    %mul3A = vector.broadcast %get3A_1 : vector<2000x1xf32> to vector<2000x128xf32>
    %mul3A_8 = arith.mulf %mul3A, %get3A_7 : vector<2000x128xf32>
    %add3A = arith.addf %get3A_4, %mul3A_8 : vector<2000x128xf32>
    %get3A_9 = arith.constant 0 : index
    %get3A_10 = arith.constant 0 : index
    %get3A_11 = vector.load %arg3[%get3A_9, %get3A_10] : memref<2000x128xf32, #tpu.memory_space<vmem>>, vector<2000x128xf32>
    %mul3A_12 = vector.broadcast %get3A_1 : vector<2000x1xf32> to vector<2000x128xf32>
    %mul3A_13 = arith.mulf %mul3A_12, %get3A_11 : vector<2000x128xf32>
    %get3A_14 = arith.constant 0 : index
    %get3A_15 = arith.constant 0 : index
    %get3A_16 = vector.load %arg5[%get3A_14, %get3A_15] : memref<128x128xf32, #tpu.memory_space<vmem>>, vector<128x128xf32>
    %dot_general3A = arith.constant dense<0.000000e+00> : vector<2000x128xf32>
    %dot_general3A_17 = tpu.matmul %add3A, %get3A_16, %dot_general3A {dimension_numbers = #tpu.dot_dimension_numbers<[1], [0], [0], [1], [0, 0, 1, 1], [], []>, transpose_lhs_hint = false} : vector<2000x128xf32>, vector<128x128xf32>, vector<2000x128xf32> -> vector<2000x128xf32>
    %get3A_18 = arith.constant 0 : index
    %get3A_19 = arith.constant 0 : index
    %get3A_20 = vector.load %arg6[%get3A_18, %get3A_19] : memref<128x128xf32, #tpu.memory_space<vmem>>, vector<128x128xf32>
    %dot_general3A_21 = arith.constant dense<0.000000e+00> : vector<2000x128xf32>
    %dot_general3A_22 = tpu.matmul %mul3A_13, %get3A_20, %dot_general3A_21 {dimension_numbers = #tpu.dot_dimension_numbers<[1], [0], [0], [1], [0, 0, 1, 1], [], []>, transpose_lhs_hint = false} : vector<2000x128xf32>, vector<128x128xf32>, vector<2000x128xf32> -> vector<2000x128xf32>
    %add3A_23 = arith.addf %dot_general3A_17, %dot_general3A_22 : vector<2000x128xf32>
    %get3A_24 = arith.constant 0 : index
    %get3A_25 = arith.constant 0 : index
    %get3A_26 = vector.load %arg7[%get3A_24, %get3A_25] : memref<1x128xf32, #tpu.memory_space<vmem>>, vector<1x128xf32>
    %mul3A_27 = arith.constant 2.000000e+00 : f32
    %mul3A_28 = vector.broadcast %mul3A_27 : f32 to vector<1x128xf32>
    %mul3A_29 = arith.mulf %mul3A_28, %get3A_26 : vector<1x128xf32>
    %add3A_30 = vector.broadcast %mul3A_29 : vector<1x128xf32> to vector<2000x128xf32>
    %add3A_31 = arith.addf %add3A_23, %add3A_30 : vector<2000x128xf32>
    %get3A_32 = arith.constant 0 : index
    %get3A_33 = arith.constant 0 : index
    %get3A_34 = vector.load %arg8[%get3A_32, %get3A_33] : memref<1x128xf32, #tpu.memory_space<vmem>>, vector<1x128xf32>
    %add3A_35 = vector.broadcast %get3A_34 : vector<1x128xf32> to vector<2000x128xf32>
    %add3A_36 = arith.addf %add3A_31, %add3A_35 : vector<2000x128xf32>
    %ge3A = arith.constant 0.000000e+00 : f32
    %ge3A_37 = vector.broadcast %ge3A : f32 to vector<2000x128xf32>
    %ge3A_38 = arith.cmpf oge, %add3A_36, %ge3A_37 : vector<2000x128xf32>
    %mul3A_39 = arith.constant 2.000000e-01 : f32
    %mul3A_40 = vector.broadcast %mul3A_39 : f32 to vector<2000x128xf32>
    %mul3A_41 = arith.mulf %mul3A_40, %add3A_36 : vector<2000x128xf32>
    %select_n3A = arith.select %ge3A_38, %add3A_36, %mul3A_41 : vector<2000x128xi1>, vector<2000x128xf32>
    %swap3A = arith.constant 0 : index
    %swap3A_42 = arith.constant 0 : index
    %swap3A_43 = vector.load %arg9[%swap3A, %swap3A_42] : memref<2000x128xf32, #tpu.memory_space<vmem>>, vector<2000x128xf32>
    tpu.vector_store %arg9[%swap3A, %swap3A_42], %select_n3A {strides = array<i32>} : memref<2000x128xf32, #tpu.memory_space<vmem>>, vector<2000x128xf32>,
    return
  }
  func.func @transform_0(%arg0: i32) -> (i32, i32) {
    %c0_i32 = arith.constant 0 : i32
    %c0_i32_0 = arith.constant 0 : i32
    return %arg0, %c0_i32 : i32, i32
  }
  func.func @transform_1(%arg0: i32) -> (i32, i32) {
    %c0_i32 = arith.constant 0 : i32
    %c0_i32_0 = arith.constant 0 : i32
    return %arg0, %c0_i32 : i32, i32
  }
  func.func @transform_2(%arg0: i32) -> (i32, i32) {
    %c1_i32 = arith.constant 1 : i32
    %c0_i32 = arith.constant 0 : i32
    return %arg0, %c1_i32 : i32, i32
  }
  func.func @transform_3(%arg0: i32) -> (i32, i32) {
    %c0_i32 = arith.constant 0 : i32
    %c0_i32_0 = arith.constant 0 : i32
    return %arg0, %c0_i32 : i32, i32
  }
  func.func @transform_4(%arg0: i32) -> (i32, i32) {
    %c0_i32 = arith.constant 0 : i32
    %c0_i32_0 = arith.constant 0 : i32
    %c0_i32_1 = arith.constant 0 : i32
    return %c0_i32, %c0_i32_0 : i32, i32
  }
  func.func @transform_5(%arg0: i32) -> (i32, i32) {
    %c0_i32 = arith.constant 0 : i32
    %c0_i32_0 = arith.constant 0 : i32
    %c0_i32_1 = arith.constant 0 : i32
    return %c0_i32, %c0_i32_0 : i32, i32
  }
  func.func @transform_6(%arg0: i32) -> (i32, i32) {
    %c0_i32 = arith.constant 0 : i32
    %c0_i32_0 = arith.constant 0 : i32
    %c0_i32_1 = arith.constant 0 : i32
    return %c0_i32, %c0_i32_0 : i32, i32
  }
  func.func @transform_7(%arg0: i32) -> (i32, i32) {
    %c0_i32 = arith.constant 0 : i32
    %c0_i32_0 = arith.constant 0 : i32
    %c0_i32_1 = arith.constant 0 : i32
    return %c0_i32, %c0_i32_0 : i32, i32
  }
  func.func @transform_8(%arg0: i32) -> (i32, i32) {
    %c0_i32 = arith.constant 0 : i32
    %c0_i32_0 = arith.constant 0 : i32
    return %arg0, %c0_i32 : i32, i32
  }
}

</mosaic_0001>

<sc_bundles>
// kernel: kernel.6.cloned.1.call-start
scs
__scs_entry_jumppad:
0x0: {  	(pc) =	sbr.rel $0x88, $3  }
0x1: {  	(tag) =	ssettag $0x0;
	lr =	simm.s32 $0x1  }
0x2: {  	[smem:$0x3F9B] =	sst lr;
	_ =	strace $0xD0000000  }
0x3: {  	_ = 	snop  }
0x4: {  	_ = 	snop  }
0x5: {  	_ = 	snop  }
0x6: {  	_ = 	snop  }
0x7: {  	_ = 	snop  }
__scs_overlays_trampoline_lowered:
0x8: {  	[smem:$0x3FAA] =	sst s0  }
0x9: {  	[smem:$0x3FAB] =	sst s1  }
0xa: {  	[smem:$0x3FAC] =	sst s2  }
0xb: {  	[smem:$0x3FAD] =	sst s3  }
0xc: {  	[smem:$0x3FAE] =	sst s4  }
0xd: {  	[smem:$0x3FAF] =	sst s5  }
0xe: {  	[smem:$0x3FB0] =	sst s6  }
0xf: {  	[smem:$0x3FB1] =	sst s7  }
0x10: {  	[smem:$0x3FB2] =	sst s8  }
0x11: {  	[smem:$0x3FB3] =	sst s9;
	s0 =	simm.s32 @!p0 $0x0  }
0x12: {  	s1 =	sld [smem:$0x3F99];
	s0 =	simm.s32 @p0 $0x1  }
0x13: {  	[smem:$0x3FB4] =	sst s0;
	s0 =	simm.s32 @!p1 $0x0  }
0x14: {  	s2 =	sld [smem:$0x3F98];
	s0 =	simm.s32 @p1 $0x1  }
0x15: {  	[smem:$0x3FB5] =	sst s0;
	s0 =	simm.s32 @!p2 $0x0  }
0x16: {  	s3 =	sld [smem:$0x3FDB];
	s0 =	simm.s32 @p2 $0x1  }
0x17: {  	s4 =	simm.s32 $0x1BF5;
	[smem:$0x3FB7] =	sst s0  }
0x18: {  	s0 =	sld [smem:$0x3F9A];
	_ =	swait.ge [sflag:s4], $0x0  }
0x19: {  	s7 =	sld [smem:$0x3F9B]  }
0x1a: {  	s8 =	sadd.s32 $0xFFFFE003, lr  }
0x1b: {  	s9 =	sadd.s32 $0xFFFFFEF7, lr;
	s5 =	simm.s32 $0xFFFFFFFF;
	p2 =	slt.u32 s8, $0xFFFFF086  }
0x1c: {  	p1 =	slt.u32 s9, $0xF7A;
	s5 =	simm.s32 @!p2 $0x0  }
0x1d: {  	s5 =	simm.s32 @p1 $0x1;
	p0 =	seq.s32 s7, s2  }
0x1e: {  	s7 =	smul.u32 @!p0 $0xF7A, s2;
	p2 =	seq.s32 @!p0 s5, $0x0  }
0x1f: {  	s9 =	smul.u32 $0xF7A, s1;
	s8 =	simm.s32 @!p0 $0x1BF5;
	p2 =	por !p2, p0  }
0x20: {  	[sflag:s8] =	ssyncset.s32 @!p0 $0xFFFFF086;
	s6 =	sadd.s32 @!p0 s3, s7;
	s7 =	simm.s32 @!p0 $0x108  }
0x21: {  	s3 =	sadd.s32 s3, s9;
	s6 =	sadd.s32 @!p0 $0x88, s6;
	s7 =	simm.s32 @p2 $0x1082  }
0x22: {  	[simem:s7], [sflag:s8] =	dma.local @!p0 [hbm:s6], $0xF7A  }
0x23: {  	s9 =	sor.u32 $0xD0000000, s2;
	s6 =	simm.s32 $0x108;
	_ =	swait.ge @!p0 [sflag:s8], $0x0  }
0x24: {  	s3 =	sadd.s32 $0x88, s3;
	s6 =	simm.s32 @!p1 $0x1082;
	[sflag:s4] =	ssyncset.s32 $0xFFFFF086  }
0x25: {  	[simem:s6], [sflag:s4] =	dma.local [hbm:s3], $0xF7A  }
0x26: {  	[smem:$0x3F9B] =	sst s1;
	(tag) =	ssettag s2;
	_ =	strace s9  }
0x27: {  	s1 =	sld [smem:$0x3FAB]  }
0x28: {  	s2 =	sld [smem:$0x3FAC]  }
0x29: {  	s4 =	sld [smem:$0x3FAE]  }
0x2a: {  	p0 =	seq.s32 s5, $0x0;
	s5 =	sld [smem:$0x3FAF]  }
0x2b: {  	s6 =	sld [smem:$0x3FB0]  }
0x2c: {  	s7 =	sld [smem:$0x3FB1]  }
0x2d: {  	s3 =	simm.s32 $0x108;
	s8 =	sld [smem:$0x3FB2]  }
0x2e: {  	s3 =	simm.s32 @!p0 $0x1082;
	s9 =	sld [smem:$0x3FB3]  }
0x2f: {  	lr =	sadd.s32 s0, s3;
	s0 =	sld [smem:$0x3FAA]  }
0x30: {  	s3 =	sld [smem:$0x3FAD]  }
0x31: {  	[smem:$0x3FB6] =	sst s10  }
0x32: {  	s10 =	sld [smem:$0x3FB4];
	_ =	sdelay $0x3  }
0x33: {  	p0 =	seq.s32 s10, $0x1;
	s10 =	sld [smem:$0x3FB6];
	_ =	sdelay $0x3  }
0x34: {  	[smem:$0x3FB6] =	sst s10  }
0x35: {  	s10 =	sld [smem:$0x3FB5];
	_ =	sdelay $0x3  }
0x36: {  	p1 =	seq.s32 s10, $0x1;
	s10 =	sld [smem:$0x3FB6];
	_ =	sdelay $0x3  }
0x37: {  	[smem:$0x3FB6] =	sst s10  }
0x38: {  	s10 =	sld [smem:$0x3FB7]  }
0x39: {  	_ = 	snop;
	(pc) =	sbr.ind lr, $3  }
0x3a: {  	_ = 	snop  }
0x3b: {  	_ = 	snop  }
0x3c: {  	p2 =	seq.s32 s10, $0x1;
	s10 =	sld [smem:$0x3FB6]  }
0x3d: {  	_ =	shalt  }
0x3e: {  	_ =	shalt  }
0x3f: {  	_ =	shalt  }
0x40: {  	_ =	shalt  }
0x41: {  	_ =	shalt  }
0x42: {  	_ =	shalt  }
0x43: {  	_ =	shalt  }
0x44: {  	_ =	shalt  }
0x45: {  	_ =	shalt  }
0x46: {  	_ =	shalt  }
0x47: {  	_ =	shalt  }
0x48: {  	_ =	shalt  }
0x49: {  	_ =	shalt  }
0x4a: {  	_ =	shalt  }
0x4b: {  	_ =	shalt  }
0x4c: {  	_ =	shalt  }
0x4d: {  	_ =	shalt  }
0x4e: {  	_ =	shalt  }
0x4f: {  	_ =	shalt  }
0x50: {  	_ =	shalt  }
0x51: {  	_ =	shalt  }
0x52: {  	_ =	shalt  }
0x53: {  	_ =	shalt  }
0x54: {  	_ =	shalt  }
0x55: {  	_ =	shalt  }
0x56: {  	_ =	shalt  }
0x57: {  	_ =	shalt  }
0x58: {  	_ =	shalt  }
0x59: {  	_ =	shalt  }
0x5a: {  	_ =	shalt  }
0x5b: {  	_ =	shalt  }
0x5c: {  	_ =	shalt  }
0x5d: {  	_ =	shalt  }
0x5e: {  	_ =	shalt  }
0x5f: {  	_ =	shalt  }
0x60: {  	_ =	shalt  }
0x61: {  	_ =	shalt  }
0x62: {  	_ =	shalt  }
0x63: {  	_ =	shalt  }
0x64: {  	_ =	shalt  }
0x65: {  	_ =	shalt  }
0x66: {  	_ =	shalt  }
0x67: {  	_ =	shalt  }
0x68: {  	_ =	shalt  }
0x69: {  	_ =	shalt  }
0x6a: {  	_ =	shalt  }
0x6b: {  	_ =	shalt  }
0x6c: {  	_ =	shalt  }
0x6d: {  	_ =	shalt  }
0x6e: {  	_ =	shalt  }
0x6f: {  	_ =	shalt  }
0x70: {  	_ =	shalt  }
0x71: {  	_ =	shalt  }
0x72: {  	_ =	shalt  }
0x73: {  	_ =	shalt  }
0x74: {  	_ =	shalt  }
0x75: {  	_ =	shalt  }
0x76: {  	_ =	shalt  }
0x77: {  	_ =	shalt  }
0x78: {  	_ =	shalt  }
0x79: {  	_ =	shalt  }
0x7a: {  	_ =	shalt  }
0x7b: {  	_ =	shalt  }
0x7c: {  	_ =	shalt  }
0x7d: {  	_ =	shalt  }
0x7e: {  	_ =	shalt  }
0x7f: {  	_ =	shalt  }
0x80: {  	_ =	shalt  }
0x81: {  	_ =	shalt  }
0x82: {  	_ =	shalt  }
0x83: {  	_ =	shalt  }
0x84: {  	_ =	shalt  }
0x85: {  	_ =	shalt  }
0x86: {  	_ =	shalt  }
0x87: {  	_ =	shalt  }
.Lfunc_end0:
.L_simem_size_0:
called_computation_lowered:
.L_overlay_start_0:
0x88: {  	s2 =	sld [smem:$0x3FD9]  }
0x89: {  	s3 =	sld [smem:$0x3FFE];
	_ =	sdelay $0x1  }
0x8a: {  	s1 =	srdreg.scid  }
0x8b: {  	s0 =	sand.u32 $0x1, s1  }
0x8c: {  	s17 =	sshll.u32 s0, $0xA;
	s2 =	sadd.s32 s3, s2  }
0x8d: {  	s2 =	sadd.s32 s2, s17  }
0x8e: {  	[smem:$0x3FC2] =	sst s2  }
0x8f: {  	_ = 	snop  }
0x90: {  	s2 =	sld [smem:$0x3FD0];
	(tm) =	ssettm $0x1  }
0x91: {  	s18 =	sld [smem:$0x3FFB];
	_ =	sdelay $0x3  }
0x92: {  	_ =	strace s18  }
0x93: {  	s3 =	sld [smem:$0x3FFC];
	_ =	sdelay $0x3  }
0x94: {  	_ =	strace s3  }
0x95: {  	s3 =	sld [smem:$0x3FFD];
	_ =	sdelay $0x3  }
0x96: {  	_ =	strace s3  }
0x97: {  	_ =	strace $0x8FFFFFFF  }
0x98: {  	s19 =	sld [smem:$0x3FDB];
	_ =	sdelay $0x1  }
0x99: {  	s4 =	simm.s32 $_scs_section_size  }
0x9a: {  	s5 =	simm.s32 $_size__tile_overlayer_lowered;
	s6 =	simm.s32 $_tile_overlayer_lowered  }
0x9b: {  	s22 =	simm.s32 $0x1BFF;
	s21 =	sshll.u32 s6, $0x1;
	s3 =	sadd.s32 s4, s19  }
0x9c: {  	s7 =	simm.s32 $0x0;
	s20 =	sshll.u32 s5, $0x1;
	s5 =	sadd.s32 s21, s3  }
0x9d: {  	[timem:s7], [sflag:s22] =	dma.local [hbm:s5], s20  }
0x9e: {  	_ =	swait.ge [sflag:s22], s20  }
0x9f: {  	s4 =	ssub.s32 $0x0, s20;
	[sflag:s22] =	ssyncset.done $0x0  }
0xa0: {  	[sflag:s22] =	ssyncadd.s32 s4;
	_ =	sdelay $0x1  }
0xa1: {  	s23 =	simm.s32 $0x1B8B  }
0xa2: {  	_ =	swait.ge [sflag:s23], $0x1  }
0xa3: {  	[sflag:s23] =	ssyncset.done $0x0  }
0xa4: {  	s25 =	simm.s32 $0x1B8E;
	s24 =	sld [smem:$0x3FFE];
	[sflag:s23] =	ssyncadd.s32 $0xFFFFFFFF  }
0xa5: {  	s26 =	simm.s32 $execute0_lowered;
	[smem:$0x3FD2] =	sst s25  }
0xa6: {  	s5 =	sshll.u32 s26, $0x1;
	_ =	strace $0x80000046;
	[dreg:$0x1] =	wrdreg $0xFFFFFFFF  }
0xa7: {  	s28 =	simm.s32 $_size_execute0_lowered;
	s3 =	sadd.s32 s3, s5;
	[dreg:$0x0] =	wrdreg $0x0  }
0xa8: {  	s5 =	sshll.u32 s28, $0x1;
	[dreg:$0x2] =	wrdreg s3  }
0xa9: {  	[dreg:$0x3] =	wrdreg s5  }
0xaa: {  	[dreg:$0x4] =	wrdreg $0xC0  }
0xab: {  	_ =	task [dreg:s7], $0x5FFFF  }
0xac: {  	[dreg:$0x1] =	wrdreg $0xFFFFFFFF  }
0xad: {  	[dreg:$0x0] =	wrdreg $0x60  }
0xae: {  	[dreg:$0x2] =	wrdreg s24  }
0xaf: {  	[dreg:$0x3] =	wrdreg s2  }
0xb0: {  	[dreg:$0x4] =	wrdreg $0x142000  }
0xb1: {  	[dreg:$0x5] =	wrdreg $0x9  }
0xb2: {  	_ =	task.clear_ibuf [dreg:s7], $0x6FFFF;
	_ =	strace $0x90000046  }
0xb3: {  	s29 =	simm.s32 $0x9;
	_ =	strace $0x80000048  }
0xb4: {  	_ =	swait.ge [sflag:s29], $0x1  }
0xb5: {  	[sflag:s29] =	ssyncadd.s32 $0xFFFFFFFF  }
0xb6: {  	_ =	strace $0x90000048  }
0xb7: {  	_ =	sfence  }
0xb8: {  	s30 =	sld [smem:$0x0];
	_ =	sdelay $0x2  }
0xb9: {  	s31 =	sshll.u32 s1, $0xD;
	s1 =	sshrl.u32 s1, $0x2  }
0xba: {  	s3 =	sand.u32 $0x4000, s31;
	s1 =	sadd.s32 s1, s30  }
0xbb: {  	s0 =	sor.u32 s3, s0;
	s1 =	sshll.u32 s1, $0x11  }
0xbc: {  	s0 =	sor.u32 s1, s0  }
0xbd: {  	s0 =	sadd.s32 $0x8F2B, s0  }
0xbe: {  	[sflag:s0] =	ssyncadd.remote.s32 $0x1  }
0xbf: {  	_ =	sfence.sel $0xFFFF  }
0xc0: {  	[dreg:$0x0] =	wrdreg $0xFFFFFFFF;
	(pc) =	sbr.abs _section_cstart, $3  }
0xc1: {  	[dreg:$0x1] =	wrdreg $0xFFFFFFFF  }
0xc2: {  	_ =	task.clear_ibuf [dreg:s7], $0x2FFFF;
	_ =	strace $0x9FFFFFFF  }
0xc3: {  	(tm) =	ssettm $0x7FFFFFFF  }
tec
execute0_lowered:
.L_overlay_start_1:
0x0: {  	(tag) =	ssettag $0x1  }
0x1: {  	s0 =	rddreg [dreg:$0x0];
	s1 =	srdreg.scid  }
0x2: {  	s7 =	rddreg [dreg:$0x1];
	s2 =	stileid.u32  }
0x3: {  	s12 =	rddreg [dreg:$0x2];
	s6 =	simm.s32 $0x0;
	s16 =	simm.s32 $0x1  }
0x4: {  	s17 =	simm.s32 $0x2780;
	s18 =	simm.s32 $0x4F00;
	s19 =	simm.s32 $0x7700  }
0x5: {  	s20 =	simm.s32 $0x9F00;
	s21 =	simm.s32 $0xC700;
	s22 =	simm.s32 $0xEF00  }
0x6: {  	s28 =	simm.s32 $0x13F00;
	s29 =	simm.s32 $0x0;
	s1 =	sand.u32 $0x1, s1  }
0x7: {  	s4 =	sshll.u32 s2, $0x1;
	s5 =	smul.u32 $0x280, s2;
	[smem:$0x7FF] =	sst s6  }
0x8: {  	s9 =	sadd.s32 $0x16800, s0;
	s10 =	sshrl.u32 s2, $0x3;
	s13 =	smul.u32 $0x5000, s2  }
0x9: {  	s31 =	sshll.u32 s2, $0x7;
	s3 =	smul.u32 $0x5000, s1;
	s4 =	sor.u32 s1, s4  }
0xa: {  	_ =	strace $0x80000047;
	s1 =	ssub.s32 $0x2, s1;
	s11 =	smul.u32 $0x50000, s10  }
0xb: {  	s23 =	smul.u32 $0x4E2, s4;
	s25 =	sshll.u32 s4, $0x1;
	s26 =	sshrl.u32 s1, $0x1  }
0xc: {  	s8 =	smul.u32 $0x2800, s4;
	s13 =	sshrl.u32 s13, $0x2;
	s3 =	sadd.s32 s5, s3  }
0xd: {  	s1 =	ssub.s32 s1, s26;
	s11 =	sshrl.u32 s11, $0x2;
	s26 =	simm.s32 $0x400  }
0xe: {  	s3 =	sshrl.u32 s3, $0x3;
	s24 =	sadd.s32 s23, s0;
	s30 =	sshrl.u32 s8, $0x3  }
0xf: {  	s11 =	sadd.s32 s11, s12;
	s12 =	sadd.s32 s13, s12;
	s15 =	smax.u32 s1, $0x1  }
0x10: {  	s23 =	simm.s32 $0x11700;
	s14 =	sadd.s32 s3, s0;
	s0 =	sadd.s32 s25, s0  }
0x11: {  	s3 =	sadd.s32 $0xB600, s24;
	s4 =	sadd.s32 $0x1800, s24;
	s5 =	sadd.s32 s7, s30  }
0x12: {  	s8 =	sadd.s32 $0xA000, s30;
	s6 =	sadd.s32 s9, s30;
	s24 =	simm.s32 $0x14180  }
0x13: {  	s25 =	simm.s32 $0x80;
	s7 =	sadd.s32 s7, s8;
	s8 =	sadd.s32 s9, s8  }
0x14: {  	v0 =	vimm.f32 $0.0e+00;
	v1 =	vimm.f32 $1.000000000e+00;
	s9 =	sadd.s32 $0x2A800, s0;
	s10 =	sadd.s32 $0x2A840, s0;
	s0 =	sand.u32 $0x380, s31  }
0x15: {  	v2 =	vimm.s32 $0x0;
	v3 =	vimm.s32 $0x2710;
	vm0 =	vcmask $0x300;
	s13 =	sadd.s32 $0x15400, s14;
	s14 =	sadd.s32 $0x15900, s14;
	s11 =	sadd.s32 s0, s11  }
.LBB2_1:
0x16: {  	s0 =	simm.s32 $0x40;
	s1 =	simm.s32 $0x0  }
.LBB2_2:
0x17: {  	p0 =	sne.s32 s0, $0x9FC0;
	[tilespmem:s1+$0x4F00] =	vst v0;
	s30 =	smov.u32 s0;
	s0 =	sadd.s32 $0x40, s0  }
.Ltmp0:
0x18: {  	[tilespmem:s1+$0x7700] =	vst v0;
	(pc) =	sbr.rel @p0 .LBB2_2-.Ltmp0, $2  }
0x19: {  	_ =	sdelay $0x2  }
0x1a: {  	s1 =	sshra.s32 s30, $0x2  }
0x1b: {  	[tilespmem:s1+$0x4F00] =	vst v0  }
0x1c: {  	[tilespmem:s1+$0x7700] =	vst v0;
	s30 =	simm.s32 $0x0  }
0x1d: {  	[tilespmem:s30], [sflag:$0x1] =	stream.linear.gather [hbm4b:s3+s30], $0x2710, $0x38;
	[tilespmem:$0x16A00] =	vst v63  }
0x1e: {  	_ =	swait.ge [sflag:s16], $0x2710  }
0x1f: {  	[sflag:s16] =	ssyncset.done $0x0  }
0x20: {  	[sflag:s16] =	ssyncadd.s32 $0xFFFFD8F0  }
0x21: {  	[tilespmem:s17], [sflag:$0x1] =	stream.linear.gather [hbm4b:s4+s30], $0x2710, $0x38;
	[tilespmem:$0x16A00] =	vst v63  }
0x22: {  	_ =	swait.ge [sflag:s16], $0x2710  }
0x23: {  	[sflag:s16] =	ssyncset.done $0x0  }
0x24: {  	s0 =	simm.s32 $0x0;
	[sflag:s16] =	ssyncadd.s32 $0xFFFFD8F0  }
0x25: {  	v4 =	vld [tilespmem:s0+$0x0];
	_ =	sdelay $0x1  }
0x26: {  	v5 =	vld [tilespmem:s0+$0x2780];
	_ =	sdelay $0x2  }
0x27: {  	vm1 =	vlt.s32 v4, $0x1400  }
0x28: {  	v6 =	vmpcnt.ones.xlane vm1;
	_ =	sdelay $0x1  }
0x29: {  	(v2sf) =	vpush v6, $0x0  }
0x2a: {  	[tilespmem:v4+s18+$0x0] =	vst.idx.add.f32.msk $0xffff, v1  }
0x2b: {  	[tilespmem:v5+s19+$0x0] =	vst.idx.add.f32.msk $0xffff, v1  }
0x2c: {  	[tilespmem:s30+$0x9F00] =	vst.msk vm1, v4  }
0x2d: {  	vm2 =	vge.s32 v4, $0x1400;
	v4 =	vadd.s32 $0xFFFFEC00, v4;
	[tilespmem:s30+$0xC700] =	vst.msk vm1, v5  }
0x2e: {  	[tilespmem:s30+$0xEF00] =	vst.msk vm2, v4  }
0x2f: {  	s0 =	simm.s32 $0x10;
	[tilespmem:s30+$0x11700] =	vst.msk vm2, v5  }
0x30: {  	s1 =	simm.s32 $0x80;
	s31 =	simm.s32 $0x0;
	v4 =	vld [tilespmem:s0+$0x2780]  }
.LBB2_4:
0x31: {  	p0 =	sne.s32 s1, $0x9C00;
	v5 =	vld [tilespmem:s0+$0x0];
	_ =	sdelay $0x4  }
0x32: {  	vm1 =	vge.s32 v5, $0x1400;
	vm2 =	vlt.s32 v5, $0x1400;
	v6 =	vadd.s32 $0xFFFFEC00, v5  }
0x33: {  	v7 =	vmpcnt.ones.xlane vm2  }
0x34: {  	s0 =	spop (v2sf)  }
0x35: {  	[tilespmem:v5+s18+$0x0] =	vst.idx.add.f32.msk $0xffff, v1;
	(v2sf) =	vpush v7, $0x0;
	s30 =	sadd.s32 s30, s0;
	s0 =	ssub.s32 s31, s0  }
0x36: {  	[tilespmem:v4+s19+$0x0] =	vst.idx.add.f32.msk $0xffff, v1;
	s31 =	sadd.s32 $0x10, s0  }
0x37: {  	[tilespmem:s30+$0x9F00] =	vst.msk vm2, v5  }
.Ltmp1:
0x38: {  	[tilespmem:s30+$0xC700] =	vst.msk vm2, v4;
	(pc) =	sbr.rel @p0 .LBB2_4-.Ltmp1, $4  }
0x39: {  	[tilespmem:s31+$0xEF00] =	vst.msk vm1, v6  }
0x3a: {  	s0 =	sshra.s32 s1, $0x2;
	[tilespmem:s31+$0x11700] =	vst.msk vm1, v4  }
0x3b: {  	v4 =	vld [tilespmem:s0+$0x2780]  }
0x3c: {  	s1 =	sadd.s32 $0x40, s1  }
0x3d: {  	v5 =	vld [tilespmem:s0+$0x0];
	_ =	sdelay $0x4  }
0x3e: {  	vm1 =	vlt.s32 v5, $0x1400  }
0x3f: {  	v6 =	vmpcnt.ones.xlane vm1;
	_ =	sdelay $0x1  }
0x40: {  	(v2sf) =	vpush v6, $0x0;
	_ =	sdelay $0xa  }
0x41: {  	s2 =	spop (v2sf);
	[tilespmem:v5+s18+$0x0] =	vst.idx.add.f32.msk $0xffff, v1  }
0x42: {  	s1 =	sadd.s32 s30, s2;
	[tilespmem:v4+s19+$0x0] =	vst.idx.add.f32.msk $0xffff, v1  }
0x43: {  	s0 =	ssub.s32 s31, s2;
	[tilespmem:s1+$0x9F00] =	vst.msk vm1, v5  }
0x44: {  	vm2 =	vge.s32 v5, $0x1400;
	s0 =	sadd.s32 $0x10, s0;
	v5 =	vadd.s32 $0xFFFFEC00, v5;
	[tilespmem:s1+$0xC700] =	vst.msk vm1, v4  }
0x45: {  	[tilespmem:s0+$0xEF00] =	vst.msk vm2, v5;
	s30 =	spop (v2sf)  }
0x46: {  	[tilespmem:s0+$0x11700] =	vst.msk vm2, v4;
	s1 =	sadd.s32 s1, s30  }
0x47: {  	s0 =	ssub.s32 s0, s30;
	[tilespmem:s1+$0x9F00] =	vst v2  }
0x48: {  	s0 =	sadd.s32 $0x10, s0;
	[tilespmem:s1+$0xC700] =	vst v3  }
0x49: {  	[tilespmem:s0+$0xEF00] =	vst v2  }
0x4a: {  	[tilespmem:s0+$0x11700] =	vst v3  }
0x4b: {  	[tilespmem:s1+$0x9F10] =	vst v2  }
0x4c: {  	[tilespmem:s1+$0xC710] =	vst v3  }
0x4d: {  	[tilespmem:s0+$0xEF10] =	vst v2  }
0x4e: {  	[tilespmem:s0+$0x11710] =	vst v3  }
0x4f: {  	[tilespmem:s1+$0x9F20] =	vst v2  }
0x50: {  	[tilespmem:s1+$0xC720] =	vst v3  }
0x51: {  	[tilespmem:s0+$0xEF20] =	vst v2  }
0x52: {  	[tilespmem:s0+$0x11720] =	vst v3  }
0x53: {  	[tilespmem:s1+$0x9F30] =	vst v2  }
0x54: {  	[tilespmem:s1+$0xC730] =	vst v3  }
0x55: {  	s1 =	sadd.s32 $0x3F, s1;
	[tilespmem:s0+$0xEF30] =	vst v2  }
0x56: {  	s30 =	simm.s32 $0x0;
	[tilespmem:s0+$0x11730] =	vst v3;
	s2 =	sshra.s32 s1, $0x1F  }
0x57: {  	[hbm4b:s5+s30] =	stream.linear.scatter [tilespmem:s20], [sflag:$0x1], $0x2800, $0x38;
	[tilespmem:$0x16A00] =	vst v63  }
0x58: {  	p0 =	slt.s32 s1, $0x1;
	s0 =	sadd.s32 $0x3F, s0;
	_ =	swait.ge [sflag:s16], $0x2800  }
0x59: {  	s31 =	sshrl.u32 s2, $0x1A;
	s2 =	sand.u32 $0x3F, s1;
	[sflag:s16] =	ssyncset.done $0x0  }
0x5a: {  	p1 =	sne.s32 s2, $0x0;
	s1 =	sadd.s32 s31, s1;
	[sflag:s16] =	ssyncadd.s32 $0xFFFFD800  }
0x5b: {  	[hbm4b:s6+s30] =	stream.linear.scatter [tilespmem:s21], [sflag:$0x1], $0x2800, $0x38;
	[tilespmem:$0x16A00] =	vst v63  }
0x5c: {  	s2 =	simm.s32 $0x1;
	p0 =	por !p0, !p1;
	_ =	swait.ge [sflag:s16], $0x2800  }
0x5d: {  	s31 =	sshra.s32 s0, $0x1F;
	p0 =	por !p0, !p0;
	[sflag:s16] =	ssyncset.done $0x0  }
0x5e: {  	s1 =	sshra.s32 s1, $0x6;
	s2 =	simm.s32 @!p0 $0x0;
	[sflag:s16] =	ssyncadd.s32 $0xFFFFD800  }
0x5f: {  	[hbm4b:s7+s30] =	stream.linear.scatter [tilespmem:s22], [sflag:$0x1], $0x2800, $0x38;
	[tilespmem:$0x16A00] =	vst v63  }
0x60: {  	s31 =	sshrl.u32 s31, $0x1A;
	s1 =	ssub.s32 s1, s2;
	_ =	swait.ge [sflag:s16], $0x2800  }
0x61: {  	s2 =	sadd.s32 s31, s0;
	s31 =	sand.u32 $0x3F, s0;
	[sflag:s16] =	ssyncset.done $0x0  }
0x62: {  	p5 =	slt.s32 s0, $0x1;
	p6 =	sne.s32 s31, $0x0;
	[sflag:s16] =	ssyncadd.s32 $0xFFFFD800  }
0x63: {  	[hbm4b:s8+s30] =	stream.linear.scatter [tilespmem:s23], [sflag:$0x1], $0x2800, $0x38;
	[tilespmem:$0x16A00] =	vst v63  }
0x64: {  	s1 =	sshll.u32 s1, $0x1;
	p0 =	por !p5, !p6;
	_ =	swait.ge [sflag:s16], $0x2800  }
0x65: {  	s0 =	simm.s32 $0x1;
	v4 =	vmov s1;
	p0 =	por !p0, !p0;
	[sflag:s16] =	ssyncset.done $0x0  }
0x66: {  	s31 =	sshra.s32 s2, $0x6;
	v4 =	vnsel vm0, $0x0, v4;
	s0 =	simm.s32 @!p0 $0x0;
	[sflag:s16] =	ssyncadd.s32 $0xFFFFD800  }
0x67: {  	s0 =	ssub.s32 s31, s0;
	[tilespmem:$0x14180] =	vst v4  }
0x68: {  	[hbm4b:s9+s30] =	stream.linear.scatter [tilespmem:s24], [sflag:$0x1], $0x10, $0x38;
	[tilespmem:$0x16A00] =	vst v63  }
0x69: {  	s0 =	sshll.u32 s0, $0x1;
	_ =	swait.ge [sflag:s16], $0x10  }
0x6a: {  	v4 =	vmov s0;
	[sflag:s16] =	ssyncset.done $0x0  }
0x6b: {  	v4 =	vnsel vm0, $0x0, v4;
	[sflag:s16] =	ssyncadd.s32 $0xFFFFFFF0  }
0x6c: {  	[tilespmem:$0x14180] =	vst v4  }
0x6d: {  	[hbm4b:s10+s30] =	stream.linear.scatter [tilespmem:s24], [sflag:$0x1], $0x10, $0x38;
	[tilespmem:$0x16A00] =	vst v63  }
0x6e: {  	_ =	swait.ge [sflag:s16], $0x10  }
0x6f: {  	[sflag:s16] =	ssyncset.done $0x0  }
0x70: {  	[sflag:s16] =	ssyncadd.s32 $0xFFFFFFF0  }
0x71: {  	[spmem:s11] =	stream.strided.scatter [tilespmem:s18], [sflag:$0x1], $0x2800, s26, s25, $0x38;
	[tilespmem:$0x16A00] =	vst v63  }
0x72: {  	_ =	swait.ge [sflag:s16], $0x2800  }
0x73: {  	[sflag:s16] =	ssyncset.done $0x0  }
0x74: {  	[sflag:s16] =	ssyncadd.s32 $0xFFFFD800  }
0x75: {  	[bflag:$0x0] =	sbarrier.arrive $0xFFFF  }
0x76: {  	[tilespmem:$0x13F00] =	vst v0  }
0x77: {  	[tilespmem:$0x13F10] =	vst v0  }
0x78: {  	[tilespmem:$0x13F20] =	vst v0  }
0x79: {  	[tilespmem:$0x13F30] =	vst v0  }
0x7a: {  	[tilespmem:$0x13F40] =	vst v0  }
0x7b: {  	[tilespmem:$0x13F50] =	vst v0  }
0x7c: {  	[tilespmem:$0x13F60] =	vst v0  }
0x7d: {  	[tilespmem:$0x13F70] =	vst v0  }
0x7e: {  	[tilespmem:$0x13F80] =	vst v0  }
0x7f: {  	[tilespmem:$0x13F90] =	vst v0  }
0x80: {  	[tilespmem:$0x13FA0] =	vst v0  }
0x81: {  	[tilespmem:$0x13FB0] =	vst v0  }
0x82: {  	[tilespmem:$0x13FC0] =	vst v0  }
0x83: {  	[tilespmem:$0x13FD0] =	vst v0  }
0x84: {  	[tilespmem:$0x13FE0] =	vst v0  }
0x85: {  	[tilespmem:$0x13FF0] =	vst v0  }
0x86: {  	[tilespmem:$0x14000] =	vst v0  }
0x87: {  	[tilespmem:$0x14010] =	vst v0  }
0x88: {  	[tilespmem:$0x14020] =	vst v0  }
0x89: {  	[tilespmem:$0x14030] =	vst v0  }
0x8a: {  	[tilespmem:$0x14040] =	vst v0  }
0x8b: {  	[tilespmem:$0x14050] =	vst v0  }
0x8c: {  	[tilespmem:$0x14060] =	vst v0  }
0x8d: {  	[tilespmem:$0x14070] =	vst v0  }
0x8e: {  	[tilespmem:$0x14080] =	vst v0  }
0x8f: {  	[tilespmem:$0x14090] =	vst v0  }
0x90: {  	[tilespmem:$0x140A0] =	vst v0  }
0x91: {  	[tilespmem:$0x140B0] =	vst v0  }
0x92: {  	[tilespmem:$0x140C0] =	vst v0  }
0x93: {  	[tilespmem:$0x140D0] =	vst v0  }
0x94: {  	[tilespmem:$0x140E0] =	vst v0  }
0x95: {  	[tilespmem:$0x140F0] =	vst v0  }
0x96: {  	[tilespmem:$0x14100] =	vst v0  }
0x97: {  	[tilespmem:$0x14110] =	vst v0  }
0x98: {  	[tilespmem:$0x14120] =	vst v0  }
0x99: {  	[tilespmem:$0x14130] =	vst v0  }
0x9a: {  	[tilespmem:$0x14140] =	vst v0  }
0x9b: {  	[tilespmem:$0x14150] =	vst v0  }
0x9c: {  	[tilespmem:$0x14160] =	vst v0  }
0x9d: {  	[tilespmem:$0x14170] =	vst v0  }
.LBB2_6:
0x9e: {  	s0 =	sshrl.u32 s30, $0x3  }
0x9f: {  	s0 =	smul.u32 $0x50000, s0;
	_ =	sdelay $0x1  }
0xa0: {  	s1 =	sshll.u32 s30, $0x7;
	s0 =	sshra.s32 s0, $0x2  }
0xa1: {  	s1 =	sand.u32 $0x380, s1;
	s0 =	sadd.s32 s0, s12  }
0xa2: {  	s0 =	sadd.s32 s1, s0  }
0xa3: {  	[tilespmem:s18], [sflag:$0x1] =	stream.strided.gather [spmem:s0], $0x280, s26, s25, $0x38;
	[tilespmem:$0x16A00] =	vst v63  }
0xa4: {  	_ =	swait.ge [sflag:s16], $0x280  }
0xa5: {  	[sflag:s16] =	ssyncset.done $0x0  }
0xa6: {  	s1 =	simm.s32 $0x0;
	[sflag:s16] =	ssyncadd.s32 $0xFFFFFD80  }
0xa7: {  	s31 =	simm.s32 $0x40;
	v4 =	vld [tilespmem:s1+$0x4F00]  }
.LBB2_7:
0xa8: {  	p0 =	sne.s32 s31, $0x9C0;
	v5 =	vld [tilespmem:s1+$0x13F00];
	_ =	sdelay $0x2  }
.Ltmp2:
0xa9: {  	(pc) =	sbr.rel @p0 .LBB2_7-.Ltmp2, $4  }
0xaa: {  	_ = 	snop  }
0xab: {  	v5 =	vadd.f32 v4, v5  }
0xac: {  	s0 =	sshra.s32 s31, $0x2  }
0xad: {  	s31 =	sadd.s32 $0x40, s31;
	v4 =	vld [tilespmem:s0+$0x4F00];
	[tilespmem:s1+$0x13F00] =	vst v5;
	s1 =	smov.u32 s0  }
0xae: {  	v5 =	vld [tilespmem:s1+$0x13F00]  }
0xaf: {  	s30 =	sadd.s32 $0x1, s30  }
0xb0: {  	p0 =	sne.s32 s30, $0x10  }
.Ltmp3:
0xb1: {  	_ = 	snop;
	(pc) =	sbr.rel @p0 .LBB2_6-.Ltmp3, $3  }
0xb2: {  	_ = 	snop  }
0xb3: {  	v4 =	vadd.f32 v4, v5;
	_ =	sdelay $0x1  }
0xb4: {  	[tilespmem:s1+$0x13F00] =	vst v4  }
0xb5: {  	s30 =	simm.s32 $0x0  }
0xb6: {  	[hbm4b:s13+s30] =	stream.linear.scatter [tilespmem:s28], [sflag:$0x1], $0x280, $0x38;
	[tilespmem:$0x16A00] =	vst v63  }
0xb7: {  	_ =	swait.ge [sflag:s16], $0x280  }
0xb8: {  	[sflag:s16] =	ssyncset.done $0x0  }
0xb9: {  	[sflag:s16] =	ssyncadd.s32 $0xFFFFFD80  }
0xba: {  	[bflag:$0x0] =	sbarrier.arrive $0xFFFF  }
0xbb: {  	[spmem:s11] =	stream.strided.scatter [tilespmem:s19], [sflag:$0x1], $0x2800, s26, s25, $0x38;
	[tilespmem:$0x16A00] =	vst v63  }
0xbc: {  	_ =	swait.ge [sflag:s16], $0x2800  }
0xbd: {  	[sflag:s16] =	ssyncset.done $0x0  }
0xbe: {  	[sflag:s16] =	ssyncadd.s32 $0xFFFFD800  }
0xbf: {  	[bflag:$0x0] =	sbarrier.arrive $0xFFFF  }
0xc0: {  	[tilespmem:$0x13F00] =	vst v0  }
0xc1: {  	[tilespmem:$0x13F10] =	vst v0  }
0xc2: {  	[tilespmem:$0x13F20] =	vst v0  }
0xc3: {  	[tilespmem:$0x13F30] =	vst v0  }
0xc4: {  	[tilespmem:$0x13F40] =	vst v0  }
0xc5: {  	[tilespmem:$0x13F50] =	vst v0  }
0xc6: {  	[tilespmem:$0x13F60] =	vst v0  }
0xc7: {  	[tilespmem:$0x13F70] =	vst v0  }
0xc8: {  	[tilespmem:$0x13F80] =	vst v0  }
0xc9: {  	[tilespmem:$0x13F90] =	vst v0  }
0xca: {  	[tilespmem:$0x13FA0] =	vst v0  }
0xcb: {  	[tilespmem:$0x13FB0] =	vst v0  }
0xcc: {  	[tilespmem:$0x13FC0] =	vst v0  }
0xcd: {  	[tilespmem:$0x13FD0] =	vst v0  }
0xce: {  	[tilespmem:$0x13FE0] =	vst v0  }
0xcf: {  	[tilespmem:$0x13FF0] =	vst v0  }
0xd0: {  	[tilespmem:$0x14000] =	vst v0  }
0xd1: {  	[tilespmem:$0x14010] =	vst v0  }
0xd2: {  	[tilespmem:$0x14020] =	vst v0  }
0xd3: {  	[tilespmem:$0x14030] =	vst v0  }
0xd4: {  	[tilespmem:$0x14040] =	vst v0  }
0xd5: {  	[tilespmem:$0x14050] =	vst v0  }
0xd6: {  	[tilespmem:$0x14060] =	vst v0  }
0xd7: {  	[tilespmem:$0x14070] =	vst v0  }
0xd8: {  	[tilespmem:$0x14080] =	vst v0  }
0xd9: {  	[tilespmem:$0x14090] =	vst v0  }
0xda: {  	[tilespmem:$0x140A0] =	vst v0  }
0xdb: {  	[tilespmem:$0x140B0] =	vst v0  }
0xdc: {  	[tilespmem:$0x140C0] =	vst v0  }
0xdd: {  	[tilespmem:$0x140D0] =	vst v0  }
0xde: {  	[tilespmem:$0x140E0] =	vst v0  }
0xdf: {  	[tilespmem:$0x140F0] =	vst v0  }
0xe0: {  	[tilespmem:$0x14100] =	vst v0  }
0xe1: {  	[tilespmem:$0x14110] =	vst v0  }
0xe2: {  	[tilespmem:$0x14120] =	vst v0  }
0xe3: {  	[tilespmem:$0x14130] =	vst v0  }
0xe4: {  	[tilespmem:$0x14140] =	vst v0  }
0xe5: {  	[tilespmem:$0x14150] =	vst v0  }
0xe6: {  	[tilespmem:$0x14160] =	vst v0  }
0xe7: {  	[tilespmem:$0x14170] =	vst v0  }
.LBB2_10:
0xe8: {  	s0 =	sshrl.u32 s30, $0x3  }
0xe9: {  	s0 =	smul.u32 $0x50000, s0;
	_ =	sdelay $0x1  }
0xea: {  	s1 =	sshll.u32 s30, $0x7;
	s0 =	sshra.s32 s0, $0x2  }
0xeb: {  	s1 =	sand.u32 $0x380, s1;
	s0 =	sadd.s32 s0, s12  }
0xec: {  	s0 =	sadd.s32 s1, s0  }
0xed: {  	[tilespmem:s18], [sflag:$0x1] =	stream.strided.gather [spmem:s0], $0x280, s26, s25, $0x38;
	[tilespmem:$0x16A00] =	vst v63  }
0xee: {  	_ =	swait.ge [sflag:s16], $0x280  }
0xef: {  	[sflag:s16] =	ssyncset.done $0x0  }
0xf0: {  	s1 =	simm.s32 $0x0;
	[sflag:s16] =	ssyncadd.s32 $0xFFFFFD80  }
0xf1: {  	s31 =	simm.s32 $0x40;
	v4 =	vld [tilespmem:s1+$0x4F00]  }
.LBB2_11:
0xf2: {  	p0 =	sne.s32 s31, $0x9C0;
	v5 =	vld [tilespmem:s1+$0x13F00];
	_ =	sdelay $0x2  }
.Ltmp4:
0xf3: {  	(pc) =	sbr.rel @p0 .LBB2_11-.Ltmp4, $4  }
0xf4: {  	_ = 	snop  }
0xf5: {  	v5 =	vadd.f32 v4, v5  }
0xf6: {  	s0 =	sshra.s32 s31, $0x2  }
0xf7: {  	s31 =	sadd.s32 $0x40, s31;
	v4 =	vld [tilespmem:s0+$0x4F00];
	[tilespmem:s1+$0x13F00] =	vst v5;
	s1 =	smov.u32 s0  }
0xf8: {  	v5 =	vld [tilespmem:s1+$0x13F00]  }
0xf9: {  	s30 =	sadd.s32 $0x1, s30  }
0xfa: {  	p0 =	sne.s32 s30, $0x10  }
.Ltmp5:
0xfb: {  	_ = 	snop;
	(pc) =	sbr.rel @p0 .LBB2_10-.Ltmp5, $3  }
0xfc: {  	_ = 	snop  }
0xfd: {  	v4 =	vadd.f32 v4, v5;
	_ =	sdelay $0x1  }
0xfe: {  	[tilespmem:s1+$0x13F00] =	vst v4  }
0xff: {  	s0 =	simm.s32 $0x0;
	s29 =	sadd.s32 $0x1, s29  }
0x100: {  	[hbm4b:s14+s0] =	stream.linear.scatter [tilespmem:s28], [sflag:$0x1], $0x280, $0x38;
	[tilespmem:$0x16A00] =	vst v63  }
0x101: {  	p0 =	sne.s32 s29, s15  }
.Ltmp6:
0x102: {  	_ =	swait.ge [sflag:s16], $0x280;
	(pc) =	sbr.rel @p0 .LBB2_1-.Ltmp6, $3  }
0x103: {  	[sflag:s16] =	ssyncset.done $0x0  }
0x104: {  	[sflag:s16] =	ssyncadd.s32 $0xFFFFFD80  }
0x105: {  	[bflag:$0x0] =	sbarrier.arrive $0xFFFF;
	_ =	sdelay $0x1  }
0x106: {  	_ =	sfence.sel $0x180000  }
0x107: {  	[bflag:$0x0] =	sbarrier.arrive $0xFFFF  }
0x108: {  	_ =	strace $0x90000047  }
0x109: {  	s0 =	stileid.u32;
	[bflag:$0x2] =	sbarrier.arrive $0xFFFF  }
0x10a: {  	p0 =	sne.s32 s0, $0x0;
	s0 =	rddreg [dreg:$0x3]  }
0x10b: {  	s0 =	sadd.s32 @!p0 $0x100000, s0  }
0x10c: {  	[sflag:s0] =	ssyncadd.tile.s32 @!p0 $0x1;
	_ =	shalt  }
.Lfunc_end2:
_tile_overlayer_lowered:
.L_overlay_start_2:
0x10d: {  	(tag) =	ssettag $0x2  }
0x10e: {  	s0 =	rddreg [dreg:$0x0];
	s2 =	stileid.u32  }
0x10f: {  	s1 =	rddreg [dreg:$0x1];
	p0 =	sne.s32 s2, $0x0  }
0x110: {  	s3 =	rddreg [dreg:$0x2];
	[bflag:$0x3] =	sbarrier.arrive $0xFFFF;
	s2 =	simm.s32 @!p0 $0x1C01  }
0x111: {  	[timem:s3], [sflag:s2] =	dma.local @!p0 [hbm:s0], s1  }
0x112: {  	s0 =	simm.s32 @!p0 $0x1  }
0x113: {  	_ =	swait.ge @!p0 [sflag:s0], s1  }
0x114: {  	s1 =	ssub.s32 @!p0 $0x0, s1;
	[sflag:s0] =	ssyncset.done @!p0 $0x0  }
0x115: {  	[sflag:s0] =	ssyncadd.s32 @!p0 s1  }
0x116: {  	[bflag:$0x3] =	sbarrier.arrive $0xFFFF  }
0x117: {  	_ =	shalt  }

// kernel: kernel.9.cloned.1.call-start
scs
__scs_entry_jumppad:
0x0: {  	(pc) =	sbr.rel $0x88, $3  }
0x1: {  	(tag) =	ssettag $0x0;
	lr =	simm.s32 $0x1  }
0x2: {  	[smem:$0x3F9B] =	sst lr;
	_ =	strace $0xD0000000  }
0x3: {  	_ = 	snop  }
0x4: {  	_ = 	snop  }
0x5: {  	_ = 	snop  }
0x6: {  	_ = 	snop  }
0x7: {  	_ = 	snop  }
__scs_overlays_trampoline_lowered:
0x8: {  	[smem:$0x3FAA] =	sst s0  }
0x9: {  	[smem:$0x3FAB] =	sst s1  }
0xa: {  	[smem:$0x3FAC] =	sst s2  }
0xb: {  	[smem:$0x3FAD] =	sst s3  }
0xc: {  	[smem:$0x3FAE] =	sst s4  }
0xd: {  	[smem:$0x3FAF] =	sst s5  }
0xe: {  	[smem:$0x3FB0] =	sst s6  }
0xf: {  	[smem:$0x3FB1] =	sst s7  }
0x10: {  	[smem:$0x3FB2] =	sst s8  }
0x11: {  	[smem:$0x3FB3] =	sst s9;
	s0 =	simm.s32 @!p0 $0x0  }
0x12: {  	s1 =	sld [smem:$0x3F99];
	s0 =	simm.s32 @p0 $0x1  }
0x13: {  	[smem:$0x3FB4] =	sst s0;
	s0 =	simm.s32 @!p1 $0x0  }
0x14: {  	s2 =	sld [smem:$0x3F98];
	s0 =	simm.s32 @p1 $0x1  }
0x15: {  	[smem:$0x3FB5] =	sst s0;
	s0 =	simm.s32 @!p2 $0x0  }
0x16: {  	s3 =	sld [smem:$0x3FDB];
	s0 =	simm.s32 @p2 $0x1  }
0x17: {  	s4 =	simm.s32 $0x1BF5;
	[smem:$0x3FB7] =	sst s0  }
0x18: {  	s0 =	sld [smem:$0x3F9A];
	_ =	swait.ge [sflag:s4], $0x0  }
0x19: {  	s7 =	sld [smem:$0x3F9B]  }
0x1a: {  	s8 =	sadd.s32 $0xFFFFE003, lr  }
0x1b: {  	s9 =	sadd.s32 $0xFFFFFEF7, lr;
	s5 =	simm.s32 $0xFFFFFFFF;
	p2 =	slt.u32 s8, $0xFFFFF086  }
0x1c: {  	p1 =	slt.u32 s9, $0xF7A;
	s5 =	simm.s32 @!p2 $0x0  }
0x1d: {  	s5 =	simm.s32 @p1 $0x1;
	p0 =	seq.s32 s7, s2  }
0x1e: {  	s7 =	smul.u32 @!p0 $0xF7A, s2;
	p2 =	seq.s32 @!p0 s5, $0x0  }
0x1f: {  	s9 =	smul.u32 $0xF7A, s1;
	s8 =	simm.s32 @!p0 $0x1BF5;
	p2 =	por !p2, p0  }
0x20: {  	[sflag:s8] =	ssyncset.s32 @!p0 $0xFFFFF086;
	s6 =	sadd.s32 @!p0 s3, s7;
	s7 =	simm.s32 @!p0 $0x108  }
0x21: {  	s3 =	sadd.s32 s3, s9;
	s6 =	sadd.s32 @!p0 $0x88, s6;
	s7 =	simm.s32 @p2 $0x1082  }
0x22: {  	[simem:s7], [sflag:s8] =	dma.local @!p0 [hbm:s6], $0xF7A  }
0x23: {  	s9 =	sor.u32 $0xD0000000, s2;
	s6 =	simm.s32 $0x108;
	_ =	swait.ge @!p0 [sflag:s8], $0x0  }
0x24: {  	s3 =	sadd.s32 $0x88, s3;
	s6 =	simm.s32 @!p1 $0x1082;
	[sflag:s4] =	ssyncset.s32 $0xFFFFF086  }
0x25: {  	[simem:s6], [sflag:s4] =	dma.local [hbm:s3], $0xF7A  }
0x26: {  	[smem:$0x3F9B] =	sst s1;
	(tag) =	ssettag s2;
	_ =	strace s9  }
0x27: {  	s1 =	sld [smem:$0x3FAB]  }
0x28: {  	s2 =	sld [smem:$0x3FAC]  }
0x29: {  	s4 =	sld [smem:$0x3FAE]  }
0x2a: {  	p0 =	seq.s32 s5, $0x0;
	s5 =	sld [smem:$0x3FAF]  }
0x2b: {  	s6 =	sld [smem:$0x3FB0]  }
0x2c: {  	s7 =	sld [smem:$0x3FB1]  }
0x2d: {  	s3 =	simm.s32 $0x108;
	s8 =	sld [smem:$0x3FB2]  }
0x2e: {  	s3 =	simm.s32 @!p0 $0x1082;
	s9 =	sld [smem:$0x3FB3]  }
0x2f: {  	lr =	sadd.s32 s0, s3;
	s0 =	sld [smem:$0x3FAA]  }
0x30: {  	s3 =	sld [smem:$0x3FAD]  }
0x31: {  	[smem:$0x3FB6] =	sst s10  }
0x32: {  	s10 =	sld [smem:$0x3FB4];
	_ =	sdelay $0x3  }
0x33: {  	p0 =	seq.s32 s10, $0x1;
	s10 =	sld [smem:$0x3FB6];
	_ =	sdelay $0x3  }
0x34: {  	[smem:$0x3FB6] =	sst s10  }
0x35: {  	s10 =	sld [smem:$0x3FB5];
	_ =	sdelay $0x3  }
0x36: {  	p1 =	seq.s32 s10, $0x1;
	s10 =	sld [smem:$0x3FB6];
	_ =	sdelay $0x3  }
0x37: {  	[smem:$0x3FB6] =	sst s10  }
0x38: {  	s10 =	sld [smem:$0x3FB7]  }
0x39: {  	_ = 	snop;
	(pc) =	sbr.ind lr, $3  }
0x3a: {  	_ = 	snop  }
0x3b: {  	_ = 	snop  }
0x3c: {  	p2 =	seq.s32 s10, $0x1;
	s10 =	sld [smem:$0x3FB6]  }
0x3d: {  	_ =	shalt  }
0x3e: {  	_ =	shalt  }
0x3f: {  	_ =	shalt  }
0x40: {  	_ =	shalt  }
0x41: {  	_ =	shalt  }
0x42: {  	_ =	shalt  }
0x43: {  	_ =	shalt  }
0x44: {  	_ =	shalt  }
0x45: {  	_ =	shalt  }
0x46: {  	_ =	shalt  }
0x47: {  	_ =	shalt  }
0x48: {  	_ =	shalt  }
0x49: {  	_ =	shalt  }
0x4a: {  	_ =	shalt  }
0x4b: {  	_ =	shalt  }
0x4c: {  	_ =	shalt  }
0x4d: {  	_ =	shalt  }
0x4e: {  	_ =	shalt  }
0x4f: {  	_ =	shalt  }
0x50: {  	_ =	shalt  }
0x51: {  	_ =	shalt  }
0x52: {  	_ =	shalt  }
0x53: {  	_ =	shalt  }
0x54: {  	_ =	shalt  }
0x55: {  	_ =	shalt  }
0x56: {  	_ =	shalt  }
0x57: {  	_ =	shalt  }
0x58: {  	_ =	shalt  }
0x59: {  	_ =	shalt  }
0x5a: {  	_ =	shalt  }
0x5b: {  	_ =	shalt  }
0x5c: {  	_ =	shalt  }
0x5d: {  	_ =	shalt  }
0x5e: {  	_ =	shalt  }
0x5f: {  	_ =	shalt  }
0x60: {  	_ =	shalt  }
0x61: {  	_ =	shalt  }
0x62: {  	_ =	shalt  }
0x63: {  	_ =	shalt  }
0x64: {  	_ =	shalt  }
0x65: {  	_ =	shalt  }
0x66: {  	_ =	shalt  }
0x67: {  	_ =	shalt  }
0x68: {  	_ =	shalt  }
0x69: {  	_ =	shalt  }
0x6a: {  	_ =	shalt  }
0x6b: {  	_ =	shalt  }
0x6c: {  	_ =	shalt  }
0x6d: {  	_ =	shalt  }
0x6e: {  	_ =	shalt  }
0x6f: {  	_ =	shalt  }
0x70: {  	_ =	shalt  }
0x71: {  	_ =	shalt  }
0x72: {  	_ =	shalt  }
0x73: {  	_ =	shalt  }
0x74: {  	_ =	shalt  }
0x75: {  	_ =	shalt  }
0x76: {  	_ =	shalt  }
0x77: {  	_ =	shalt  }
0x78: {  	_ =	shalt  }
0x79: {  	_ =	shalt  }
0x7a: {  	_ =	shalt  }
0x7b: {  	_ =	shalt  }
0x7c: {  	_ =	shalt  }
0x7d: {  	_ =	shalt  }
0x7e: {  	_ =	shalt  }
0x7f: {  	_ =	shalt  }
0x80: {  	_ =	shalt  }
0x81: {  	_ =	shalt  }
0x82: {  	_ =	shalt  }
0x83: {  	_ =	shalt  }
0x84: {  	_ =	shalt  }
0x85: {  	_ =	shalt  }
0x86: {  	_ =	shalt  }
0x87: {  	_ =	shalt  }
.Lfunc_end0:
.L_simem_size_0:
called_computation.1_lowered:
.L_overlay_start_0:
0x88: {  	s2 =	sld [smem:$0x3FD9]  }
0x89: {  	s3 =	sld [smem:$0x3FFE];
	_ =	sdelay $0x1  }
0x8a: {  	s1 =	srdreg.scid  }
0x8b: {  	s0 =	sand.u32 $0x1, s1  }
0x8c: {  	s17 =	sshll.u32 s0, $0xA;
	s2 =	sadd.s32 s3, s2  }
0x8d: {  	s2 =	sadd.s32 s2, s17  }
0x8e: {  	[smem:$0x3FC2] =	sst s2  }
0x8f: {  	_ = 	snop  }
0x90: {  	s2 =	sld [smem:$0x3FD0];
	(tm) =	ssettm $0x1  }
0x91: {  	s18 =	sld [smem:$0x3FFB];
	_ =	sdelay $0x3  }
0x92: {  	_ =	strace s18  }
0x93: {  	s3 =	sld [smem:$0x3FFC];
	_ =	sdelay $0x3  }
0x94: {  	_ =	strace s3  }
0x95: {  	s3 =	sld [smem:$0x3FFD];
	_ =	sdelay $0x3  }
0x96: {  	_ =	strace s3  }
0x97: {  	_ =	strace $0x8FFFFFFF  }
0x98: {  	s19 =	sld [smem:$0x3FDB];
	_ =	sdelay $0x1  }
0x99: {  	s4 =	simm.s32 $_scs_section_size  }
0x9a: {  	s5 =	simm.s32 $_size__tile_overlayer_lowered;
	s6 =	simm.s32 $_tile_overlayer_lowered  }
0x9b: {  	s22 =	simm.s32 $0x1BFF;
	s21 =	sshll.u32 s6, $0x1;
	s3 =	sadd.s32 s4, s19  }
0x9c: {  	s7 =	simm.s32 $0x0;
	s20 =	sshll.u32 s5, $0x1;
	s5 =	sadd.s32 s21, s3  }
0x9d: {  	[timem:s7], [sflag:s22] =	dma.local [hbm:s5], s20  }
0x9e: {  	_ =	swait.ge [sflag:s22], s20  }
0x9f: {  	s4 =	ssub.s32 $0x0, s20;
	[sflag:s22] =	ssyncset.done $0x0  }
0xa0: {  	[sflag:s22] =	ssyncadd.s32 s4;
	_ =	sdelay $0x1  }
0xa1: {  	s23 =	simm.s32 $0x1B8B  }
0xa2: {  	_ =	swait.ge [sflag:s23], $0x1  }
0xa3: {  	[sflag:s23] =	ssyncset.done $0x0  }
0xa4: {  	s25 =	simm.s32 $0x1B8E;
	s24 =	sld [smem:$0x3FFE];
	[sflag:s23] =	ssyncadd.s32 $0xFFFFFFFF  }
0xa5: {  	s26 =	simm.s32 $execute0_lowered;
	[smem:$0x3FD2] =	sst s25  }
0xa6: {  	s5 =	sshll.u32 s26, $0x1;
	_ =	strace $0x80000049;
	[dreg:$0x1] =	wrdreg $0xFFFFFFFF  }
0xa7: {  	s28 =	simm.s32 $_size_execute0_lowered;
	s3 =	sadd.s32 s3, s5;
	[dreg:$0x0] =	wrdreg $0x0  }
0xa8: {  	s5 =	sshll.u32 s28, $0x1;
	[dreg:$0x2] =	wrdreg s3  }
0xa9: {  	[dreg:$0x3] =	wrdreg s5  }
0xaa: {  	[dreg:$0x4] =	wrdreg $0xC0  }
0xab: {  	_ =	task [dreg:s7], $0x5FFFF  }
0xac: {  	[dreg:$0x1] =	wrdreg $0xFFFFFFFF  }
0xad: {  	[dreg:$0x0] =	wrdreg $0x60  }
0xae: {  	[dreg:$0x2] =	wrdreg s24  }
0xaf: {  	[dreg:$0x3] =	wrdreg s2  }
0xb0: {  	[dreg:$0x4] =	wrdreg $0x64800  }
0xb1: {  	[dreg:$0x5] =	wrdreg $0x9  }
0xb2: {  	_ =	task.clear_ibuf [dreg:s7], $0x6FFFF;
	_ =	strace $0x90000049  }
0xb3: {  	s29 =	simm.s32 $0x9;
	_ =	strace $0x8000004B  }
0xb4: {  	_ =	swait.ge [sflag:s29], $0x1  }
0xb5: {  	[sflag:s29] =	ssyncadd.s32 $0xFFFFFFFF  }
0xb6: {  	_ =	strace $0x9000004B  }
0xb7: {  	_ =	sfence  }
0xb8: {  	s30 =	sld [smem:$0x0];
	_ =	sdelay $0x2  }
0xb9: {  	s31 =	sshll.u32 s1, $0xD;
	s1 =	sshrl.u32 s1, $0x2  }
0xba: {  	s3 =	sand.u32 $0x4000, s31;
	s1 =	sadd.s32 s1, s30  }
0xbb: {  	s0 =	sor.u32 s3, s0;
	s1 =	sshll.u32 s1, $0x11  }
0xbc: {  	s0 =	sor.u32 s1, s0  }
0xbd: {  	s0 =	sadd.s32 $0x8F2B, s0  }
0xbe: {  	[sflag:s0] =	ssyncadd.remote.s32 $0x1  }
0xbf: {  	_ =	sfence.sel $0xFFFF  }
0xc0: {  	[dreg:$0x0] =	wrdreg $0xFFFFFFFF;
	(pc) =	sbr.abs _section_cstart, $3  }
0xc1: {  	[dreg:$0x1] =	wrdreg $0xFFFFFFFF  }
0xc2: {  	_ =	task.clear_ibuf [dreg:s7], $0x2FFFF;
	_ =	strace $0x9FFFFFFF  }
0xc3: {  	(tm) =	ssettm $0x7FFFFFFF  }
tec
execute0_lowered:
.L_overlay_start_1:
0x0: {  	(tag) =	ssettag $0x1  }
0x1: {  	s0 =	rddreg [dreg:$0x0]  }
0x2: {  	s1 =	rddreg [dreg:$0x1]  }
0x3: {  	s2 =	rddreg [dreg:$0x2]  }
0x4: {  	s3 =	simm.s32 $0x0;
	s4 =	srdreg.scid;
	s15 =	stileid.u32  }
0x5: {  	[smem:$0x7FF] =	sst s3;
	s8 =	smul.u32 $0x2800, s15  }
0x6: {  	s4 =	sand.u32 $0x1, s4;
	s5 =	sadd.s32 $0x2AA00, s0;
	s11 =	smul.u32 $0x50000, s15  }
0x7: {  	s6 =	sadd.s32 $0x16800, s0;
	s9 =	sadd.s32 $0x2A800, s0;
	s13 =	smul.u32 $0x5000, s15  }
0x8: {  	s14 =	sshll.u32 s15, $0x5;
	s15 =	sshllo.u32 s15, $0x1;
	s7 =	smul.u32 $0x28000, s4  }
0x9: {  	_ =	strace $0x8000004A;
	s10 =	ssub.s32 $0x2, s4;
	s12 =	smul.u32 $0x50000, s4  }
0xa: {  	s4 =	sshll.u32 s4, $0x9;
	s21 =	smul.u32 $0x2800, s15;
	s22 =	sshll.u32 s15, $0x4  }
0xb: {  	s24 =	sor.u32 s14, s4;
	s25 =	sshrl.u32 s11, $0x2;
	s4 =	sor.u32 s4, s22  }
0xc: {  	s7 =	sadd.s32 s8, s7;
	s11 =	sadd.s32 s13, s12;
	s26 =	sshrl.u32 s24, $0x3  }
0xd: {  	s12 =	sadd.s32 s12, s21;
	s4 =	sshrl.u32 s4, $0x3;
	s29 =	sadd.s32 s9, s26  }
0xe: {  	s30 =	sshrl.u32 s11, $0x3;
	s4 =	sadd.s32 s9, s4;
	[dreg:$0x4] =	wrdreg s29  }
0xf: {  	s0 =	sadd.s32 s7, s0;
	s14 =	sadd.s32 s1, s30;
	[dreg:$0xd] =	wrdreg s4  }
0x10: {  	s24 =	sshrl.u32 s12, $0x3;
	s16 =	sadd.s32 s6, s30;
	[dreg:$0x5] =	wrdreg s14  }
0x11: {  	s7 =	sadd.s32 s25, s2;
	s25 =	sadd.s32 s1, s24;
	[dreg:$0x6] =	wrdreg s16  }
0x12: {  	s12 =	sadd.s32 s6, s24;
	[dreg:$0xe] =	wrdreg s25  }
0x13: {  	s0 =	sadd.s32 $0x7AA00, s0;
	[dreg:$0x11] =	wrdreg s12  }
0x14: {  	s21 =	sadd.s32 $0x4000, s7;
	[dreg:$0x16] =	wrdreg s0  }
0x15: {  	s17 =	sor.u32 $0x4, s30;
	s22 =	sadd.s32 $0x6000, s7;
	[dreg:$0x1b] =	wrdreg s21  }
0x16: {  	s23 =	sshrl.u32 s10, $0x1;
	s18 =	sadd.s32 s1, s17;
	[dreg:$0x1c] =	wrdreg s22  }
0x17: {  	s19 =	sor.u32 $0x8, s30;
	s13 =	sadd.s32 s6, s17;
	[dreg:$0x7] =	wrdreg s18  }
0x18: {  	s8 =	ssub.s32 s10, s23;
	s20 =	sadd.s32 s1, s19;
	[dreg:$0x8] =	wrdreg s13  }
0x19: {  	s10 =	sor.u32 $0xC, s30;
	s14 =	sadd.s32 s6, s19;
	[dreg:$0x9] =	wrdreg s20  }
0x1a: {  	s28 =	simm.s32 $0x2;
	s23 =	sadd.s32 s1, s10;
	[dreg:$0xa] =	wrdreg s14  }
0x1b: {  	s26 =	sor.u32 $0x4, s24;
	s10 =	sadd.s32 s6, s10;
	[dreg:$0xb] =	wrdreg s23  }
0x1c: {  	s31 =	simm.s32 $0x4480;
	s29 =	sadd.s32 s1, s26;
	[dreg:$0xc] =	wrdreg s10  }
0x1d: {  	s9 =	simm.s32 $0x0;
	s4 =	sadd.s32 s6, s26;
	[dreg:$0xf] =	wrdreg s29  }
0x1e: {  	s30 =	sor.u32 $0x8, s24;
	s17 =	smax.u32 s8, $0x1;
	[dreg:$0x10] =	wrdreg s4  }
0x1f: {  	s19 =	sadd.s32 $0x28A0, s11;
	s25 =	sadd.s32 $0xC000, s7;
	[dreg:$0x17] =	wrdreg s17  }
0x20: {  	s26 =	sadd.s32 $0xE000, s7;
	s21 =	simm.s32 $0x280;
	[dreg:$0x19] =	wrdreg s19  }
0x21: {  	s22 =	simm.s32 $0x300;
	s0 =	simm.s32 $0x3;
	[dreg:$0x1f] =	wrdreg s25  }
0x22: {  	s8 =	simm.s32 $0x4;
	s14 =	sadd.s32 s1, s30;
	[smem:$0x7FB] =	sst s26  }
0x23: {  	s13 =	sor.u32 $0xC, s24;
	s4 =	sadd.s32 s6, s30;
	[dreg:$0x12] =	wrdreg s14  }
0x24: {  	s18 =	sor.u32 $0xA0, s11;
	s20 =	sadd.s32 $0x2000, s7;
	[dreg:$0x13] =	wrdreg s4  }
0x25: {  	s23 =	sadd.s32 $0x8000, s7;
	s24 =	sadd.s32 $0xA000, s7;
	[dreg:$0x18] =	wrdreg s18  }
0x26: {  	s29 =	sadd.s32 $0x10000, s7;
	s30 =	sadd.s32 $0x12000, s7;
	[dreg:$0x1a] =	wrdreg s20  }
0x27: {  	s17 =	simm.s32 $0x100;
	s19 =	simm.s32 $0x180;
	[dreg:$0x1d] =	wrdreg s23  }
0x28: {  	s25 =	simm.s32 $0x20;
	s26 =	simm.s32 $0x2480;
	[dreg:$0x1e] =	wrdreg s24  }
.Ltmp0:
0x29: {  	s15 =	sadd.s32 s1, s13;
	[smem:$0x7FC] =	sst s29;
	(pc) =	sbr.rel .LBB2_1-.Ltmp0, $4  }
0x2a: {  	s16 =	sadd.s32 s6, s13;
	[smem:$0x7FD] =	sst s30;
	s14 =	simm.s32 $0x480  }
0x2b: {  	s18 =	simm.s32 $0x80;
	s20 =	simm.s32 $0x200;
	s23 =	simm.s32 $0x380  }
0x2c: {  	s24 =	simm.s32 $0x1;
	s4 =	simm.s32 $0x6;
	[dreg:$0x14] =	wrdreg s15  }
0x2d: {  	v0 =	vimm.f32 $0.0e+00;
	[dreg:$0x15] =	wrdreg s16;
	s15 =	simm.s32 $0x7;
	s16 =	simm.s32 $0x5  }
.LBB2_10:
0x2e: {  	[tilespmem:$0x80] =	vst v4  }
0x2f: {  	[tilespmem:$0x190] =	vst v1  }
0x30: {  	[tilespmem:$0x180] =	vst v2  }
0x31: {  	s11 =	sadd.s32 s1, s10;
	[tilespmem:$0x90] =	vst v3  }
0x32: {  	[tilespmem:s22], [sflag:$0x4] =	stream.linear.gather [hbm4b:s11+s3], $0x20, $0x38;
	[tilespmem:$0x1A480] =	vst v63  }
0x33: {  	s30 =	sadd.s32 s6, s10  }
0x34: {  	[tilespmem:s23], [sflag:$0x4] =	stream.linear.gather [hbm4b:s30+s3], $0x20, $0x38;
	[tilespmem:$0x1A480] =	vst v63  }
.LBB2_11:
0x35: {  	[tilespmem:s31], [sflag:$0x6] =	stream.indirect.gather [hbm4b:s5+s25], $0x100, s19, s25, $0xb8;
	[tilespmem:$0x1A480] =	vst v63  }
0x36: {  	_ =	swait.ge [sflag:s16], $0x2000  }
0x37: {  	[sflag:s16] =	ssyncset.done $0x0  }
0x38: {  	[sflag:s16] =	ssyncadd.s32 $0xFFFFE000  }
0x39: {  	[spmem:s2] =	stream.indirect.scatter.add.f32 [tilespmem:s26], [sflag:$0x7], $0x100, s3, s25, $0xb8;
	[tilespmem:$0x1A480] =	vst v63  }
0x3a: {  	_ =	swait.ge [sflag:s15], $0x2000  }
0x3b: {  	[sflag:s15] =	ssyncset.done $0x0  }
0x3c: {  	[sflag:s15] =	ssyncadd.s32 $0xFFFFE000  }
0x3d: {  	_ =	swait.ge [sflag:s4], $0x2000  }
0x3e: {  	[sflag:s4] =	ssyncset.done $0x0  }
0x3f: {  	[sflag:s4] =	ssyncadd.s32 $0xFFFFE000  }
0x40: {  	[spmem:s2] =	stream.indirect.scatter.add.f32 [tilespmem:s31], [sflag:$0x7], $0x100, s18, s25, $0xb8;
	[tilespmem:$0x1A480] =	vst v63  }
0x41: {  	_ =	swait.ge [sflag:s15], $0x2000  }
0x42: {  	[sflag:s15] =	ssyncset.done $0x0  }
0x43: {  	[sflag:s15] =	ssyncadd.s32 $0xFFFFE000  }
0x44: {  	_ =	swait.ge [sflag:s0], $0x20  }
0x45: {  	[sflag:s0] =	ssyncset.done $0x0  }
0x46: {  	[sflag:s0] =	ssyncadd.s32 $0xFFFFFFE0  }
0x47: {  	_ =	swait.ge [sflag:s0], $0x20  }
0x48: {  	[sflag:s0] =	ssyncset.done $0x0  }
0x49: {  	[sflag:s0] =	ssyncadd.s32 $0xFFFFFFE0  }
0x4a: {  	_ =	swait.ge [sflag:s8], $0x20  }
0x4b: {  	[sflag:s8] =	ssyncset.done $0x0  }
0x4c: {  	[sflag:s8] =	ssyncadd.s32 $0xFFFFFFE0  }
0x4d: {  	_ =	swait.ge [sflag:s8], $0x20  }
0x4e: {  	[sflag:s8] =	ssyncset.done $0x0  }
0x4f: {  	s10 =	stileid.u32;
	[sflag:s8] =	ssyncadd.s32 $0xFFFFFFE0  }
0x50: {  	s10 =	sshll.u32 s10, $0x6;
	[bflag:$0x0] =	sbarrier.arrive $0xFFFF  }
0x51: {  	s11 =	sshrl.u32 s7, $0x3;
	s10 =	sor.u32 $0x1C07, s10;
	s12 =	rddreg [dreg:$0x16]  }
0x52: {  	[hbm:s12], [sflag:s10] =	dma.local [spmem:s11], $0x2800  }
0x53: {  	_ =	swait.ge [sflag:s15], $0x2800  }
0x54: {  	s9 =	sadd.s32 $0x1, s9;
	s30 =	rddreg [dreg:$0x17]  }
0x55: {  	p0 =	sne.s32 s9, s30  }
.Ltmp1:
0x56: {  	_ = 	snop;
	(pc) =	sbr.rel @!p0 .LBB2_12-.Ltmp1, $3  }
0x57: {  	_ =	sdelay $0x1  }
0x58: {  	[sflag:s15] =	ssyncset.done $0x0  }
0x59: {  	[sflag:s15] =	ssyncadd.s32 $0xFFFFD800  }
.LBB2_1:
0x5a: {  	s10 =	simm.s32 $0x0;
	s11 =	simm.s32 $0x400  }
.LBB2_2:
0x5b: {  	p0 =	sne.s32 s11, $0x7C00;
	[tilespmem:s10+$0x570] =	vst v0  }
0x5c: {  	[tilespmem:s10+$0x480] =	vst v0  }
0x5d: {  	[tilespmem:s10+$0x500] =	vst v0  }
0x5e: {  	[tilespmem:s10+$0x490] =	vst v0  }
0x5f: {  	[tilespmem:s10+$0x510] =	vst v0  }
0x60: {  	[tilespmem:s10+$0x4A0] =	vst v0  }
0x61: {  	[tilespmem:s10+$0x520] =	vst v0  }
0x62: {  	[tilespmem:s10+$0x4B0] =	vst v0  }
0x63: {  	[tilespmem:s10+$0x530] =	vst v0  }
0x64: {  	[tilespmem:s10+$0x4C0] =	vst v0  }
0x65: {  	[tilespmem:s10+$0x540] =	vst v0  }
.Ltmp2:
0x66: {  	[tilespmem:s10+$0x4D0] =	vst v0;
	(pc) =	sbr.rel @p0 .LBB2_2-.Ltmp2, $4  }
0x67: {  	[tilespmem:s10+$0x550] =	vst v0  }
0x68: {  	[tilespmem:s10+$0x4E0] =	vst v0  }
0x69: {  	[tilespmem:s10+$0x560] =	vst v0  }
0x6a: {  	[tilespmem:s10+$0x4F0] =	vst v0;
	s10 =	sshra.s32 s11, $0x2;
	s11 =	sadd.s32 $0x400, s11  }
0x6b: {  	[tilespmem:s10+$0x570] =	vst v0  }
0x6c: {  	[tilespmem:s10+$0x480] =	vst v0  }
0x6d: {  	[tilespmem:s10+$0x500] =	vst v0  }
0x6e: {  	[tilespmem:s10+$0x490] =	vst v0  }
0x6f: {  	[tilespmem:s10+$0x510] =	vst v0  }
0x70: {  	[tilespmem:s10+$0x4A0] =	vst v0  }
0x71: {  	[tilespmem:s10+$0x520] =	vst v0  }
0x72: {  	[tilespmem:s10+$0x4B0] =	vst v0  }
0x73: {  	[tilespmem:s10+$0x530] =	vst v0  }
0x74: {  	[tilespmem:s10+$0x4C0] =	vst v0  }
0x75: {  	[tilespmem:s10+$0x540] =	vst v0  }
0x76: {  	[tilespmem:s10+$0x4D0] =	vst v0  }
0x77: {  	[tilespmem:s10+$0x550] =	vst v0  }
0x78: {  	[tilespmem:s10+$0x4E0] =	vst v0  }
0x79: {  	[tilespmem:s10+$0x560] =	vst v0  }
0x7a: {  	[tilespmem:s10+$0x4F0] =	vst v0  }
0x7b: {  	[spmem:s7] =	stream.linear.scatter [tilespmem:s14], [sflag:$0x7], $0x2000, $0x38;
	[tilespmem:$0x1A480] =	vst v63  }
0x7c: {  	_ =	swait.ge [sflag:s15], $0x2000  }
0x7d: {  	[sflag:s15] =	ssyncset.done $0x0  }
0x7e: {  	s13 =	rddreg [dreg:$0x1a];
	[sflag:s15] =	ssyncadd.s32 $0xFFFFE000  }
0x7f: {  	[spmem:s13] =	stream.linear.scatter [tilespmem:s14], [sflag:$0x7], $0x2000, $0x38;
	[tilespmem:$0x1A480] =	vst v63  }
0x80: {  	_ =	swait.ge [sflag:s15], $0x2000  }
0x81: {  	[sflag:s15] =	ssyncset.done $0x0  }
0x82: {  	s29 =	rddreg [dreg:$0x1b];
	[sflag:s15] =	ssyncadd.s32 $0xFFFFE000  }
0x83: {  	[spmem:s29] =	stream.linear.scatter [tilespmem:s14], [sflag:$0x7], $0x2000, $0x38;
	[tilespmem:$0x1A480] =	vst v63  }
0x84: {  	_ =	swait.ge [sflag:s15], $0x2000  }
0x85: {  	[sflag:s15] =	ssyncset.done $0x0  }
0x86: {  	s30 =	rddreg [dreg:$0x1c];
	[sflag:s15] =	ssyncadd.s32 $0xFFFFE000  }
0x87: {  	[spmem:s30] =	stream.linear.scatter [tilespmem:s14], [sflag:$0x7], $0x2000, $0x38;
	[tilespmem:$0x1A480] =	vst v63  }
0x88: {  	_ =	swait.ge [sflag:s15], $0x2000  }
0x89: {  	[sflag:s15] =	ssyncset.done $0x0  }
0x8a: {  	s11 =	rddreg [dreg:$0x1d];
	[sflag:s15] =	ssyncadd.s32 $0xFFFFE000  }
0x8b: {  	[spmem:s11] =	stream.linear.scatter [tilespmem:s14], [sflag:$0x7], $0x2000, $0x38;
	[tilespmem:$0x1A480] =	vst v63  }
0x8c: {  	_ =	swait.ge [sflag:s15], $0x2000  }
0x8d: {  	[sflag:s15] =	ssyncset.done $0x0  }
0x8e: {  	s12 =	rddreg [dreg:$0x1e];
	[sflag:s15] =	ssyncadd.s32 $0xFFFFE000  }
0x8f: {  	[spmem:s12] =	stream.linear.scatter [tilespmem:s14], [sflag:$0x7], $0x2000, $0x38;
	[tilespmem:$0x1A480] =	vst v63  }
0x90: {  	_ =	swait.ge [sflag:s15], $0x2000  }
0x91: {  	[sflag:s15] =	ssyncset.done $0x0  }
0x92: {  	s13 =	rddreg [dreg:$0x1f];
	[sflag:s15] =	ssyncadd.s32 $0xFFFFE000  }
0x93: {  	[spmem:s13] =	stream.linear.scatter [tilespmem:s14], [sflag:$0x7], $0x2000, $0x38;
	[tilespmem:$0x1A480] =	vst v63  }
0x94: {  	_ =	swait.ge [sflag:s15], $0x2000  }
0x95: {  	s29 =	sld [smem:$0x7FB]  }
0x96: {  	[sflag:s15] =	ssyncset.done $0x0  }
0x97: {  	[sflag:s15] =	ssyncadd.s32 $0xFFFFE000  }
0x98: {  	[spmem:s29] =	stream.linear.scatter [tilespmem:s14], [sflag:$0x7], $0x2000, $0x38;
	[tilespmem:$0x1A480] =	vst v63  }
0x99: {  	_ =	swait.ge [sflag:s15], $0x2000  }
0x9a: {  	s30 =	sld [smem:$0x7FC]  }
0x9b: {  	[sflag:s15] =	ssyncset.done $0x0  }
0x9c: {  	[sflag:s15] =	ssyncadd.s32 $0xFFFFE000  }
0x9d: {  	[spmem:s30] =	stream.linear.scatter [tilespmem:s14], [sflag:$0x7], $0x2000, $0x38;
	[tilespmem:$0x1A480] =	vst v63  }
0x9e: {  	_ =	swait.ge [sflag:s15], $0x2000  }
0x9f: {  	s11 =	sld [smem:$0x7FD]  }
0xa0: {  	[sflag:s15] =	ssyncset.done $0x0  }
0xa1: {  	[sflag:s15] =	ssyncadd.s32 $0xFFFFE000  }
0xa2: {  	[spmem:s11] =	stream.linear.scatter [tilespmem:s14], [sflag:$0x7], $0x2000, $0x38;
	[tilespmem:$0x1A480] =	vst v63  }
0xa3: {  	_ =	swait.ge [sflag:s15], $0x2000  }
0xa4: {  	[sflag:s15] =	ssyncset.done $0x0  }
0xa5: {  	[sflag:s15] =	ssyncadd.s32 $0xFFFFE000  }
0xa6: {  	[bflag:$0x0] =	sbarrier.arrive $0xFFFF  }
0xa7: {  	s11 =	simm.s32 $0x400;
	s12 =	rddreg [dreg:$0x4]  }
0xa8: {  	[tilespmem:s11], [sflag:$0x7] =	stream.linear.gather [hbm4b:s12+s3], $0x10, $0x38;
	[tilespmem:$0x1A480] =	vst v63  }
0xa9: {  	_ =	swait.ge [sflag:s15], $0x10  }
0xaa: {  	[sflag:s15] =	ssyncset.done $0x0  }
0xab: {  	[sflag:s15] =	ssyncadd.s32 $0xFFFFFFF0  }
0xac: {  	v1 =	vld [tilespmem:$0x400];
	_ =	sdelay $0x3  }
0xad: {  	s13 =	rddreg [dreg:$0x5]  }
0xae: {  	[tilespmem:s3], [sflag:$0x1] =	stream.linear.gather [hbm4b:s13+s3], $0x20, $0x38;
	(v2sf) =	vpush v1, $0x0;
	[tilespmem:$0x1A480] =	vst v63  }
0xaf: {  	s29 =	rddreg [dreg:$0x6]  }
0xb0: {  	[tilespmem:s17], [sflag:$0x1] =	stream.linear.gather [hbm4b:s29+s3], $0x20, $0x38;
	[tilespmem:$0x1A480] =	vst v63  }
0xb1: {  	s30 =	rddreg [dreg:$0x7]  }
0xb2: {  	[tilespmem:s18], [sflag:$0x2] =	stream.linear.gather [hbm4b:s30+s3], $0x20, $0x38;
	[tilespmem:$0x1A480] =	vst v63  }
0xb3: {  	s11 =	rddreg [dreg:$0x8]  }
0xb4: {  	[tilespmem:s19], [sflag:$0x2] =	stream.linear.gather [hbm4b:s11+s3], $0x20, $0x38;
	[tilespmem:$0x1A480] =	vst v63  }
0xb5: {  	s12 =	rddreg [dreg:$0x9]  }
0xb6: {  	[tilespmem:s20], [sflag:$0x3] =	stream.linear.gather [hbm4b:s12+s3], $0x20, $0x38;
	[tilespmem:$0x1A480] =	vst v63  }
0xb7: {  	s13 =	rddreg [dreg:$0xa]  }
0xb8: {  	[tilespmem:s21], [sflag:$0x3] =	stream.linear.gather [hbm4b:s13+s3], $0x20, $0x38;
	[tilespmem:$0x1A480] =	vst v63  }
0xb9: {  	s29 =	rddreg [dreg:$0xb]  }
0xba: {  	[tilespmem:s22], [sflag:$0x4] =	stream.linear.gather [hbm4b:s29+s3], $0x20, $0x38;
	[tilespmem:$0x1A480] =	vst v63  }
0xbb: {  	s30 =	rddreg [dreg:$0xc]  }
0xbc: {  	[tilespmem:s23], [sflag:$0x4] =	stream.linear.gather [hbm4b:s30+s3], $0x20, $0x38;
	[tilespmem:$0x1A480] =	vst v63  }
0xbd: {  	s10 =	spop (v2sf)  }
0xbe: {  	_ =	swait.ge [sflag:s24], $0x20;
	s12 =	sand.u32 $0x1, s10  }
0xbf: {  	p0 =	slt.s32 s10, $0x1;
	[sflag:s24] =	ssyncset.done $0x0;
	p1 =	seq.s32 s12, $0x1  }
0xc0: {  	s29 =	simm.s32 $0x1;
	[sflag:s24] =	ssyncadd.s32 $0xFFFFFFE0;
	p0 =	por !p0, !p1  }
0xc1: {  	s13 =	sshrl.u32 s10, $0x1F;
	_ =	swait.ge [sflag:s24], $0x20;
	p0 =	por !p0, !p0  }
0xc2: {  	s10 =	sadd.s32 s13, s10;
	[sflag:s24] =	ssyncset.done $0x0;
	s29 =	simm.s32 @!p0 $0x0  }
0xc3: {  	s10 =	sshra.s32 s10, $0x1;
	[sflag:s24] =	ssyncadd.s32 $0xFFFFFFE0;
	s30 =	sxor.u32 $0xFFFFFFFF, s29  }
0xc4: {  	[tilespmem:s26], [sflag:$0x5] =	stream.indirect.gather [hbm4b:s5+s25], $0x100, s17, s25, $0xb8;
	[tilespmem:$0x1A480] =	vst v63  }
0xc5: {  	s10 =	sadd.s32 s10, s30  }
0xc6: {  	_ =	swait.ge [sflag:s28], $0x20;
	p0 =	slt.s32 s10, $0x1  }
.Ltmp3:
0xc7: {  	[sflag:s28] =	ssyncset.done $0x0;
	(pc) =	sbr.rel @p0 .LBB2_7-.Ltmp3, $4  }
0xc8: {  	[sflag:s28] =	ssyncadd.s32 $0xFFFFFFE0  }
0xc9: {  	_ =	swait.ge [sflag:s28], $0x20  }
0xca: {  	[sflag:s28] =	ssyncset.done $0x0  }
0xcb: {  	[sflag:s28] =	ssyncadd.s32 $0xFFFFFFE0  }
0xcc: {  	[tilespmem:s31], [sflag:$0x6] =	stream.indirect.gather [hbm4b:s5+s25], $0x100, s19, s25, $0xb8;
	[tilespmem:$0x1A480] =	vst v63  }
0xcd: {  	_ =	swait.ge [sflag:s16], $0x2000  }
0xce: {  	[sflag:s16] =	ssyncset.done $0x0  }
0xcf: {  	[sflag:s16] =	ssyncadd.s32 $0xFFFFE000  }
0xd0: {  	[spmem:s2] =	stream.indirect.scatter.add.f32 [tilespmem:s26], [sflag:$0x7], $0x100, s3, s25, $0xb8;
	[tilespmem:$0x1A480] =	vst v63  }
0xd1: {  	_ =	swait.ge [sflag:s15], $0x2000  }
0xd2: {  	[sflag:s15] =	ssyncset.done $0x0  }
0xd3: {  	[sflag:s15] =	ssyncadd.s32 $0xFFFFE000  }
0xd4: {  	_ =	swait.ge [sflag:s0], $0x20  }
0xd5: {  	[sflag:s0] =	ssyncset.done $0x0  }
0xd6: {  	[sflag:s0] =	ssyncadd.s32 $0xFFFFFFE0  }
0xd7: {  	_ =	swait.ge [sflag:s0], $0x20  }
0xd8: {  	[sflag:s0] =	ssyncset.done $0x0  }
0xd9: {  	[sflag:s0] =	ssyncadd.s32 $0xFFFFFFE0  }
0xda: {  	v1 =	vld [tilespmem:$0x290]  }
0xdb: {  	v2 =	vld [tilespmem:$0x200]  }
0xdc: {  	v3 =	vld [tilespmem:$0x210]  }
0xdd: {  	v4 =	vld [tilespmem:$0x280];
	_ =	sdelay $0x1  }
0xde: {  	s12 =	rddreg [dreg:$0x18];
	[tilespmem:$0x110] =	vst v1  }
0xdf: {  	s11 =	sadd.s32 $0xFFFFFFE0, s12;
	[tilespmem:$0x0] =	vst v2  }
0xe0: {  	s11 =	sshrl.u32 s11, $0x3;
	[tilespmem:$0x10] =	vst v3  }
0xe1: {  	s29 =	sadd.s32 s1, s11;
	[tilespmem:$0x100] =	vst v4  }
0xe2: {  	[tilespmem:s20], [sflag:$0x3] =	stream.linear.gather [hbm4b:s29+s3], $0x20, $0x38;
	[tilespmem:$0x1A480] =	vst v63  }
0xe3: {  	s11 =	sadd.s32 s6, s11  }
0xe4: {  	[tilespmem:s21], [sflag:$0x3] =	stream.linear.gather [hbm4b:s11+s3], $0x20, $0x38;
	[tilespmem:$0x1A480] =	vst v63  }
0xe5: {  	_ = 	snop  }
0xe6: {  	[tilespmem:s26], [sflag:$0x5] =	stream.indirect.gather [hbm4b:s5+s25], $0x100, s17, s25, $0xb8;
	[tilespmem:$0x1A480] =	vst v63  }
0xe7: {  	_ =	swait.ge [sflag:s4], $0x2000  }
0xe8: {  	[sflag:s4] =	ssyncset.done $0x0  }
0xe9: {  	[sflag:s4] =	ssyncadd.s32 $0xFFFFE000  }
0xea: {  	[spmem:s2] =	stream.indirect.scatter.add.f32 [tilespmem:s31], [sflag:$0x7], $0x100, s18, s25, $0xb8;
	[tilespmem:$0x1A480] =	vst v63  }
0xeb: {  	_ =	swait.ge [sflag:s15], $0x2000  }
0xec: {  	[sflag:s15] =	ssyncset.done $0x0  }
0xed: {  	[sflag:s15] =	ssyncadd.s32 $0xFFFFE000  }
0xee: {  	_ =	swait.ge [sflag:s8], $0x20  }
0xef: {  	[sflag:s8] =	ssyncset.done $0x0  }
0xf0: {  	[sflag:s8] =	ssyncadd.s32 $0xFFFFFFE0  }
0xf1: {  	_ =	swait.ge [sflag:s8], $0x20  }
0xf2: {  	p0 =	sne.s32 s10, $0x1;
	[sflag:s8] =	ssyncset.done $0x0  }
.Ltmp4:
0xf3: {  	[sflag:s8] =	ssyncadd.s32 $0xFFFFFFE0;
	(pc) =	sbr.rel @!p0 .LBB2_6-.Ltmp4, $4  }
0xf4: {  	v4 =	vld [tilespmem:$0x300]  }
0xf5: {  	v1 =	vld [tilespmem:$0x390]  }
0xf6: {  	v2 =	vld [tilespmem:$0x380]  }
0xf7: {  	s29 =	smov.u32 s12;
	s11 =	sadd.s32 $0xFFFFFFFF, s10;
	s10 =	sshrl.u32 s12, $0x3;
	v3 =	vld [tilespmem:$0x310]  }
.LBB2_5:
0xf8: {  	_ = 	snop  }
0xf9: {  	p0 =	sne.s32 s11, $0x1;
	s11 =	sadd.s32 $0xFFFFFFFF, s11;
	s29 =	sadd.s32 $0x40, s29;
	[tilespmem:$0x80] =	vst v4  }
0xfa: {  	s13 =	sshrl.u32 s29, $0x3;
	[tilespmem:$0x190] =	vst v1  }
0xfb: {  	s12 =	sadd.s32 s1, s10;
	[tilespmem:$0x180] =	vst v2  }
0xfc: {  	s30 =	sadd.s32 s6, s10;
	s10 =	smov.u32 s13;
	[tilespmem:$0x90] =	vst v3  }
0xfd: {  	[tilespmem:s22], [sflag:$0x4] =	stream.linear.gather [hbm4b:s12+s3], $0x20, $0x38;
	[tilespmem:$0x1A480] =	vst v63  }
0xfe: {  	_ = 	snop  }
0xff: {  	[tilespmem:s23], [sflag:$0x4] =	stream.linear.gather [hbm4b:s30+s3], $0x20, $0x38;
	[tilespmem:$0x1A480] =	vst v63  }
0x100: {  	_ = 	snop  }
0x101: {  	[tilespmem:s31], [sflag:$0x6] =	stream.indirect.gather [hbm4b:s5+s25], $0x100, s19, s25, $0xb8;
	[tilespmem:$0x1A480] =	vst v63  }
0x102: {  	_ =	swait.ge [sflag:s16], $0x2000  }
0x103: {  	[sflag:s16] =	ssyncset.done $0x0  }
0x104: {  	[sflag:s16] =	ssyncadd.s32 $0xFFFFE000  }
0x105: {  	[spmem:s2] =	stream.indirect.scatter.add.f32 [tilespmem:s26], [sflag:$0x7], $0x100, s3, s25, $0xb8;
	[tilespmem:$0x1A480] =	vst v63  }
0x106: {  	_ =	swait.ge [sflag:s15], $0x2000  }
0x107: {  	[sflag:s15] =	ssyncset.done $0x0  }
0x108: {  	[sflag:s15] =	ssyncadd.s32 $0xFFFFE000  }
0x109: {  	_ =	swait.ge [sflag:s0], $0x20  }
0x10a: {  	[sflag:s0] =	ssyncset.done $0x0  }
0x10b: {  	[sflag:s0] =	ssyncadd.s32 $0xFFFFFFE0  }
0x10c: {  	_ =	swait.ge [sflag:s0], $0x20  }
0x10d: {  	[sflag:s0] =	ssyncset.done $0x0  }
0x10e: {  	[sflag:s0] =	ssyncadd.s32 $0xFFFFFFE0  }
0x10f: {  	v1 =	vld [tilespmem:$0x290]  }
0x110: {  	v2 =	vld [tilespmem:$0x200]  }
0x111: {  	v3 =	vld [tilespmem:$0x210]  }
0x112: {  	v4 =	vld [tilespmem:$0x280];
	_ =	sdelay $0x1  }
0x113: {  	[tilespmem:$0x110] =	vst v1  }
0x114: {  	s12 =	sadd.s32 $0xFFFFFFE0, s29;
	[tilespmem:$0x0] =	vst v2  }
0x115: {  	s12 =	sshrl.u32 s12, $0x3;
	[tilespmem:$0x10] =	vst v3  }
0x116: {  	s13 =	sadd.s32 s1, s12;
	[tilespmem:$0x100] =	vst v4  }
0x117: {  	[tilespmem:s20], [sflag:$0x3] =	stream.linear.gather [hbm4b:s13+s3], $0x20, $0x38;
	[tilespmem:$0x1A480] =	vst v63  }
0x118: {  	s12 =	sadd.s32 s6, s12  }
0x119: {  	[tilespmem:s21], [sflag:$0x3] =	stream.linear.gather [hbm4b:s12+s3], $0x20, $0x38;
	[tilespmem:$0x1A480] =	vst v63  }
0x11a: {  	_ = 	snop  }
0x11b: {  	[tilespmem:s26], [sflag:$0x5] =	stream.indirect.gather [hbm4b:s5+s25], $0x100, s17, s25, $0xb8;
	[tilespmem:$0x1A480] =	vst v63  }
0x11c: {  	_ =	swait.ge [sflag:s4], $0x2000  }
0x11d: {  	[sflag:s4] =	ssyncset.done $0x0  }
0x11e: {  	[sflag:s4] =	ssyncadd.s32 $0xFFFFE000  }
0x11f: {  	[spmem:s2] =	stream.indirect.scatter.add.f32 [tilespmem:s31], [sflag:$0x7], $0x100, s18, s25, $0xb8;
	[tilespmem:$0x1A480] =	vst v63  }
0x120: {  	_ =	swait.ge [sflag:s15], $0x2000  }
0x121: {  	[sflag:s15] =	ssyncset.done $0x0  }
0x122: {  	[sflag:s15] =	ssyncadd.s32 $0xFFFFE000  }
0x123: {  	_ =	swait.ge [sflag:s8], $0x20  }
0x124: {  	[sflag:s8] =	ssyncset.done $0x0  }
0x125: {  	[sflag:s8] =	ssyncadd.s32 $0xFFFFFFE0  }
0x126: {  	_ =	swait.ge [sflag:s8], $0x20  }
0x127: {  	[sflag:s8] =	ssyncset.done $0x0  }
.Ltmp5:
0x128: {  	[sflag:s8] =	ssyncadd.s32 $0xFFFFFFE0;
	(pc) =	sbr.rel @p0 .LBB2_5-.Ltmp5, $4  }
0x129: {  	v4 =	vld [tilespmem:$0x300]  }
0x12a: {  	v1 =	vld [tilespmem:$0x390]  }
0x12b: {  	v2 =	vld [tilespmem:$0x380]  }
0x12c: {  	v3 =	vld [tilespmem:$0x310]  }
.LBB2_6:
0x12d: {  	_ = 	snop  }
0x12e: {  	[tilespmem:$0x80] =	vst v4  }
0x12f: {  	[tilespmem:$0x190] =	vst v1  }
0x130: {  	[tilespmem:$0x180] =	vst v2  }
0x131: {  	s11 =	sadd.s32 s1, s10;
	[tilespmem:$0x90] =	vst v3  }
0x132: {  	[tilespmem:s22], [sflag:$0x4] =	stream.linear.gather [hbm4b:s11+s3], $0x20, $0x38;
	[tilespmem:$0x1A480] =	vst v63  }
0x133: {  	s30 =	sadd.s32 s6, s10  }
0x134: {  	[tilespmem:s23], [sflag:$0x4] =	stream.linear.gather [hbm4b:s30+s3], $0x20, $0x38;
	[tilespmem:$0x1A480] =	vst v63  }
.LBB2_7:
0x135: {  	[tilespmem:s31], [sflag:$0x6] =	stream.indirect.gather [hbm4b:s5+s25], $0x100, s19, s25, $0xb8;
	[tilespmem:$0x1A480] =	vst v63  }
0x136: {  	_ =	swait.ge [sflag:s16], $0x2000  }
0x137: {  	[sflag:s16] =	ssyncset.done $0x0  }
0x138: {  	[sflag:s16] =	ssyncadd.s32 $0xFFFFE000  }
0x139: {  	[spmem:s2] =	stream.indirect.scatter.add.f32 [tilespmem:s26], [sflag:$0x7], $0x100, s3, s25, $0xb8;
	[tilespmem:$0x1A480] =	vst v63  }
0x13a: {  	_ =	swait.ge [sflag:s15], $0x2000  }
0x13b: {  	[sflag:s15] =	ssyncset.done $0x0  }
0x13c: {  	[sflag:s15] =	ssyncadd.s32 $0xFFFFE000  }
0x13d: {  	_ =	swait.ge [sflag:s4], $0x2000  }
0x13e: {  	[sflag:s4] =	ssyncset.done $0x0  }
0x13f: {  	[sflag:s4] =	ssyncadd.s32 $0xFFFFE000  }
0x140: {  	[spmem:s2] =	stream.indirect.scatter.add.f32 [tilespmem:s31], [sflag:$0x7], $0x100, s18, s25, $0xb8;
	[tilespmem:$0x1A480] =	vst v63  }
0x141: {  	_ =	swait.ge [sflag:s15], $0x2000  }
0x142: {  	[sflag:s15] =	ssyncset.done $0x0  }
0x143: {  	[sflag:s15] =	ssyncadd.s32 $0xFFFFE000  }
0x144: {  	_ =	swait.ge [sflag:s0], $0x20  }
0x145: {  	[sflag:s0] =	ssyncset.done $0x0  }
0x146: {  	[sflag:s0] =	ssyncadd.s32 $0xFFFFFFE0  }
0x147: {  	_ =	swait.ge [sflag:s0], $0x20  }
0x148: {  	[sflag:s0] =	ssyncset.done $0x0  }
0x149: {  	[sflag:s0] =	ssyncadd.s32 $0xFFFFFFE0  }
0x14a: {  	_ =	swait.ge [sflag:s8], $0x20  }
0x14b: {  	[sflag:s8] =	ssyncset.done $0x0  }
0x14c: {  	[sflag:s8] =	ssyncadd.s32 $0xFFFFFFE0  }
0x14d: {  	_ =	swait.ge [sflag:s8], $0x20  }
0x14e: {  	[sflag:s8] =	ssyncset.done $0x0  }
0x14f: {  	s11 =	simm.s32 $0x400;
	s10 =	rddreg [dreg:$0xd];
	[sflag:s8] =	ssyncadd.s32 $0xFFFFFFE0  }
0x150: {  	[tilespmem:s11], [sflag:$0x7] =	stream.linear.gather [hbm4b:s10+s3], $0x10, $0x38;
	[tilespmem:$0x1A480] =	vst v63  }
0x151: {  	_ =	swait.ge [sflag:s15], $0x10  }
0x152: {  	[sflag:s15] =	ssyncset.done $0x0  }
0x153: {  	[sflag:s15] =	ssyncadd.s32 $0xFFFFFFF0  }
0x154: {  	v1 =	vld [tilespmem:$0x400];
	_ =	sdelay $0x3  }
0x155: {  	s13 =	rddreg [dreg:$0xe]  }
0x156: {  	[tilespmem:s3], [sflag:$0x1] =	stream.linear.gather [hbm4b:s13+s3], $0x20, $0x38;
	(v2sf) =	vpush v1, $0x0;
	[tilespmem:$0x1A480] =	vst v63  }
0x157: {  	s29 =	rddreg [dreg:$0x11]  }
0x158: {  	[tilespmem:s17], [sflag:$0x1] =	stream.linear.gather [hbm4b:s29+s3], $0x20, $0x38;
	[tilespmem:$0x1A480] =	vst v63  }
0x159: {  	s30 =	rddreg [dreg:$0xf]  }
0x15a: {  	[tilespmem:s18], [sflag:$0x2] =	stream.linear.gather [hbm4b:s30+s3], $0x20, $0x38;
	[tilespmem:$0x1A480] =	vst v63  }
0x15b: {  	s11 =	rddreg [dreg:$0x10]  }
0x15c: {  	[tilespmem:s19], [sflag:$0x2] =	stream.linear.gather [hbm4b:s11+s3], $0x20, $0x38;
	[tilespmem:$0x1A480] =	vst v63  }
0x15d: {  	s12 =	rddreg [dreg:$0x12]  }
0x15e: {  	[tilespmem:s20], [sflag:$0x3] =	stream.linear.gather [hbm4b:s12+s3], $0x20, $0x38;
	[tilespmem:$0x1A480] =	vst v63  }
0x15f: {  	s13 =	rddreg [dreg:$0x13]  }
0x160: {  	[tilespmem:s21], [sflag:$0x3] =	stream.linear.gather [hbm4b:s13+s3], $0x20, $0x38;
	[tilespmem:$0x1A480] =	vst v63  }
0x161: {  	s29 =	rddreg [dreg:$0x14]  }
0x162: {  	[tilespmem:s22], [sflag:$0x4] =	stream.linear.gather [hbm4b:s29+s3], $0x20, $0x38;
	[tilespmem:$0x1A480] =	vst v63  }
0x163: {  	s12 =	rddreg [dreg:$0x15]  }
0x164: {  	[tilespmem:s23], [sflag:$0x4] =	stream.linear.gather [hbm4b:s12+s3], $0x20, $0x38;
	[tilespmem:$0x1A480] =	vst v63  }
0x165: {  	s30 =	spop (v2sf)  }
0x166: {  	_ =	swait.ge [sflag:s24], $0x20;
	s13 =	sand.u32 $0x1, s30  }
0x167: {  	p0 =	slt.s32 s30, $0x1;
	[sflag:s24] =	ssyncset.done $0x0;
	p1 =	seq.s32 s13, $0x1  }
0x168: {  	s12 =	simm.s32 $0x1;
	[sflag:s24] =	ssyncadd.s32 $0xFFFFFFE0;
	p0 =	por !p0, !p1  }
0x169: {  	s29 =	sshrl.u32 s30, $0x1F;
	_ =	swait.ge [sflag:s24], $0x20;
	p0 =	por !p0, !p0  }
0x16a: {  	s10 =	sadd.s32 s29, s30;
	[sflag:s24] =	ssyncset.done $0x0;
	s12 =	simm.s32 @!p0 $0x0  }
0x16b: {  	s10 =	sshra.s32 s10, $0x1;
	[sflag:s24] =	ssyncadd.s32 $0xFFFFFFE0;
	s30 =	sxor.u32 $0xFFFFFFFF, s12  }
0x16c: {  	[tilespmem:s26], [sflag:$0x5] =	stream.indirect.gather [hbm4b:s5+s25], $0x100, s17, s25, $0xb8;
	[tilespmem:$0x1A480] =	vst v63  }
0x16d: {  	s10 =	sadd.s32 s10, s30  }
0x16e: {  	_ =	swait.ge [sflag:s28], $0x20;
	p0 =	slt.s32 s10, $0x1  }
.Ltmp6:
0x16f: {  	[sflag:s28] =	ssyncset.done $0x0;
	(pc) =	sbr.rel @p0 .LBB2_11-.Ltmp6, $4  }
0x170: {  	[sflag:s28] =	ssyncadd.s32 $0xFFFFFFE0  }
0x171: {  	_ =	swait.ge [sflag:s28], $0x20  }
0x172: {  	[sflag:s28] =	ssyncset.done $0x0  }
0x173: {  	[sflag:s28] =	ssyncadd.s32 $0xFFFFFFE0  }
0x174: {  	[tilespmem:s31], [sflag:$0x6] =	stream.indirect.gather [hbm4b:s5+s25], $0x100, s19, s25, $0xb8;
	[tilespmem:$0x1A480] =	vst v63  }
0x175: {  	_ =	swait.ge [sflag:s16], $0x2000  }
0x176: {  	[sflag:s16] =	ssyncset.done $0x0  }
0x177: {  	[sflag:s16] =	ssyncadd.s32 $0xFFFFE000  }
0x178: {  	[spmem:s2] =	stream.indirect.scatter.add.f32 [tilespmem:s26], [sflag:$0x7], $0x100, s3, s25, $0xb8;
	[tilespmem:$0x1A480] =	vst v63  }
0x179: {  	_ =	swait.ge [sflag:s15], $0x2000  }
0x17a: {  	[sflag:s15] =	ssyncset.done $0x0  }
0x17b: {  	[sflag:s15] =	ssyncadd.s32 $0xFFFFE000  }
0x17c: {  	_ =	swait.ge [sflag:s0], $0x20  }
0x17d: {  	[sflag:s0] =	ssyncset.done $0x0  }
0x17e: {  	[sflag:s0] =	ssyncadd.s32 $0xFFFFFFE0  }
0x17f: {  	_ =	swait.ge [sflag:s0], $0x20  }
0x180: {  	[sflag:s0] =	ssyncset.done $0x0  }
0x181: {  	[sflag:s0] =	ssyncadd.s32 $0xFFFFFFE0  }
0x182: {  	v1 =	vld [tilespmem:$0x290]  }
0x183: {  	v2 =	vld [tilespmem:$0x200]  }
0x184: {  	v3 =	vld [tilespmem:$0x210]  }
0x185: {  	v4 =	vld [tilespmem:$0x280];
	_ =	sdelay $0x1  }
0x186: {  	s29 =	rddreg [dreg:$0x19];
	[tilespmem:$0x110] =	vst v1  }
0x187: {  	s11 =	sadd.s32 $0xFFFFFFE0, s29;
	[tilespmem:$0x0] =	vst v2  }
0x188: {  	s11 =	sshrl.u32 s11, $0x3;
	[tilespmem:$0x10] =	vst v3  }
0x189: {  	s12 =	sadd.s32 s1, s11;
	[tilespmem:$0x100] =	vst v4  }
0x18a: {  	[tilespmem:s20], [sflag:$0x3] =	stream.linear.gather [hbm4b:s12+s3], $0x20, $0x38;
	[tilespmem:$0x1A480] =	vst v63  }
0x18b: {  	s11 =	sadd.s32 s6, s11  }
0x18c: {  	[tilespmem:s21], [sflag:$0x3] =	stream.linear.gather [hbm4b:s11+s3], $0x20, $0x38;
	[tilespmem:$0x1A480] =	vst v63  }
0x18d: {  	_ = 	snop  }
0x18e: {  	[tilespmem:s26], [sflag:$0x5] =	stream.indirect.gather [hbm4b:s5+s25], $0x100, s17, s25, $0xb8;
	[tilespmem:$0x1A480] =	vst v63  }
0x18f: {  	_ =	swait.ge [sflag:s4], $0x2000  }
0x190: {  	[sflag:s4] =	ssyncset.done $0x0  }
0x191: {  	[sflag:s4] =	ssyncadd.s32 $0xFFFFE000  }
0x192: {  	[spmem:s2] =	stream.indirect.scatter.add.f32 [tilespmem:s31], [sflag:$0x7], $0x100, s18, s25, $0xb8;
	[tilespmem:$0x1A480] =	vst v63  }
0x193: {  	_ =	swait.ge [sflag:s15], $0x2000  }
0x194: {  	[sflag:s15] =	ssyncset.done $0x0  }
0x195: {  	[sflag:s15] =	ssyncadd.s32 $0xFFFFE000  }
0x196: {  	_ =	swait.ge [sflag:s8], $0x20  }
0x197: {  	[sflag:s8] =	ssyncset.done $0x0  }
0x198: {  	[sflag:s8] =	ssyncadd.s32 $0xFFFFFFE0  }
0x199: {  	_ =	swait.ge [sflag:s8], $0x20  }
0x19a: {  	[sflag:s8] =	ssyncset.done $0x0  }
0x19b: {  	p0 =	sne.s32 s10, $0x1;
	[sflag:s8] =	ssyncadd.s32 $0xFFFFFFE0  }
.Ltmp7:
0x19c: {  	v4 =	vld [tilespmem:$0x300];
	(pc) =	sbr.rel @!p0 .LBB2_10-.Ltmp7, $4  }
0x19d: {  	v1 =	vld [tilespmem:$0x390]  }
0x19e: {  	v2 =	vld [tilespmem:$0x380]  }
0x19f: {  	v3 =	vld [tilespmem:$0x310]  }
0x1a0: {  	s11 =	sadd.s32 $0xFFFFFFFF, s10;
	s10 =	sshrl.u32 s29, $0x3  }
.LBB2_9:
0x1a1: {  	p0 =	sne.s32 s11, $0x1;
	s11 =	sadd.s32 $0xFFFFFFFF, s11;
	[tilespmem:$0x80] =	vst v4;
	s29 =	sadd.s32 $0x40, s29  }
0x1a2: {  	s12 =	sshrl.u32 s29, $0x3;
	[tilespmem:$0x190] =	vst v1  }
0x1a3: {  	s13 =	sadd.s32 s1, s10;
	[tilespmem:$0x180] =	vst v2  }
0x1a4: {  	s30 =	sadd.s32 s6, s10;
	s10 =	smov.u32 s12;
	[tilespmem:$0x90] =	vst v3  }
0x1a5: {  	[tilespmem:s22], [sflag:$0x4] =	stream.linear.gather [hbm4b:s13+s3], $0x20, $0x38;
	[tilespmem:$0x1A480] =	vst v63  }
0x1a6: {  	_ = 	snop  }
0x1a7: {  	[tilespmem:s23], [sflag:$0x4] =	stream.linear.gather [hbm4b:s30+s3], $0x20, $0x38;
	[tilespmem:$0x1A480] =	vst v63  }
0x1a8: {  	_ = 	snop  }
0x1a9: {  	[tilespmem:s31], [sflag:$0x6] =	stream.indirect.gather [hbm4b:s5+s25], $0x100, s19, s25, $0xb8;
	[tilespmem:$0x1A480] =	vst v63  }
0x1aa: {  	_ =	swait.ge [sflag:s16], $0x2000  }
0x1ab: {  	[sflag:s16] =	ssyncset.done $0x0  }
0x1ac: {  	[sflag:s16] =	ssyncadd.s32 $0xFFFFE000  }
0x1ad: {  	[spmem:s2] =	stream.indirect.scatter.add.f32 [tilespmem:s26], [sflag:$0x7], $0x100, s3, s25, $0xb8;
	[tilespmem:$0x1A480] =	vst v63  }
0x1ae: {  	_ =	swait.ge [sflag:s15], $0x2000  }
0x1af: {  	[sflag:s15] =	ssyncset.done $0x0  }
0x1b0: {  	[sflag:s15] =	ssyncadd.s32 $0xFFFFE000  }
0x1b1: {  	_ =	swait.ge [sflag:s0], $0x20  }
0x1b2: {  	[sflag:s0] =	ssyncset.done $0x0  }
0x1b3: {  	[sflag:s0] =	ssyncadd.s32 $0xFFFFFFE0  }
0x1b4: {  	_ =	swait.ge [sflag:s0], $0x20  }
0x1b5: {  	[sflag:s0] =	ssyncset.done $0x0  }
0x1b6: {  	[sflag:s0] =	ssyncadd.s32 $0xFFFFFFE0  }
0x1b7: {  	v1 =	vld [tilespmem:$0x290]  }
0x1b8: {  	v2 =	vld [tilespmem:$0x200]  }
0x1b9: {  	v3 =	vld [tilespmem:$0x210]  }
0x1ba: {  	v4 =	vld [tilespmem:$0x280];
	_ =	sdelay $0x1  }
0x1bb: {  	[tilespmem:$0x110] =	vst v1  }
0x1bc: {  	s12 =	sadd.s32 $0xFFFFFFE0, s29;
	[tilespmem:$0x0] =	vst v2  }
0x1bd: {  	s12 =	sshrl.u32 s12, $0x3;
	[tilespmem:$0x10] =	vst v3  }
0x1be: {  	s13 =	sadd.s32 s1, s12;
	[tilespmem:$0x100] =	vst v4  }
0x1bf: {  	[tilespmem:s20], [sflag:$0x3] =	stream.linear.gather [hbm4b:s13+s3], $0x20, $0x38;
	[tilespmem:$0x1A480] =	vst v63  }
0x1c0: {  	s12 =	sadd.s32 s6, s12  }
0x1c1: {  	[tilespmem:s21], [sflag:$0x3] =	stream.linear.gather [hbm4b:s12+s3], $0x20, $0x38;
	[tilespmem:$0x1A480] =	vst v63  }
0x1c2: {  	_ = 	snop  }
0x1c3: {  	[tilespmem:s26], [sflag:$0x5] =	stream.indirect.gather [hbm4b:s5+s25], $0x100, s17, s25, $0xb8;
	[tilespmem:$0x1A480] =	vst v63  }
0x1c4: {  	_ =	swait.ge [sflag:s4], $0x2000  }
0x1c5: {  	[sflag:s4] =	ssyncset.done $0x0  }
0x1c6: {  	[sflag:s4] =	ssyncadd.s32 $0xFFFFE000  }
0x1c7: {  	[spmem:s2] =	stream.indirect.scatter.add.f32 [tilespmem:s31], [sflag:$0x7], $0x100, s18, s25, $0xb8;
	[tilespmem:$0x1A480] =	vst v63  }
0x1c8: {  	_ =	swait.ge [sflag:s15], $0x2000  }
0x1c9: {  	[sflag:s15] =	ssyncset.done $0x0  }
0x1ca: {  	[sflag:s15] =	ssyncadd.s32 $0xFFFFE000  }
0x1cb: {  	_ =	swait.ge [sflag:s8], $0x20  }
0x1cc: {  	[sflag:s8] =	ssyncset.done $0x0  }
0x1cd: {  	[sflag:s8] =	ssyncadd.s32 $0xFFFFFFE0  }
0x1ce: {  	_ =	swait.ge [sflag:s8], $0x20  }
0x1cf: {  	[sflag:s8] =	ssyncset.done $0x0  }
.Ltmp8:
0x1d0: {  	[sflag:s8] =	ssyncadd.s32 $0xFFFFFFE0;
	(pc) =	sbr.rel @p0 .LBB2_9-.Ltmp8, $4  }
0x1d1: {  	v4 =	vld [tilespmem:$0x300]  }
0x1d2: {  	v1 =	vld [tilespmem:$0x390]  }
0x1d3: {  	v2 =	vld [tilespmem:$0x380]  }
0x1d4: {  	v3 =	vld [tilespmem:$0x310]  }
.Ltmp9:
0x1d5: {  	_ = 	snop;
	(pc) =	sbr.rel .LBB2_10-.Ltmp9, $1  }
0x1d6: {  	_ =	sdelay $0x3  }
.LBB2_12:
0x1d7: {  	_ =	sfence.sel $0x180000  }
0x1d8: {  	[bflag:$0x0] =	sbarrier.arrive $0xFFFF  }
0x1d9: {  	_ =	strace $0x9000004A  }
0x1da: {  	s0 =	stileid.u32;
	[bflag:$0x2] =	sbarrier.arrive $0xFFFF  }
0x1db: {  	p0 =	sne.s32 s0, $0x0;
	s0 =	rddreg [dreg:$0x3]  }
0x1dc: {  	s0 =	sadd.s32 @!p0 $0x100000, s0  }
0x1dd: {  	[sflag:s0] =	ssyncadd.tile.s32 @!p0 $0x1;
	_ =	shalt  }
.Lfunc_end2:
_tile_overlayer_lowered:
.L_overlay_start_2:
0x1de: {  	(tag) =	ssettag $0x2  }
0x1df: {  	s0 =	rddreg [dreg:$0x0];
	s2 =	stileid.u32  }
0x1e0: {  	s1 =	rddreg [dreg:$0x1];
	p0 =	sne.s32 s2, $0x0  }
0x1e1: {  	s3 =	rddreg [dreg:$0x2];
	[bflag:$0x3] =	sbarrier.arrive $0xFFFF;
	s2 =	simm.s32 @!p0 $0x1C07  }
0x1e2: {  	[timem:s3], [sflag:s2] =	dma.local @!p0 [hbm:s0], s1  }
0x1e3: {  	s0 =	simm.s32 @!p0 $0x7  }
0x1e4: {  	_ =	swait.ge @!p0 [sflag:s0], s1  }
0x1e5: {  	s1 =	ssub.s32 @!p0 $0x0, s1;
	[sflag:s0] =	ssyncset.done @!p0 $0x0  }
0x1e6: {  	[sflag:s0] =	ssyncadd.s32 @!p0 s1  }
0x1e7: {  	[bflag:$0x3] =	sbarrier.arrive $0xFFFF  }
0x1e8: {  	_ =	shalt  }

</sc_bundles>
